<compile_context>
chip_gen: v7x
topology: tpu7x:2x2x1
jax: 0.10.2.dev20260603
libtpu: 0.0.44.dev20260713+nightly
codegen_flags: <defaults>
</compile_context>

<pallas_src>
import functools

import jax
import jax.numpy as jnp
from jax import lax
from jax.experimental import pallas as pl
from jax.experimental.pallas import tpu as pltpu
from jax.experimental.pallas import tpu_sc as plsc

K_NN = 16
M_BLK = 256
TBL_W = 128

SC_CORES = 2
SC_SUBCORES = 16
SC_WORKERS = SC_CORES * SC_SUBCORES
SC_CHUNK = 128


def _stage_a_body(nblk, n, xyz_ref, xyzT_ref, feat_ref, wqT_ref, wkT_ref,
                  wvT_ref, knn_ref, q_ref, table_ref):
    b = pl.program_id(0)
    xb = xyz_ref[...]
    xT = xyzT_ref[0]
    fb = feat_ref[...]

    mm = jnp.dot(xb, xT, preferred_element_type=jnp.float32)
    rowsq = jnp.sum(xb * xb, axis=1, keepdims=True)
    colsq = jnp.sum(xT * xT, axis=0, keepdims=True)
    d = -2.0 * mm
    d = d + rowsq
    d = d + colsq

    m_rows = d.shape[0]
    ngrp = n // 128
    inf = jnp.float32(jnp.inf)
    big = jnp.int32(1 << 30)
    iota_l = lax.broadcasted_iota(jnp.int32, (m_rows, 128), 1)
    a1 = d[:, 0:128]
    c1 = iota_l
    a2 = jnp.full((m_rows, 128), inf, jnp.float32)
    c2 = jnp.full((m_rows, 128), big, jnp.int32)
    a3 = a2
    c3 = c2
    for s in range(1, ngrp):
        v = d[:, s * 128:(s + 1) * 128]
        cc = iota_l + s * 128
        l1 = v < a1
        l2 = v < a2
        l3 = v < a3
        a3n = jnp.where(l3, jnp.where(l2, a2, v), a3)
        c3n = jnp.where(l3, jnp.where(l2, c2, cc), c3)
        a2n = jnp.where(l2, jnp.where(l1, a1, v), a2)
        c2n = jnp.where(l2, jnp.where(l1, c1, cc), c2)
        a1 = jnp.where(l1, v, a1)
        c1 = jnp.where(l1, cc, c1)
        a2, a3, c2, c3 = a2n, a3n, c2n, c3n
    S = jnp.concatenate([a1, a2, a3], axis=1)
    CCf = jnp.concatenate([c1, c2, c3], axis=1).astype(jnp.float32)
    bigf = jnp.float32(1e9)
    cols = []
    for _ in range(K_NN):
        mn = jnp.min(S, axis=1, keepdims=True)
        colf = jnp.min(jnp.where(S <= mn, CCf, bigf), axis=1, keepdims=True)
        cols.append(colf)
        S = jnp.where(CCf == colf, inf, S)
    knn = jnp.concatenate(cols, axis=1).astype(jnp.int32)
    knn_ref[...] = knn + b * n

    q_ref[...] = jnp.dot(fb, wqT_ref[...], preferred_element_type=jnp.float32)
    kf = jnp.dot(fb, wkT_ref[...], preferred_element_type=jnp.float32)
    v = jnp.dot(fb, wvT_ref[...], preferred_element_type=jnp.float32)
    kfi = lax.bitcast_convert_type(
        kf.astype(jnp.bfloat16), jnp.uint16).astype(jnp.uint32)
    vi = lax.bitcast_convert_type(
        v.astype(jnp.bfloat16), jnp.uint16).astype(jnp.uint32)
    kv = lax.bitcast_convert_type(kfi | (vi << jnp.uint32(16)), jnp.float32)
    table_ref[...] = jnp.concatenate(
        [kv, xb, jnp.zeros((m_rows, 56), jnp.float32)], axis=1)


def _stage_a(xyz2p, xyzTp, feat2, wqT, wkT, wvT, B, N, dim):
    nblk = N // M_BLK
    grid = (B, nblk)
    bn = B * N
    row_spec = lambda w: pl.BlockSpec((M_BLK, w), lambda b, i: (b * nblk + i, 0))
    full2 = lambda a, c: pl.BlockSpec((a, c), lambda b, i: (0, 0))
    return pl.pallas_call(
        functools.partial(_stage_a_body, nblk, N),
        grid=grid,
        in_specs=[
            row_spec(8),
            pl.BlockSpec((1, 8, N), lambda b, i: (b, 0, 0)),
            row_spec(dim),
            full2(dim, dim), full2(dim, dim), full2(dim, dim),
        ],
        out_specs=[
            row_spec(K_NN),
            row_spec(dim),
            row_spec(TBL_W),
        ],
        out_shape=[
            jax.ShapeDtypeStruct((bn, K_NN), jnp.int32),
            jax.ShapeDtypeStruct((bn, dim), jnp.float32),
            jax.ShapeDtypeStruct((bn, TBL_W), jnp.float32),
        ],
    )(xyz2p, xyzTp, feat2, wqT, wkT, wvT)


def _sc_gather(table, idx_flat):
    tot = idx_flat.shape[0]
    per_w = tot // SC_WORKERS
    nch = per_w // SC_CHUNK
    mesh = plsc.VectorSubcoreMesh(core_axis_name="c", subcore_axis_name="s")

    @functools.partial(
        pl.kernel,
        mesh=mesh,
        out_type=jax.ShapeDtypeStruct((tot, TBL_W), jnp.float32),
        scratch_types=[
            pltpu.VMEM((per_w,), jnp.int32),
            pltpu.VMEM((SC_CHUNK, TBL_W), jnp.float32),
            pltpu.VMEM((SC_CHUNK, TBL_W), jnp.float32),
            pltpu.VMEM((SC_CHUNK, TBL_W), jnp.float32),
            pltpu.VMEM((SC_CHUNK, TBL_W), jnp.float32),
            pltpu.SemaphoreType.DMA,
            pltpu.SemaphoreType.DMA,
            pltpu.SemaphoreType.DMA,
            pltpu.SemaphoreType.DMA,
            pltpu.SemaphoreType.DMA,
        ],
    )
    def k(table_hbm, idx_hbm, out_hbm, idx_v,
          bufa, bufb, bufc, bufd, gsem, sa, sb, sc, sd):
        wid = lax.axis_index("s") * SC_CORES + lax.axis_index("c")
        base = wid * per_w
        pltpu.sync_copy(idx_hbm.at[pl.ds(base, per_w)], idx_v)

        def pair(i, c0, b0, s0, c1, b1, s1):
            o0 = pl.multiple_of(c0 * SC_CHUNK, 8)
            o1 = pl.multiple_of(c1 * SC_CHUNK, 8)
            d0 = out_hbm.at[pl.ds(base + o0, SC_CHUNK)]
            d1 = out_hbm.at[pl.ds(base + o1, SC_CHUNK)]

            @pl.when(i > 0)
            def _():
                pltpu.make_async_copy(b0, d0, s0).wait()
                pltpu.make_async_copy(b1, d1, s1).wait()

            h0 = pltpu.async_copy(
                table_hbm.at[idx_v.at[pl.ds(o0, SC_CHUNK)]], b0, gsem)
            h1 = pltpu.async_copy(
                table_hbm.at[idx_v.at[pl.ds(o1, SC_CHUNK)]], b1, gsem)
            h0.wait()
            h1.wait()
            pltpu.async_copy(b0, d0, s0)
            pltpu.async_copy(b1, d1, s1)

        def body(i, carry):
            pair(i, 4 * i, bufa, sa, 4 * i + 1, bufb, sb)
            pair(i, 4 * i + 2, bufc, sc, 4 * i + 3, bufd, sd)
            return carry

        lax.fori_loop(0, nch // 4, body, 0)
        last = (nch // 4 - 1) * 4 * SC_CHUNK
        for t, (b, s) in enumerate(((bufa, sa), (bufb, sb),
                                    (bufc, sc), (bufd, sd))):
            pltpu.make_async_copy(
                b, out_hbm.at[pl.ds(base + last + t * SC_CHUNK, SC_CHUNK)],
                s).wait()

    return k(table, idx_flat)


def _stage_c_body(g_ref, q_ref, xyzp_ref, feat_ref, pw1_ref, pb1_ref,
                  pw2_ref, pb2_ref, aw1_ref, ab1_ref, aw2_ref, ab2_ref,
                  lwT_ref, lb_ref, out_ref):
    m = q_ref.shape[0]
    dim = q_ref.shape[1]
    mk = m * K_NN
    g = g_ref[...]
    kv = lax.bitcast_convert_type(g[:, :, 0:dim], jnp.int32)
    kf = lax.bitcast_convert_type(
        lax.shift_left(kv, jnp.int32(16)), jnp.float32)
    v = lax.bitcast_convert_type(
        lax.bitwise_and(kv, jnp.int32(-65536)), jnp.float32)
    xg = g[:, :, dim:dim + 16]

    xc = xyzp_ref[...]
    bf = jnp.bfloat16
    f32 = jnp.float32
    rel = (xc[None, :, :] - xg).reshape(mk, 16)
    h = jnp.maximum(
        jnp.dot(rel.astype(bf), pw1_ref[...], preferred_element_type=f32)
        + pb1_ref[...], 0.0)
    pos = jnp.dot(h.astype(bf), pw2_ref[...],
                  preferred_element_type=f32) + pb2_ref[...]

    q = q_ref[...]
    pos3 = pos.reshape(K_NN, m, dim)
    a = (q[None, :, :] - kf + pos3).reshape(mk, dim)
    a = jnp.maximum(
        jnp.dot(a.astype(bf), aw1_ref[...], preferred_element_type=f32)
        + ab1_ref[...], 0.0)
    logits = (jnp.dot(a.astype(bf), aw2_ref[...], preferred_element_type=f32)
              + ab2_ref[...]) * (1.0 / jnp.sqrt(jnp.float32(dim)))

    l3 = logits.reshape(K_NN, m, dim)
    mx = jnp.max(l3, axis=0, keepdims=True)
    e = jnp.exp(l3 - mx)
    s = jnp.sum(e, axis=0, keepdims=True)
    attn = e / s
    wv = v + pos3
    o = jnp.sum(attn * wv, axis=0)

    out_ref[...] = (jnp.dot(o, lwT_ref[...], preferred_element_type=jnp.float32)
                    + lb_ref[...]) + feat_ref[...]


def _stage_c(g, q2, xyzp, feat2, pw1, pb1, pw2, pb2, aw1, ab1, aw2, ab2,
             lwT, lb, dim):
    bn = q2.shape[0]
    nblk = bn // M_BLK
    row = lambda w: pl.BlockSpec((M_BLK, w), lambda i: (i, 0))
    weights = (pw1, pb1, pw2, pb2, aw1, ab1, aw2, ab2, lwT, lb)
    wspecs = [pl.BlockSpec(w.shape, lambda i: (0, 0)) for w in weights]
    return pl.pallas_call(
        _stage_c_body,
        grid=(nblk,),
        in_specs=[
            pl.BlockSpec((K_NN, M_BLK, TBL_W), lambda i: (0, i, 0)),
            row(dim), row(16), row(dim),
        ] + wspecs,
        out_specs=row(dim),
        out_shape=jax.ShapeDtypeStruct((bn, dim), jnp.float32),
    )(g, q2, xyzp, feat2, *weights)


def kernel(xyz, feature, Wq, Wk, Wv, pe_w1, pe_b1, pe_w2, pe_b2,
           am_w1, am_b1, am_w2, am_b2, lf_w, lf_b):
    B, N, _ = xyz.shape
    dim = feature.shape[-1]
    bn = B * N

    xyz2 = xyz.reshape(bn, 3)
    xyz2p8 = jnp.pad(xyz2, ((0, 0), (0, 5)))
    xyzTp = jnp.pad(jnp.transpose(xyz, (0, 2, 1)), ((0, 0), (0, 5), (0, 0)))
    feat2 = feature.reshape(bn, dim)
    xyzp16 = jnp.pad(xyz2, ((0, 0), (0, 13)))
    pw1 = jnp.zeros((16, pe_w1.shape[0]), jnp.float32).at[:3, :].set(pe_w1.T)

    pw1b = pw1.astype(jnp.bfloat16)
    pw2b = pe_w2.T.astype(jnp.bfloat16)
    aw1b = am_w1.T.astype(jnp.bfloat16)
    aw2b = am_w2.T.astype(jnp.bfloat16)

    nchain = 2
    hb = B // nchain
    hn = hb * N
    outs = []
    for h in range(nchain):
        r = slice(h * hn, (h + 1) * hn)
        knn, q2, table = _stage_a(
            xyz2p8[r], xyzTp[h * hb:(h + 1) * hb], feat2[r],
            Wq.T, Wk.T, Wv.T, hb, N, dim)
        g = _sc_gather(table, knn.T.reshape(hn * K_NN))
        g = g.reshape(K_NN, hn, TBL_W)
        outs.append(_stage_c(
            g, q2, xyzp16[r], feat2[r],
            pw1b, pe_b1.reshape(1, -1), pw2b, pe_b2.reshape(1, -1),
            aw1b, am_b1.reshape(1, -1), aw2b, am_b2.reshape(1, -1),
            lf_w.T, lf_b.reshape(1, -1), dim))
    return jnp.concatenate(outs, axis=0).reshape(B, N, dim)

# --- scband reference (transcript-rebuilt; emitter-appended) ---
"""Pipeline reference for scband-point-transformer-layer-6442450944537 (READ-ONLY COPY).

The authoritative reference and input builder live on the scoring server;
editing this copy changes nothing except your own understanding.
"""

import jax, jax.numpy as jnp
import numpy as np

K_NEIGHBORS = 16

def setup_inputs(seed: int = 0) -> dict:
    key = jax.random.key(seed)
    ks = jax.random.split(key, 16)
    B, N, dim = 4, 2048, 64
    pos_hid = 64
    attn_hid = dim * 4
    xyz = jax.random.uniform(ks[0], (B, N, 3), dtype=jnp.float32)
    feature = jax.random.normal(ks[1], (B, N, dim), dtype=jnp.float32)
    s = 0.05
    Wq = jax.random.normal(ks[2], (dim, dim), dtype=jnp.float32) * s
    Wk = jax.random.normal(ks[3], (dim, dim), dtype=jnp.float32) * s
    Wv = jax.random.normal(ks[4], (dim, dim), dtype=jnp.float32) * s
    pe_w1 = jax.random.normal(ks[5], (pos_hid, 3), dtype=jnp.float32) * s
    pe_b1 = jnp.zeros((pos_hid,), dtype=jnp.float32)
    pe_w2 = jax.random.normal(ks[6], (dim, pos_hid), dtype=jnp.float32) * s
    pe_b2 = jnp.zeros((dim,), dtype=jnp.float32)
    am_w1 = jax.random.normal(ks[7], (attn_hid, dim), dtype=jnp.float32) * s
    am_b1 = jnp.zeros((attn_hid,), dtype=jnp.float32)
    am_w2 = jax.random.normal(ks[8], (dim, attn_hid), dtype=jnp.float32) * s
    am_b2 = jnp.zeros((dim,), dtype=jnp.float32)
    lf_w = jax.random.normal(ks[9], (dim, dim), dtype=jnp.float32) * s
    lf_b = jnp.zeros((dim,), dtype=jnp.float32)
    return {"xyz": xyz, "feature": feature, "Wq": Wq, "Wk": Wk, "Wv": Wv,
            "pe_w1": pe_w1, "pe_b1": pe_b1, "pe_w2": pe_w2, "pe_b2": pe_b2,
            "am_w1": am_w1, "am_b1": am_b1, "am_w2": am_w2, "am_b2": am_b2,
            "lf_w": lf_w, "lf_b": lf_b}

def _square_distance(src, dst):
    dist = -2.0 * jnp.matmul(src, jnp.transpose(dst, (0, 2, 1)))
    dist = dist + jnp.sum(src ** 2, axis=-1)[:, :, None]
    dist = dist + jnp.sum(dst ** 2, axis=-1)[:, None, :]
    return dist

def _index_points(points, idx):
    B = points.shape[0]
    b_idx = jnp.arange(B)[:, None, None]
    return points[b_idx, idx, :]

def reference(xyz, feature, Wq, Wk, Wv, pe_w1, pe_b1, pe_w2, pe_b2,
              am_w1, am_b1, am_w2, am_b2, lf_w, lf_b):
    dists = _square_distance(xyz, xyz)
    knn_idx = jnp.argsort(dists, axis=-1)[:, :, :K_NEIGHBORS]
    knn_xyz = _index_points(xyz, knn_idx)
    q = (feature @ Wq.T)[:, :, None, :]
    kf = _index_points(feature @ Wk.T, knn_idx)
    v = _index_points(feature @ Wv.T, knn_idx)
    rel = xyz[:, :, None, :] - knn_xyz
    h = jax.nn.relu(rel @ pe_w1.T + pe_b1)
    pos_enc = h @ pe_w2.T + pe_b2
    a = q - kf + pos_enc
    a = jax.nn.relu(a @ am_w1.T + am_b1)
    attn = a @ am_w2.T + am_b2
    dim = kf.shape[-1]
    attn = jax.nn.softmax(attn / jnp.sqrt(jnp.float32(dim)), axis=-2)
    new_feature = jnp.einsum('bmnf,bmnf->bmf', attn, v + pos_enc)
    new_feature = (new_feature @ lf_w.T + lf_b) + feature
    return new_feature

if __name__ == "__main__":
    import jax
    _d = setup_inputs()
    print(jax.jit(kernel)(*tuple(_d.values())))

</pallas_src>

<mosaic_0001>
#map = affine_map<(d0, d1) -> (0, 0)>
#map1 = affine_map<(d0, d1) -> (0)>
module attributes {stable_mosaic.version = 14 : i64} {
  func.func @k(%arg0: i32, %arg1: i32, %arg2: memref<4096x128xf32, #tpu.memory_space<hbm>>, %arg3: memref<65536xi32, #tpu.memory_space<hbm>>, %arg4: memref<65536x128xf32, #tpu.memory_space<hbm>>, %arg5: memref<2048xi32, #tpu.memory_space<vmem>>, %arg6: memref<128x128xf32, #tpu.memory_space<vmem>>, %arg7: memref<128x128xf32, #tpu.memory_space<vmem>>, %arg8: memref<128x128xf32, #tpu.memory_space<vmem>>, %arg9: memref<128x128xf32, #tpu.memory_space<vmem>>, %arg10: memref<!tpu.dma_semaphore, #tpu.memory_space<semaphore_mem>>, %arg11: memref<!tpu.dma_semaphore, #tpu.memory_space<semaphore_mem>>, %arg12: memref<!tpu.dma_semaphore, #tpu.memory_space<semaphore_mem>>, %arg13: memref<!tpu.dma_semaphore, #tpu.memory_space<semaphore_mem>>, %arg14: memref<!tpu.dma_semaphore, #tpu.memory_space<semaphore_mem>>) attributes {dimension_semantics = [#tpu.dimension_semantics<core_parallel>, #tpu.dimension_semantics<subcore_parallel>], iteration_bounds = array<i64: 2, 16>, scalar_prefetch = 0 : i64, scratch_operands = 10 : i64, tpu.core_type = #tpu.core_type<sc_vector_subcore>, window_params = [{transform_indices = #map}, {transform_indices = #map1}, {transform_indices = #map}]} {
    %mul3A = arith.constant 2 : i32
    %mul3A_0 = arith.muli %arg1, %mul3A : i32
    %add3A = arith.addi %mul3A_0, %arg0 : i32
    %mul3A_1 = arith.constant 2048 : i32
    %mul3A_2 = arith.muli %add3A, %mul3A_1 : i32
    "tpu.region"() ({
      %run_scoped3A = tpu.sem_alloc : memref<!tpu.dma_semaphore, #tpu.memory_space<semaphore_mem>>
      %dma_start3A = tpu.memref_slice %arg3[%mul3A_2] : memref<65536xi32, #tpu.memory_space<hbm>> -> memref<2048xi32, #tpu.memory_space<hbm>>
      %dma_start3A_39 = tpu.memref_slice %arg3[%mul3A_2] : memref<65536xi32, #tpu.memory_space<hbm>> -> memref<2048xi32, #tpu.memory_space<hbm>>
      tpu.enqueue_dma source(%dma_start3A_39 : memref<2048xi32, #tpu.memory_space<hbm>>) target(%arg5 : memref<2048xi32, #tpu.memory_space<vmem>>) target_semaphore(%run_scoped3A : memref<!tpu.dma_semaphore, #tpu.memory_space<semaphore_mem>>)
      %dma_wait3A_40 = tpu.memref_slice %arg3[%mul3A_2] : memref<65536xi32, #tpu.memory_space<hbm>> -> memref<2048xi32, #tpu.memory_space<hbm>>
      %dma_wait3A_41 = tpu.memref_slice %arg3[%mul3A_2] : memref<65536xi32, #tpu.memory_space<hbm>> -> memref<2048xi32, #tpu.memory_space<hbm>>
      tpu.wait_dma2 semaphore(%run_scoped3A : memref<!tpu.dma_semaphore, #tpu.memory_space<semaphore_mem>>) src(%dma_wait3A_41 : memref<2048xi32, #tpu.memory_space<hbm>>) dst(%arg5 : memref<2048xi32, #tpu.memory_space<vmem>>)
      tpu.yield
    }) : () -> ()
    %scan3A = arith.constant 0 : i32
    %scan3A_3 = arith.constant 0 : i32
    %scan3A_4 = arith.constant 4 : i32
    %scan3A_5 = arith.addi %scan3A_3, %scan3A_4 : i32
    %scan3A_6 = arith.constant 1 : i32
    scf.for %scan3A_39 = %scan3A_3 to %scan3A_5 step %scan3A_6  : i32 {
      %mul3A_40 = arith.constant 4 : i32
      %mul3A_41 = arith.muli %mul3A_40, %scan3A_39 : i32
      %mul3A_42 = arith.constant 4 : i32
      %mul3A_43 = arith.muli %mul3A_42, %scan3A_39 : i32
      %add3A_44 = arith.constant 1 : i32
      %add3A_45 = arith.addi %mul3A_43, %add3A_44 : i32
      %mul3A_46 = arith.constant 128 : i32
      %mul3A_47 = arith.muli %mul3A_41, %mul3A_46 : i32
      %multiple_of3A = tpu.assume_multiple %mul3A_47, 8 : i32
      %mul3A_48 = arith.constant 128 : i32
      %mul3A_49 = arith.muli %add3A_45, %mul3A_48 : i32
      %multiple_of3A_50 = tpu.assume_multiple %mul3A_49, 8 : i32
      %add3A_51 = arith.addi %mul3A_2, %multiple_of3A : i32
      %add3A_52 = arith.addi %mul3A_2, %multiple_of3A_50 : i32
      %gt3A = arith.constant 0 : i32
      %gt3A_53 = arith.cmpi sgt, %scan3A_39, %gt3A : i32
      %convert_element_type3A = arith.extui %gt3A_53 : i1 to i32
      %cond3A = arith.constant 0 : i32
      %cond3A_54 = arith.cmpi ne, %convert_element_type3A, %cond3A : i32
      scf.if %cond3A_54 {
        %dma_wait3A_123 = arith.constant 0 : i32
        %dma_wait3A_124 = tpu.memref_slice %arg4[%add3A_51, %dma_wait3A_123] : memref<65536x128xf32, #tpu.memory_space<hbm>> -> memref<128x128xf32, #tpu.memory_space<hbm>>
        %dma_wait3A_125 = arith.constant 0 : i32
        %dma_wait3A_126 = tpu.memref_slice %arg4[%add3A_51, %dma_wait3A_125] : memref<65536x128xf32, #tpu.memory_space<hbm>> -> memref<128x128xf32, #tpu.memory_space<hbm>>
        tpu.wait_dma2 semaphore(%arg11 : memref<!tpu.dma_semaphore, #tpu.memory_space<semaphore_mem>>) src(%arg6 : memref<128x128xf32, #tpu.memory_space<vmem>>) dst(%dma_wait3A_126 : memref<128x128xf32, #tpu.memory_space<hbm>>)
        %dma_wait3A_127 = arith.constant 0 : i32
        %dma_wait3A_128 = tpu.memref_slice %arg4[%add3A_52, %dma_wait3A_127] : memref<65536x128xf32, #tpu.memory_space<hbm>> -> memref<128x128xf32, #tpu.memory_space<hbm>>
        %dma_wait3A_129 = arith.constant 0 : i32
        %dma_wait3A_130 = tpu.memref_slice %arg4[%add3A_52, %dma_wait3A_129] : memref<65536x128xf32, #tpu.memory_space<hbm>> -> memref<128x128xf32, #tpu.memory_space<hbm>>
        tpu.wait_dma2 semaphore(%arg12 : memref<!tpu.dma_semaphore, #tpu.memory_space<semaphore_mem>>) src(%arg7 : memref<128x128xf32, #tpu.memory_space<vmem>>) dst(%dma_wait3A_130 : memref<128x128xf32, #tpu.memory_space<hbm>>)
      } else {
      }
      %dma_start3A = tpu.memref_slice %arg5[%multiple_of3A] : memref<2048xi32, #tpu.memory_space<vmem>> -> memref<128xi32, #tpu.memory_space<vmem>>
      %dma_start3A_55 = arith.constant 0 : i32
      %dma_start3A_56 = arith.constant 0 : i32
      %dma_start3A_57 = tpu.memref_slice %arg2[%dma_start3A_55, %dma_start3A_56] : memref<4096x128xf32, #tpu.memory_space<hbm>> -> memref<4096x128xf32, #tpu.memory_space<hbm>>
      tpu.enqueue_indirect_dma source(%dma_start3A_57 : memref<4096x128xf32, #tpu.memory_space<hbm>>) target(%arg6 : memref<128x128xf32, #tpu.memory_space<vmem>>) offsets(%dma_start3A : memref<128xi32, #tpu.memory_space<vmem>>) semaphore(%arg10 : memref<!tpu.dma_semaphore, #tpu.memory_space<semaphore_mem>>)
      %dma_start3A_58 = tpu.memref_slice %arg5[%multiple_of3A_50] : memref<2048xi32, #tpu.memory_space<vmem>> -> memref<128xi32, #tpu.memory_space<vmem>>
      %dma_start3A_59 = arith.constant 0 : i32
      %dma_start3A_60 = arith.constant 0 : i32
      %dma_start3A_61 = tpu.memref_slice %arg2[%dma_start3A_59, %dma_start3A_60] : memref<4096x128xf32, #tpu.memory_space<hbm>> -> memref<4096x128xf32, #tpu.memory_space<hbm>>
      tpu.enqueue_indirect_dma source(%dma_start3A_61 : memref<4096x128xf32, #tpu.memory_space<hbm>>) target(%arg7 : memref<128x128xf32, #tpu.memory_space<vmem>>) offsets(%dma_start3A_58 : memref<128xi32, #tpu.memory_space<vmem>>) semaphore(%arg10 : memref<!tpu.dma_semaphore, #tpu.memory_space<semaphore_mem>>)
      %dma_wait3A_62 = tpu.memref_slice %arg5[%multiple_of3A] : memref<2048xi32, #tpu.memory_space<vmem>> -> memref<128xi32, #tpu.memory_space<vmem>>
      %dma_wait3A_63 = arith.constant 0 : i32
      %dma_wait3A_64 = arith.constant 0 : i32
      %dma_wait3A_65 = tpu.memref_slice %arg2[%dma_wait3A_63, %dma_wait3A_64] : memref<4096x128xf32, #tpu.memory_space<hbm>> -> memref<4096x128xf32, #tpu.memory_space<hbm>>
      tpu.wait_indirect_dma semaphore(%arg10 : memref<!tpu.dma_semaphore, #tpu.memory_space<semaphore_mem>>) src(%dma_wait3A_65 : memref<4096x128xf32, #tpu.memory_space<hbm>>) dst(%arg6 : memref<128x128xf32, #tpu.memory_space<vmem>>)
      %dma_wait3A_66 = tpu.memref_slice %arg5[%multiple_of3A_50] : memref<2048xi32, #tpu.memory_space<vmem>> -> memref<128xi32, #tpu.memory_space<vmem>>
      %dma_wait3A_67 = arith.constant 0 : i32
      %dma_wait3A_68 = arith.constant 0 : i32
      %dma_wait3A_69 = tpu.memref_slice %arg2[%dma_wait3A_67, %dma_wait3A_68] : memref<4096x128xf32, #tpu.memory_space<hbm>> -> memref<4096x128xf32, #tpu.memory_space<hbm>>
      tpu.wait_indirect_dma semaphore(%arg10 : memref<!tpu.dma_semaphore, #tpu.memory_space<semaphore_mem>>) src(%dma_wait3A_69 : memref<4096x128xf32, #tpu.memory_space<hbm>>) dst(%arg7 : memref<128x128xf32, #tpu.memory_space<vmem>>)
      %dma_start3A_70 = arith.constant 0 : i32
      %dma_start3A_71 = tpu.memref_slice %arg4[%add3A_51, %dma_start3A_70] : memref<65536x128xf32, #tpu.memory_space<hbm>> -> memref<128x128xf32, #tpu.memory_space<hbm>>
      %dma_start3A_72 = arith.constant 0 : i32
      %dma_start3A_73 = tpu.memref_slice %arg4[%add3A_51, %dma_start3A_72] : memref<65536x128xf32, #tpu.memory_space<hbm>> -> memref<128x128xf32, #tpu.memory_space<hbm>>
      tpu.enqueue_dma source(%arg6 : memref<128x128xf32, #tpu.memory_space<vmem>>) target(%dma_start3A_73 : memref<128x128xf32, #tpu.memory_space<hbm>>) target_semaphore(%arg11 : memref<!tpu.dma_semaphore, #tpu.memory_space<semaphore_mem>>)
      %dma_start3A_74 = arith.constant 0 : i32
      %dma_start3A_75 = tpu.memref_slice %arg4[%add3A_52, %dma_start3A_74] : memref<65536x128xf32, #tpu.memory_space<hbm>> -> memref<128x128xf32, #tpu.memory_space<hbm>>
      %dma_start3A_76 = arith.constant 0 : i32
      %dma_start3A_77 = tpu.memref_slice %arg4[%add3A_52, %dma_start3A_76] : memref<65536x128xf32, #tpu.memory_space<hbm>> -> memref<128x128xf32, #tpu.memory_space<hbm>>
      tpu.enqueue_dma source(%arg7 : memref<128x128xf32, #tpu.memory_space<vmem>>) target(%dma_start3A_77 : memref<128x128xf32, #tpu.memory_space<hbm>>) target_semaphore(%arg12 : memref<!tpu.dma_semaphore, #tpu.memory_space<semaphore_mem>>)
      %mul3A_78 = arith.constant 4 : i32
      %mul3A_79 = arith.muli %mul3A_78, %scan3A_39 : i32
      %add3A_80 = arith.constant 2 : i32
      %add3A_81 = arith.addi %mul3A_79, %add3A_80 : i32
      %mul3A_82 = arith.constant 4 : i32
      %mul3A_83 = arith.muli %mul3A_82, %scan3A_39 : i32
      %add3A_84 = arith.constant 3 : i32
      %add3A_85 = arith.addi %mul3A_83, %add3A_84 : i32
      %mul3A_86 = arith.constant 128 : i32
      %mul3A_87 = arith.muli %add3A_81, %mul3A_86 : i32
      %multiple_of3A_88 = tpu.assume_multiple %mul3A_87, 8 : i32
      %mul3A_89 = arith.constant 128 : i32
      %mul3A_90 = arith.muli %add3A_85, %mul3A_89 : i32
      %multiple_of3A_91 = tpu.assume_multiple %mul3A_90, 8 : i32
      %add3A_92 = arith.addi %mul3A_2, %multiple_of3A_88 : i32
      %add3A_93 = arith.addi %mul3A_2, %multiple_of3A_91 : i32
      %gt3A_94 = arith.constant 0 : i32
      %gt3A_95 = arith.cmpi sgt, %scan3A_39, %gt3A_94 : i32
      %convert_element_type3A_96 = arith.extui %gt3A_95 : i1 to i32
      %cond3A_97 = arith.constant 0 : i32
      %cond3A_98 = arith.cmpi ne, %convert_element_type3A_96, %cond3A_97 : i32
      scf.if %cond3A_98 {
        %dma_wait3A_123 = arith.constant 0 : i32
        %dma_wait3A_124 = tpu.memref_slice %arg4[%add3A_92, %dma_wait3A_123] : memref<65536x128xf32, #tpu.memory_space<hbm>> -> memref<128x128xf32, #tpu.memory_space<hbm>>
        %dma_wait3A_125 = arith.constant 0 : i32
        %dma_wait3A_126 = tpu.memref_slice %arg4[%add3A_92, %dma_wait3A_125] : memref<65536x128xf32, #tpu.memory_space<hbm>> -> memref<128x128xf32, #tpu.memory_space<hbm>>
        tpu.wait_dma2 semaphore(%arg13 : memref<!tpu.dma_semaphore, #tpu.memory_space<semaphore_mem>>) src(%arg8 : memref<128x128xf32, #tpu.memory_space<vmem>>) dst(%dma_wait3A_126 : memref<128x128xf32, #tpu.memory_space<hbm>>)
        %dma_wait3A_127 = arith.constant 0 : i32
        %dma_wait3A_128 = tpu.memref_slice %arg4[%add3A_93, %dma_wait3A_127] : memref<65536x128xf32, #tpu.memory_space<hbm>> -> memref<128x128xf32, #tpu.memory_space<hbm>>
        %dma_wait3A_129 = arith.constant 0 : i32
        %dma_wait3A_130 = tpu.memref_slice %arg4[%add3A_93, %dma_wait3A_129] : memref<65536x128xf32, #tpu.memory_space<hbm>> -> memref<128x128xf32, #tpu.memory_space<hbm>>
        tpu.wait_dma2 semaphore(%arg14 : memref<!tpu.dma_semaphore, #tpu.memory_space<semaphore_mem>>) src(%arg9 : memref<128x128xf32, #tpu.memory_space<vmem>>) dst(%dma_wait3A_130 : memref<128x128xf32, #tpu.memory_space<hbm>>)
      } else {
      }
      %dma_start3A_99 = tpu.memref_slice %arg5[%multiple_of3A_88] : memref<2048xi32, #tpu.memory_space<vmem>> -> memref<128xi32, #tpu.memory_space<vmem>>
      %dma_start3A_100 = arith.constant 0 : i32
      %dma_start3A_101 = arith.constant 0 : i32
      %dma_start3A_102 = tpu.memref_slice %arg2[%dma_start3A_100, %dma_start3A_101] : memref<4096x128xf32, #tpu.memory_space<hbm>> -> memref<4096x128xf32, #tpu.memory_space<hbm>>
      tpu.enqueue_indirect_dma source(%dma_start3A_102 : memref<4096x128xf32, #tpu.memory_space<hbm>>) target(%arg8 : memref<128x128xf32, #tpu.memory_space<vmem>>) offsets(%dma_start3A_99 : memref<128xi32, #tpu.memory_space<vmem>>) semaphore(%arg10 : memref<!tpu.dma_semaphore, #tpu.memory_space<semaphore_mem>>)
      %dma_start3A_103 = tpu.memref_slice %arg5[%multiple_of3A_91] : memref<2048xi32, #tpu.memory_space<vmem>> -> memref<128xi32, #tpu.memory_space<vmem>>
      %dma_start3A_104 = arith.constant 0 : i32
      %dma_start3A_105 = arith.constant 0 : i32
      %dma_start3A_106 = tpu.memref_slice %arg2[%dma_start3A_104, %dma_start3A_105] : memref<4096x128xf32, #tpu.memory_space<hbm>> -> memref<4096x128xf32, #tpu.memory_space<hbm>>
      tpu.enqueue_indirect_dma source(%dma_start3A_106 : memref<4096x128xf32, #tpu.memory_space<hbm>>) target(%arg9 : memref<128x128xf32, #tpu.memory_space<vmem>>) offsets(%dma_start3A_103 : memref<128xi32, #tpu.memory_space<vmem>>) semaphore(%arg10 : memref<!tpu.dma_semaphore, #tpu.memory_space<semaphore_mem>>)
      %dma_wait3A_107 = tpu.memref_slice %arg5[%multiple_of3A_88] : memref<2048xi32, #tpu.memory_space<vmem>> -> memref<128xi32, #tpu.memory_space<vmem>>
      %dma_wait3A_108 = arith.constant 0 : i32
      %dma_wait3A_109 = arith.constant 0 : i32
      %dma_wait3A_110 = tpu.memref_slice %arg2[%dma_wait3A_108, %dma_wait3A_109] : memref<4096x128xf32, #tpu.memory_space<hbm>> -> memref<4096x128xf32, #tpu.memory_space<hbm>>
      tpu.wait_indirect_dma semaphore(%arg10 : memref<!tpu.dma_semaphore, #tpu.memory_space<semaphore_mem>>) src(%dma_wait3A_110 : memref<4096x128xf32, #tpu.memory_space<hbm>>) dst(%arg8 : memref<128x128xf32, #tpu.memory_space<vmem>>)
      %dma_wait3A_111 = tpu.memref_slice %arg5[%multiple_of3A_91] : memref<2048xi32, #tpu.memory_space<vmem>> -> memref<128xi32, #tpu.memory_space<vmem>>
      %dma_wait3A_112 = arith.constant 0 : i32
      %dma_wait3A_113 = arith.constant 0 : i32
      %dma_wait3A_114 = tpu.memref_slice %arg2[%dma_wait3A_112, %dma_wait3A_113] : memref<4096x128xf32, #tpu.memory_space<hbm>> -> memref<4096x128xf32, #tpu.memory_space<hbm>>
      tpu.wait_indirect_dma semaphore(%arg10 : memref<!tpu.dma_semaphore, #tpu.memory_space<semaphore_mem>>) src(%dma_wait3A_114 : memref<4096x128xf32, #tpu.memory_space<hbm>>) dst(%arg9 : memref<128x128xf32, #tpu.memory_space<vmem>>)
      %dma_start3A_115 = arith.constant 0 : i32
      %dma_start3A_116 = tpu.memref_slice %arg4[%add3A_92, %dma_start3A_115] : memref<65536x128xf32, #tpu.memory_space<hbm>> -> memref<128x128xf32, #tpu.memory_space<hbm>>
      %dma_start3A_117 = arith.constant 0 : i32
      %dma_start3A_118 = tpu.memref_slice %arg4[%add3A_92, %dma_start3A_117] : memref<65536x128xf32, #tpu.memory_space<hbm>> -> memref<128x128xf32, #tpu.memory_space<hbm>>
      tpu.enqueue_dma source(%arg8 : memref<128x128xf32, #tpu.memory_space<vmem>>) target(%dma_start3A_118 : memref<128x128xf32, #tpu.memory_space<hbm>>) target_semaphore(%arg13 : memref<!tpu.dma_semaphore, #tpu.memory_space<semaphore_mem>>)
      %dma_start3A_119 = arith.constant 0 : i32
      %dma_start3A_120 = tpu.memref_slice %arg4[%add3A_93, %dma_start3A_119] : memref<65536x128xf32, #tpu.memory_space<hbm>> -> memref<128x128xf32, #tpu.memory_space<hbm>>
      %dma_start3A_121 = arith.constant 0 : i32
      %dma_start3A_122 = tpu.memref_slice %arg4[%add3A_93, %dma_start3A_121] : memref<65536x128xf32, #tpu.memory_space<hbm>> -> memref<128x128xf32, #tpu.memory_space<hbm>>
      tpu.enqueue_dma source(%arg9 : memref<128x128xf32, #tpu.memory_space<vmem>>) target(%dma_start3A_122 : memref<128x128xf32, #tpu.memory_space<hbm>>) target_semaphore(%arg14 : memref<!tpu.dma_semaphore, #tpu.memory_space<semaphore_mem>>)
    }
    %scan3A_7 = arith.constant 4 : i32
    %add3A_8 = arith.constant 1536 : i32
    %add3A_9 = arith.addi %mul3A_2, %add3A_8 : i32
    %add3A_10 = arith.constant 0 : i32
    %add3A_11 = arith.addi %add3A_9, %add3A_10 : i32
    %dma_wait3A = arith.constant 0 : i32
    %dma_wait3A_12 = tpu.memref_slice %arg4[%add3A_11, %dma_wait3A] : memref<65536x128xf32, #tpu.memory_space<hbm>> -> memref<128x128xf32, #tpu.memory_space<hbm>>
    %dma_wait3A_13 = arith.constant 0 : i32
    %dma_wait3A_14 = tpu.memref_slice %arg4[%add3A_11, %dma_wait3A_13] : memref<65536x128xf32, #tpu.memory_space<hbm>> -> memref<128x128xf32, #tpu.memory_space<hbm>>
    tpu.wait_dma2 semaphore(%arg11 : memref<!tpu.dma_semaphore, #tpu.memory_space<semaphore_mem>>) src(%arg6 : memref<128x128xf32, #tpu.memory_space<vmem>>) dst(%dma_wait3A_14 : memref<128x128xf32, #tpu.memory_space<hbm>>)
    %add3A_15 = arith.constant 1536 : i32
    %add3A_16 = arith.addi %mul3A_2, %add3A_15 : i32
    %add3A_17 = arith.constant 128 : i32
    %add3A_18 = arith.addi %add3A_16, %add3A_17 : i32
    %dma_wait3A_19 = arith.constant 0 : i32
    %dma_wait3A_20 = tpu.memref_slice %arg4[%add3A_18, %dma_wait3A_19] : memref<65536x128xf32, #tpu.memory_space<hbm>> -> memref<128x128xf32, #tpu.memory_space<hbm>>
    %dma_wait3A_21 = arith.constant 0 : i32
    %dma_wait3A_22 = tpu.memref_slice %arg4[%add3A_18, %dma_wait3A_21] : memref<65536x128xf32, #tpu.memory_space<hbm>> -> memref<128x128xf32, #tpu.memory_space<hbm>>
    tpu.wait_dma2 semaphore(%arg12 : memref<!tpu.dma_semaphore, #tpu.memory_space<semaphore_mem>>) src(%arg7 : memref<128x128xf32, #tpu.memory_space<vmem>>) dst(%dma_wait3A_22 : memref<128x128xf32, #tpu.memory_space<hbm>>)
    %add3A_23 = arith.constant 1536 : i32
    %add3A_24 = arith.addi %mul3A_2, %add3A_23 : i32
    %add3A_25 = arith.constant 256 : i32
    %add3A_26 = arith.addi %add3A_24, %add3A_25 : i32
    %dma_wait3A_27 = arith.constant 0 : i32
    %dma_wait3A_28 = tpu.memref_slice %arg4[%add3A_26, %dma_wait3A_27] : memref<65536x128xf32, #tpu.memory_space<hbm>> -> memref<128x128xf32, #tpu.memory_space<hbm>>
    %dma_wait3A_29 = arith.constant 0 : i32
    %dma_wait3A_30 = tpu.memref_slice %arg4[%add3A_26, %dma_wait3A_29] : memref<65536x128xf32, #tpu.memory_space<hbm>> -> memref<128x128xf32, #tpu.memory_space<hbm>>
    tpu.wait_dma2 semaphore(%arg13 : memref<!tpu.dma_semaphore, #tpu.memory_space<semaphore_mem>>) src(%arg8 : memref<128x128xf32, #tpu.memory_space<vmem>>) dst(%dma_wait3A_30 : memref<128x128xf32, #tpu.memory_space<hbm>>)
    %add3A_31 = arith.constant 1536 : i32
    %add3A_32 = arith.addi %mul3A_2, %add3A_31 : i32
    %add3A_33 = arith.constant 384 : i32
    %add3A_34 = arith.addi %add3A_32, %add3A_33 : i32
    %dma_wait3A_35 = arith.constant 0 : i32
    %dma_wait3A_36 = tpu.memref_slice %arg4[%add3A_34, %dma_wait3A_35] : memref<65536x128xf32, #tpu.memory_space<hbm>> -> memref<128x128xf32, #tpu.memory_space<hbm>>
    %dma_wait3A_37 = arith.constant 0 : i32
    %dma_wait3A_38 = tpu.memref_slice %arg4[%add3A_34, %dma_wait3A_37] : memref<65536x128xf32, #tpu.memory_space<hbm>> -> memref<128x128xf32, #tpu.memory_space<hbm>>
    tpu.wait_dma2 semaphore(%arg14 : memref<!tpu.dma_semaphore, #tpu.memory_space<semaphore_mem>>) src(%arg9 : memref<128x128xf32, #tpu.memory_space<vmem>>) dst(%dma_wait3A_38 : memref<128x128xf32, #tpu.memory_space<hbm>>)
    return
  }
}

#map = affine_map<(d0, d1) -> (0, 0)>
#map1 = affine_map<(d0, d1) -> (0)>
module attributes {stable_mosaic.version = 14 : i64} {
  func.func @k(%arg0: i32, %arg1: i32, %arg2: memref<4096x128xf32, #tpu.memory_space<hbm>>, %arg3: memref<65536xi32, #tpu.memory_space<hbm>>, %arg4: memref<65536x128xf32, #tpu.memory_space<hbm>>, %arg5: memref<2048xi32, #tpu.memory_space<vmem>>, %arg6: memref<128x128xf32, #tpu.memory_space<vmem>>, %arg7: memref<128x128xf32, #tpu.memory_space<vmem>>, %arg8: memref<128x128xf32, #tpu.memory_space<vmem>>, %arg9: memref<128x128xf32, #tpu.memory_space<vmem>>, %arg10: memref<!tpu.dma_semaphore, #tpu.memory_space<semaphore_mem>>, %arg11: memref<!tpu.dma_semaphore, #tpu.memory_space<semaphore_mem>>, %arg12: memref<!tpu.dma_semaphore, #tpu.memory_space<semaphore_mem>>, %arg13: memref<!tpu.dma_semaphore, #tpu.memory_space<semaphore_mem>>, %arg14: memref<!tpu.dma_semaphore, #tpu.memory_space<semaphore_mem>>) attributes {dimension_semantics = [#tpu.dimension_semantics<core_parallel>, #tpu.dimension_semantics<subcore_parallel>], iteration_bounds = array<i64: 2, 16>, scalar_prefetch = 0 : i64, scratch_operands = 10 : i64, tpu.core_type = #tpu.core_type<sc_vector_subcore>, window_params = [{transform_indices = #map}, {transform_indices = #map1}, {transform_indices = #map}]} {
    %mul3A = arith.constant 2 : i32
    %mul3A_0 = arith.muli %arg1, %mul3A : i32
    %add3A = arith.addi %mul3A_0, %arg0 : i32
    %mul3A_1 = arith.constant 2048 : i32
    %mul3A_2 = arith.muli %add3A, %mul3A_1 : i32
    "tpu.region"() ({
      %run_scoped3A = tpu.sem_alloc : memref<!tpu.dma_semaphore, #tpu.memory_space<semaphore_mem>>
      %dma_start3A = tpu.memref_slice %arg3[%mul3A_2] : memref<65536xi32, #tpu.memory_space<hbm>> -> memref<2048xi32, #tpu.memory_space<hbm>>
      %dma_start3A_39 = tpu.memref_slice %arg3[%mul3A_2] : memref<65536xi32, #tpu.memory_space<hbm>> -> memref<2048xi32, #tpu.memory_space<hbm>>
      tpu.enqueue_dma source(%dma_start3A_39 : memref<2048xi32, #tpu.memory_space<hbm>>) target(%arg5 : memref<2048xi32, #tpu.memory_space<vmem>>) target_semaphore(%run_scoped3A : memref<!tpu.dma_semaphore, #tpu.memory_space<semaphore_mem>>)
      %dma_wait3A_40 = tpu.memref_slice %arg3[%mul3A_2] : memref<65536xi32, #tpu.memory_space<hbm>> -> memref<2048xi32, #tpu.memory_space<hbm>>
      %dma_wait3A_41 = tpu.memref_slice %arg3[%mul3A_2] : memref<65536xi32, #tpu.memory_space<hbm>> -> memref<2048xi32, #tpu.memory_space<hbm>>
      tpu.wait_dma2 semaphore(%run_scoped3A : memref<!tpu.dma_semaphore, #tpu.memory_space<semaphore_mem>>) src(%dma_wait3A_41 : memref<2048xi32, #tpu.memory_space<hbm>>) dst(%arg5 : memref<2048xi32, #tpu.memory_space<vmem>>)
      tpu.yield
    }) : () -> ()
    %scan3A = arith.constant 0 : i32
    %scan3A_3 = arith.constant 0 : i32
    %scan3A_4 = arith.constant 4 : i32
    %scan3A_5 = arith.addi %scan3A_3, %scan3A_4 : i32
    %scan3A_6 = arith.constant 1 : i32
    scf.for %scan3A_39 = %scan3A_3 to %scan3A_5 step %scan3A_6  : i32 {
      %mul3A_40 = arith.constant 4 : i32
      %mul3A_41 = arith.muli %mul3A_40, %scan3A_39 : i32
      %mul3A_42 = arith.constant 4 : i32
      %mul3A_43 = arith.muli %mul3A_42, %scan3A_39 : i32
      %add3A_44 = arith.constant 1 : i32
      %add3A_45 = arith.addi %mul3A_43, %add3A_44 : i32
      %mul3A_46 = arith.constant 128 : i32
      %mul3A_47 = arith.muli %mul3A_41, %mul3A_46 : i32
      %multiple_of3A = tpu.assume_multiple %mul3A_47, 8 : i32
      %mul3A_48 = arith.constant 128 : i32
      %mul3A_49 = arith.muli %add3A_45, %mul3A_48 : i32
      %multiple_of3A_50 = tpu.assume_multiple %mul3A_49, 8 : i32
      %add3A_51 = arith.addi %mul3A_2, %multiple_of3A : i32
      %add3A_52 = arith.addi %mul3A_2, %multiple_of3A_50 : i32
      %gt3A = arith.constant 0 : i32
      %gt3A_53 = arith.cmpi sgt, %scan3A_39, %gt3A : i32
      %convert_element_type3A = arith.extui %gt3A_53 : i1 to i32
      %cond3A = arith.constant 0 : i32
      %cond3A_54 = arith.cmpi ne, %convert_element_type3A, %cond3A : i32
      scf.if %cond3A_54 {
        %dma_wait3A_123 = arith.constant 0 : i32
        %dma_wait3A_124 = tpu.memref_slice %arg4[%add3A_51, %dma_wait3A_123] : memref<65536x128xf32, #tpu.memory_space<hbm>> -> memref<128x128xf32, #tpu.memory_space<hbm>>
        %dma_wait3A_125 = arith.constant 0 : i32
        %dma_wait3A_126 = tpu.memref_slice %arg4[%add3A_51, %dma_wait3A_125] : memref<65536x128xf32, #tpu.memory_space<hbm>> -> memref<128x128xf32, #tpu.memory_space<hbm>>
        tpu.wait_dma2 semaphore(%arg11 : memref<!tpu.dma_semaphore, #tpu.memory_space<semaphore_mem>>) src(%arg6 : memref<128x128xf32, #tpu.memory_space<vmem>>) dst(%dma_wait3A_126 : memref<128x128xf32, #tpu.memory_space<hbm>>)
        %dma_wait3A_127 = arith.constant 0 : i32
        %dma_wait3A_128 = tpu.memref_slice %arg4[%add3A_52, %dma_wait3A_127] : memref<65536x128xf32, #tpu.memory_space<hbm>> -> memref<128x128xf32, #tpu.memory_space<hbm>>
        %dma_wait3A_129 = arith.constant 0 : i32
        %dma_wait3A_130 = tpu.memref_slice %arg4[%add3A_52, %dma_wait3A_129] : memref<65536x128xf32, #tpu.memory_space<hbm>> -> memref<128x128xf32, #tpu.memory_space<hbm>>
        tpu.wait_dma2 semaphore(%arg12 : memref<!tpu.dma_semaphore, #tpu.memory_space<semaphore_mem>>) src(%arg7 : memref<128x128xf32, #tpu.memory_space<vmem>>) dst(%dma_wait3A_130 : memref<128x128xf32, #tpu.memory_space<hbm>>)
      } else {
      }
      %dma_start3A = tpu.memref_slice %arg5[%multiple_of3A] : memref<2048xi32, #tpu.memory_space<vmem>> -> memref<128xi32, #tpu.memory_space<vmem>>
      %dma_start3A_55 = arith.constant 0 : i32
      %dma_start3A_56 = arith.constant 0 : i32
      %dma_start3A_57 = tpu.memref_slice %arg2[%dma_start3A_55, %dma_start3A_56] : memref<4096x128xf32, #tpu.memory_space<hbm>> -> memref<4096x128xf32, #tpu.memory_space<hbm>>
      tpu.enqueue_indirect_dma source(%dma_start3A_57 : memref<4096x128xf32, #tpu.memory_space<hbm>>) target(%arg6 : memref<128x128xf32, #tpu.memory_space<vmem>>) offsets(%dma_start3A : memref<128xi32, #tpu.memory_space<vmem>>) semaphore(%arg10 : memref<!tpu.dma_semaphore, #tpu.memory_space<semaphore_mem>>)
      %dma_start3A_58 = tpu.memref_slice %arg5[%multiple_of3A_50] : memref<2048xi32, #tpu.memory_space<vmem>> -> memref<128xi32, #tpu.memory_space<vmem>>
      %dma_start3A_59 = arith.constant 0 : i32
      %dma_start3A_60 = arith.constant 0 : i32
      %dma_start3A_61 = tpu.memref_slice %arg2[%dma_start3A_59, %dma_start3A_60] : memref<4096x128xf32, #tpu.memory_space<hbm>> -> memref<4096x128xf32, #tpu.memory_space<hbm>>
      tpu.enqueue_indirect_dma source(%dma_start3A_61 : memref<4096x128xf32, #tpu.memory_space<hbm>>) target(%arg7 : memref<128x128xf32, #tpu.memory_space<vmem>>) offsets(%dma_start3A_58 : memref<128xi32, #tpu.memory_space<vmem>>) semaphore(%arg10 : memref<!tpu.dma_semaphore, #tpu.memory_space<semaphore_mem>>)
      %dma_wait3A_62 = tpu.memref_slice %arg5[%multiple_of3A] : memref<2048xi32, #tpu.memory_space<vmem>> -> memref<128xi32, #tpu.memory_space<vmem>>
      %dma_wait3A_63 = arith.constant 0 : i32
      %dma_wait3A_64 = arith.constant 0 : i32
      %dma_wait3A_65 = tpu.memref_slice %arg2[%dma_wait3A_63, %dma_wait3A_64] : memref<4096x128xf32, #tpu.memory_space<hbm>> -> memref<4096x128xf32, #tpu.memory_space<hbm>>
      tpu.wait_indirect_dma semaphore(%arg10 : memref<!tpu.dma_semaphore, #tpu.memory_space<semaphore_mem>>) src(%dma_wait3A_65 : memref<4096x128xf32, #tpu.memory_space<hbm>>) dst(%arg6 : memref<128x128xf32, #tpu.memory_space<vmem>>)
      %dma_wait3A_66 = tpu.memref_slice %arg5[%multiple_of3A_50] : memref<2048xi32, #tpu.memory_space<vmem>> -> memref<128xi32, #tpu.memory_space<vmem>>
      %dma_wait3A_67 = arith.constant 0 : i32
      %dma_wait3A_68 = arith.constant 0 : i32
      %dma_wait3A_69 = tpu.memref_slice %arg2[%dma_wait3A_67, %dma_wait3A_68] : memref<4096x128xf32, #tpu.memory_space<hbm>> -> memref<4096x128xf32, #tpu.memory_space<hbm>>
      tpu.wait_indirect_dma semaphore(%arg10 : memref<!tpu.dma_semaphore, #tpu.memory_space<semaphore_mem>>) src(%dma_wait3A_69 : memref<4096x128xf32, #tpu.memory_space<hbm>>) dst(%arg7 : memref<128x128xf32, #tpu.memory_space<vmem>>)
      %dma_start3A_70 = arith.constant 0 : i32
      %dma_start3A_71 = tpu.memref_slice %arg4[%add3A_51, %dma_start3A_70] : memref<65536x128xf32, #tpu.memory_space<hbm>> -> memref<128x128xf32, #tpu.memory_space<hbm>>
      %dma_start3A_72 = arith.constant 0 : i32
      %dma_start3A_73 = tpu.memref_slice %arg4[%add3A_51, %dma_start3A_72] : memref<65536x128xf32, #tpu.memory_space<hbm>> -> memref<128x128xf32, #tpu.memory_space<hbm>>
      tpu.enqueue_dma source(%arg6 : memref<128x128xf32, #tpu.memory_space<vmem>>) target(%dma_start3A_73 : memref<128x128xf32, #tpu.memory_space<hbm>>) target_semaphore(%arg11 : memref<!tpu.dma_semaphore, #tpu.memory_space<semaphore_mem>>)
      %dma_start3A_74 = arith.constant 0 : i32
      %dma_start3A_75 = tpu.memref_slice %arg4[%add3A_52, %dma_start3A_74] : memref<65536x128xf32, #tpu.memory_space<hbm>> -> memref<128x128xf32, #tpu.memory_space<hbm>>
      %dma_start3A_76 = arith.constant 0 : i32
      %dma_start3A_77 = tpu.memref_slice %arg4[%add3A_52, %dma_start3A_76] : memref<65536x128xf32, #tpu.memory_space<hbm>> -> memref<128x128xf32, #tpu.memory_space<hbm>>
      tpu.enqueue_dma source(%arg7 : memref<128x128xf32, #tpu.memory_space<vmem>>) target(%dma_start3A_77 : memref<128x128xf32, #tpu.memory_space<hbm>>) target_semaphore(%arg12 : memref<!tpu.dma_semaphore, #tpu.memory_space<semaphore_mem>>)
      %mul3A_78 = arith.constant 4 : i32
      %mul3A_79 = arith.muli %mul3A_78, %scan3A_39 : i32
      %add3A_80 = arith.constant 2 : i32
      %add3A_81 = arith.addi %mul3A_79, %add3A_80 : i32
      %mul3A_82 = arith.constant 4 : i32
      %mul3A_83 = arith.muli %mul3A_82, %scan3A_39 : i32
      %add3A_84 = arith.constant 3 : i32
      %add3A_85 = arith.addi %mul3A_83, %add3A_84 : i32
      %mul3A_86 = arith.constant 128 : i32
      %mul3A_87 = arith.muli %add3A_81, %mul3A_86 : i32
      %multiple_of3A_88 = tpu.assume_multiple %mul3A_87, 8 : i32
      %mul3A_89 = arith.constant 128 : i32
      %mul3A_90 = arith.muli %add3A_85, %mul3A_89 : i32
      %multiple_of3A_91 = tpu.assume_multiple %mul3A_90, 8 : i32
      %add3A_92 = arith.addi %mul3A_2, %multiple_of3A_88 : i32
      %add3A_93 = arith.addi %mul3A_2, %multiple_of3A_91 : i32
      %gt3A_94 = arith.constant 0 : i32
      %gt3A_95 = arith.cmpi sgt, %scan3A_39, %gt3A_94 : i32
      %convert_element_type3A_96 = arith.extui %gt3A_95 : i1 to i32
      %cond3A_97 = arith.constant 0 : i32
      %cond3A_98 = arith.cmpi ne, %convert_element_type3A_96, %cond3A_97 : i32
      scf.if %cond3A_98 {
        %dma_wait3A_123 = arith.constant 0 : i32
        %dma_wait3A_124 = tpu.memref_slice %arg4[%add3A_92, %dma_wait3A_123] : memref<65536x128xf32, #tpu.memory_space<hbm>> -> memref<128x128xf32, #tpu.memory_space<hbm>>
        %dma_wait3A_125 = arith.constant 0 : i32
        %dma_wait3A_126 = tpu.memref_slice %arg4[%add3A_92, %dma_wait3A_125] : memref<65536x128xf32, #tpu.memory_space<hbm>> -> memref<128x128xf32, #tpu.memory_space<hbm>>
        tpu.wait_dma2 semaphore(%arg13 : memref<!tpu.dma_semaphore, #tpu.memory_space<semaphore_mem>>) src(%arg8 : memref<128x128xf32, #tpu.memory_space<vmem>>) dst(%dma_wait3A_126 : memref<128x128xf32, #tpu.memory_space<hbm>>)
        %dma_wait3A_127 = arith.constant 0 : i32
        %dma_wait3A_128 = tpu.memref_slice %arg4[%add3A_93, %dma_wait3A_127] : memref<65536x128xf32, #tpu.memory_space<hbm>> -> memref<128x128xf32, #tpu.memory_space<hbm>>
        %dma_wait3A_129 = arith.constant 0 : i32
        %dma_wait3A_130 = tpu.memref_slice %arg4[%add3A_93, %dma_wait3A_129] : memref<65536x128xf32, #tpu.memory_space<hbm>> -> memref<128x128xf32, #tpu.memory_space<hbm>>
        tpu.wait_dma2 semaphore(%arg14 : memref<!tpu.dma_semaphore, #tpu.memory_space<semaphore_mem>>) src(%arg9 : memref<128x128xf32, #tpu.memory_space<vmem>>) dst(%dma_wait3A_130 : memref<128x128xf32, #tpu.memory_space<hbm>>)
      } else {
      }
      %dma_start3A_99 = tpu.memref_slice %arg5[%multiple_of3A_88] : memref<2048xi32, #tpu.memory_space<vmem>> -> memref<128xi32, #tpu.memory_space<vmem>>
      %dma_start3A_100 = arith.constant 0 : i32
      %dma_start3A_101 = arith.constant 0 : i32
      %dma_start3A_102 = tpu.memref_slice %arg2[%dma_start3A_100, %dma_start3A_101] : memref<4096x128xf32, #tpu.memory_space<hbm>> -> memref<4096x128xf32, #tpu.memory_space<hbm>>
      tpu.enqueue_indirect_dma source(%dma_start3A_102 : memref<4096x128xf32, #tpu.memory_space<hbm>>) target(%arg8 : memref<128x128xf32, #tpu.memory_space<vmem>>) offsets(%dma_start3A_99 : memref<128xi32, #tpu.memory_space<vmem>>) semaphore(%arg10 : memref<!tpu.dma_semaphore, #tpu.memory_space<semaphore_mem>>)
      %dma_start3A_103 = tpu.memref_slice %arg5[%multiple_of3A_91] : memref<2048xi32, #tpu.memory_space<vmem>> -> memref<128xi32, #tpu.memory_space<vmem>>
      %dma_start3A_104 = arith.constant 0 : i32
      %dma_start3A_105 = arith.constant 0 : i32
      %dma_start3A_106 = tpu.memref_slice %arg2[%dma_start3A_104, %dma_start3A_105] : memref<4096x128xf32, #tpu.memory_space<hbm>> -> memref<4096x128xf32, #tpu.memory_space<hbm>>
      tpu.enqueue_indirect_dma source(%dma_start3A_106 : memref<4096x128xf32, #tpu.memory_space<hbm>>) target(%arg9 : memref<128x128xf32, #tpu.memory_space<vmem>>) offsets(%dma_start3A_103 : memref<128xi32, #tpu.memory_space<vmem>>) semaphore(%arg10 : memref<!tpu.dma_semaphore, #tpu.memory_space<semaphore_mem>>)
      %dma_wait3A_107 = tpu.memref_slice %arg5[%multiple_of3A_88] : memref<2048xi32, #tpu.memory_space<vmem>> -> memref<128xi32, #tpu.memory_space<vmem>>
      %dma_wait3A_108 = arith.constant 0 : i32
      %dma_wait3A_109 = arith.constant 0 : i32
      %dma_wait3A_110 = tpu.memref_slice %arg2[%dma_wait3A_108, %dma_wait3A_109] : memref<4096x128xf32, #tpu.memory_space<hbm>> -> memref<4096x128xf32, #tpu.memory_space<hbm>>
      tpu.wait_indirect_dma semaphore(%arg10 : memref<!tpu.dma_semaphore, #tpu.memory_space<semaphore_mem>>) src(%dma_wait3A_110 : memref<4096x128xf32, #tpu.memory_space<hbm>>) dst(%arg8 : memref<128x128xf32, #tpu.memory_space<vmem>>)
      %dma_wait3A_111 = tpu.memref_slice %arg5[%multiple_of3A_91] : memref<2048xi32, #tpu.memory_space<vmem>> -> memref<128xi32, #tpu.memory_space<vmem>>
      %dma_wait3A_112 = arith.constant 0 : i32
      %dma_wait3A_113 = arith.constant 0 : i32
      %dma_wait3A_114 = tpu.memref_slice %arg2[%dma_wait3A_112, %dma_wait3A_113] : memref<4096x128xf32, #tpu.memory_space<hbm>> -> memref<4096x128xf32, #tpu.memory_space<hbm>>
      tpu.wait_indirect_dma semaphore(%arg10 : memref<!tpu.dma_semaphore, #tpu.memory_space<semaphore_mem>>) src(%dma_wait3A_114 : memref<4096x128xf32, #tpu.memory_space<hbm>>) dst(%arg9 : memref<128x128xf32, #tpu.memory_space<vmem>>)
      %dma_start3A_115 = arith.constant 0 : i32
      %dma_start3A_116 = tpu.memref_slice %arg4[%add3A_92, %dma_start3A_115] : memref<65536x128xf32, #tpu.memory_space<hbm>> -> memref<128x128xf32, #tpu.memory_space<hbm>>
      %dma_start3A_117 = arith.constant 0 : i32
      %dma_start3A_118 = tpu.memref_slice %arg4[%add3A_92, %dma_start3A_117] : memref<65536x128xf32, #tpu.memory_space<hbm>> -> memref<128x128xf32, #tpu.memory_space<hbm>>
      tpu.enqueue_dma source(%arg8 : memref<128x128xf32, #tpu.memory_space<vmem>>) target(%dma_start3A_118 : memref<128x128xf32, #tpu.memory_space<hbm>>) target_semaphore(%arg13 : memref<!tpu.dma_semaphore, #tpu.memory_space<semaphore_mem>>)
      %dma_start3A_119 = arith.constant 0 : i32
      %dma_start3A_120 = tpu.memref_slice %arg4[%add3A_93, %dma_start3A_119] : memref<65536x128xf32, #tpu.memory_space<hbm>> -> memref<128x128xf32, #tpu.memory_space<hbm>>
      %dma_start3A_121 = arith.constant 0 : i32
      %dma_start3A_122 = tpu.memref_slice %arg4[%add3A_93, %dma_start3A_121] : memref<65536x128xf32, #tpu.memory_space<hbm>> -> memref<128x128xf32, #tpu.memory_space<hbm>>
      tpu.enqueue_dma source(%arg9 : memref<128x128xf32, #tpu.memory_space<vmem>>) target(%dma_start3A_122 : memref<128x128xf32, #tpu.memory_space<hbm>>) target_semaphore(%arg14 : memref<!tpu.dma_semaphore, #tpu.memory_space<semaphore_mem>>)
    }
    %scan3A_7 = arith.constant 4 : i32
    %add3A_8 = arith.constant 1536 : i32
    %add3A_9 = arith.addi %mul3A_2, %add3A_8 : i32
    %add3A_10 = arith.constant 0 : i32
    %add3A_11 = arith.addi %add3A_9, %add3A_10 : i32
    %dma_wait3A = arith.constant 0 : i32
    %dma_wait3A_12 = tpu.memref_slice %arg4[%add3A_11, %dma_wait3A] : memref<65536x128xf32, #tpu.memory_space<hbm>> -> memref<128x128xf32, #tpu.memory_space<hbm>>
    %dma_wait3A_13 = arith.constant 0 : i32
    %dma_wait3A_14 = tpu.memref_slice %arg4[%add3A_11, %dma_wait3A_13] : memref<65536x128xf32, #tpu.memory_space<hbm>> -> memref<128x128xf32, #tpu.memory_space<hbm>>
    tpu.wait_dma2 semaphore(%arg11 : memref<!tpu.dma_semaphore, #tpu.memory_space<semaphore_mem>>) src(%arg6 : memref<128x128xf32, #tpu.memory_space<vmem>>) dst(%dma_wait3A_14 : memref<128x128xf32, #tpu.memory_space<hbm>>)
    %add3A_15 = arith.constant 1536 : i32
    %add3A_16 = arith.addi %mul3A_2, %add3A_15 : i32
    %add3A_17 = arith.constant 128 : i32
    %add3A_18 = arith.addi %add3A_16, %add3A_17 : i32
    %dma_wait3A_19 = arith.constant 0 : i32
    %dma_wait3A_20 = tpu.memref_slice %arg4[%add3A_18, %dma_wait3A_19] : memref<65536x128xf32, #tpu.memory_space<hbm>> -> memref<128x128xf32, #tpu.memory_space<hbm>>
    %dma_wait3A_21 = arith.constant 0 : i32
    %dma_wait3A_22 = tpu.memref_slice %arg4[%add3A_18, %dma_wait3A_21] : memref<65536x128xf32, #tpu.memory_space<hbm>> -> memref<128x128xf32, #tpu.memory_space<hbm>>
    tpu.wait_dma2 semaphore(%arg12 : memref<!tpu.dma_semaphore, #tpu.memory_space<semaphore_mem>>) src(%arg7 : memref<128x128xf32, #tpu.memory_space<vmem>>) dst(%dma_wait3A_22 : memref<128x128xf32, #tpu.memory_space<hbm>>)
    %add3A_23 = arith.constant 1536 : i32
    %add3A_24 = arith.addi %mul3A_2, %add3A_23 : i32
    %add3A_25 = arith.constant 256 : i32
    %add3A_26 = arith.addi %add3A_24, %add3A_25 : i32
    %dma_wait3A_27 = arith.constant 0 : i32
    %dma_wait3A_28 = tpu.memref_slice %arg4[%add3A_26, %dma_wait3A_27] : memref<65536x128xf32, #tpu.memory_space<hbm>> -> memref<128x128xf32, #tpu.memory_space<hbm>>
    %dma_wait3A_29 = arith.constant 0 : i32
    %dma_wait3A_30 = tpu.memref_slice %arg4[%add3A_26, %dma_wait3A_29] : memref<65536x128xf32, #tpu.memory_space<hbm>> -> memref<128x128xf32, #tpu.memory_space<hbm>>
    tpu.wait_dma2 semaphore(%arg13 : memref<!tpu.dma_semaphore, #tpu.memory_space<semaphore_mem>>) src(%arg8 : memref<128x128xf32, #tpu.memory_space<vmem>>) dst(%dma_wait3A_30 : memref<128x128xf32, #tpu.memory_space<hbm>>)
    %add3A_31 = arith.constant 1536 : i32
    %add3A_32 = arith.addi %mul3A_2, %add3A_31 : i32
    %add3A_33 = arith.constant 384 : i32
    %add3A_34 = arith.addi %add3A_32, %add3A_33 : i32
    %dma_wait3A_35 = arith.constant 0 : i32
    %dma_wait3A_36 = tpu.memref_slice %arg4[%add3A_34, %dma_wait3A_35] : memref<65536x128xf32, #tpu.memory_space<hbm>> -> memref<128x128xf32, #tpu.memory_space<hbm>>
    %dma_wait3A_37 = arith.constant 0 : i32
    %dma_wait3A_38 = tpu.memref_slice %arg4[%add3A_34, %dma_wait3A_37] : memref<65536x128xf32, #tpu.memory_space<hbm>> -> memref<128x128xf32, #tpu.memory_space<hbm>>
    tpu.wait_dma2 semaphore(%arg14 : memref<!tpu.dma_semaphore, #tpu.memory_space<semaphore_mem>>) src(%arg9 : memref<128x128xf32, #tpu.memory_space<vmem>>) dst(%dma_wait3A_38 : memref<128x128xf32, #tpu.memory_space<hbm>>)
    return
  }
}

module attributes {stable_mosaic.version = 14 : i64} {
  func.func @_stage_a_body(%arg0: i32, %arg1: i32, %arg2: memref<256x8xf32, #tpu.memory_space<vmem>>, %arg3: memref<1x8x2048xf32, #tpu.memory_space<vmem>>, %arg4: memref<256x64xf32, #tpu.memory_space<vmem>>, %arg5: memref<64x64xf32, #tpu.memory_space<vmem>>, %arg6: memref<64x64xf32, #tpu.memory_space<vmem>>, %arg7: memref<64x64xf32, #tpu.memory_space<vmem>>, %arg8: memref<256x16xi32, #tpu.memory_space<vmem>>, %arg9: memref<256x64xf32, #tpu.memory_space<vmem>>, %arg10: memref<256x128xf32, #tpu.memory_space<vmem>>) attributes {dimension_semantics = [#tpu.dimension_semantics<arbitrary>, #tpu.dimension_semantics<arbitrary>], iteration_bounds = array<i64: 2, 8>, scalar_prefetch = 0 : i64, scratch_operands = 0 : i64, tpu.core_type = #tpu.core_type<tc>, window_params = [{transform_indices = @transform_0, window_bounds = array<i64: 256, 8>}, {transform_indices = @transform_1, window_bounds = array<i64: 1, 8, 2048>}, {transform_indices = @transform_2, window_bounds = array<i64: 256, 64>}, {pipeline_mode = #tpu.pipeline_mode<synchronous>, transform_indices = @transform_3, window_bounds = array<i64: 64, 64>}, {pipeline_mode = #tpu.pipeline_mode<synchronous>, transform_indices = @transform_4, window_bounds = array<i64: 64, 64>}, {pipeline_mode = #tpu.pipeline_mode<synchronous>, transform_indices = @transform_5, window_bounds = array<i64: 64, 64>}, {transform_indices = @transform_6, window_bounds = array<i64: 256, 16>}, {transform_indices = @transform_7, window_bounds = array<i64: 256, 64>}, {transform_indices = @transform_8, window_bounds = array<i64: 256, 128>}]} {
    %get3A = arith.constant 0 : index
    %get3A_0 = arith.constant 0 : index
    %get3A_1 = vector.load %arg2[%get3A, %get3A_0] : memref<256x8xf32, #tpu.memory_space<vmem>>, vector<256x8xf32>
    %get3A_2 = arith.constant 0 : index
    %get3A_3 = arith.constant 0 : index
    %get3A_4 = arith.constant 0 : index
    %get3A_5 = vector.load %arg3[%get3A_2, %get3A_3, %get3A_4] : memref<1x8x2048xf32, #tpu.memory_space<vmem>>, vector<1x8x2048xf32>
    %get3A_6 = vector.shape_cast %get3A_5 : vector<1x8x2048xf32> to vector<8x2048xf32>
    %get3A_7 = arith.constant 0 : index
    %get3A_8 = arith.constant 0 : index
    %get3A_9 = vector.load %arg4[%get3A_7, %get3A_8] : memref<256x64xf32, #tpu.memory_space<vmem>>, vector<256x64xf32>
    %dot_general3A = arith.constant dense<0.000000e+00> : vector<256x2048xf32>
    %dot_general3A_10 = tpu.matmul %get3A_1, %get3A_6, %dot_general3A {dimension_numbers = #tpu.dot_dimension_numbers<[1], [0], [0], [1], [0, 0, 1, 1], [], []>, transpose_lhs_hint = false} : vector<256x8xf32>, vector<8x2048xf32>, vector<256x2048xf32> -> vector<256x2048xf32>
    %mul3A = arith.mulf %get3A_1, %get3A_1 : vector<256x8xf32>
    %reduce_sum3A = arith.constant dense<0.000000e+00> : vector<256xf32>
    %reduce_sum3A_11 = vector.multi_reduction <add>, %mul3A, %reduce_sum3A [1] : vector<256x8xf32> to vector<256xf32>
    %broadcast_in_dim3A = vector.shape_cast %reduce_sum3A_11 : vector<256xf32> to vector<256x1xf32>
    %mul3A_12 = arith.mulf %get3A_6, %get3A_6 : vector<8x2048xf32>
    %reduce_sum3A_13 = arith.constant dense<0.000000e+00> : vector<2048xf32>
    %reduce_sum3A_14 = vector.multi_reduction <add>, %mul3A_12, %reduce_sum3A_13 [0] : vector<8x2048xf32> to vector<2048xf32>
    %broadcast_in_dim3A_15 = vector.shape_cast %reduce_sum3A_14 : vector<2048xf32> to vector<1x2048xf32>
    %mul3A_16 = arith.constant -2.000000e+00 : f32
    %mul3A_17 = vector.broadcast %mul3A_16 : f32 to vector<256x2048xf32>
    %mul3A_18 = arith.mulf %mul3A_17, %dot_general3A_10 : vector<256x2048xf32>
    %add3A = vector.broadcast %broadcast_in_dim3A : vector<256x1xf32> to vector<256x2048xf32>
    %add3A_19 = arith.addf %mul3A_18, %add3A : vector<256x2048xf32>
    %add3A_20 = vector.broadcast %broadcast_in_dim3A_15 : vector<1x2048xf32> to vector<256x2048xf32>
    %add3A_21 = arith.addf %add3A_19, %add3A_20 : vector<256x2048xf32>
    %iota3A = tpu.iota {dimensions = array<i32: 1>} : vector<256x128xi32>
    %slice3A = vector.extract_strided_slice %add3A_21 {offsets = [0, 0], sizes = [256, 128], strides = [1, 1]} : vector<256x2048xf32> to vector<256x128xf32>
    %broadcast_in_dim3A_22 = arith.constant 0x7F800000 : f32
    %broadcast_in_dim3A_23 = vector.broadcast %broadcast_in_dim3A_22 : f32 to vector<256x128xf32>
    %broadcast_in_dim3A_24 = arith.constant 1073741824 : i32
    %broadcast_in_dim3A_25 = vector.broadcast %broadcast_in_dim3A_24 : i32 to vector<256x128xi32>
    %slice3A_26 = vector.extract_strided_slice %add3A_21 {offsets = [0, 128], sizes = [256, 128], strides = [1, 1]} : vector<256x2048xf32> to vector<256x128xf32>
    %add3A_27 = arith.constant 128 : i32
    %add3A_28 = vector.broadcast %add3A_27 : i32 to vector<256x128xi32>
    %add3A_29 = arith.addi %iota3A, %add3A_28 : vector<256x128xi32>
    %lt3A = arith.cmpf olt, %slice3A_26, %slice3A : vector<256x128xf32>
    %lt3A_30 = arith.cmpf olt, %slice3A_26, %broadcast_in_dim3A_23 : vector<256x128xf32>
    %lt3A_31 = arith.cmpf olt, %slice3A_26, %broadcast_in_dim3A_23 : vector<256x128xf32>
    %select_n3A = arith.select %lt3A_30, %broadcast_in_dim3A_23, %slice3A_26 : vector<256x128xi1>, vector<256x128xf32>
    %select_n3A_32 = arith.select %lt3A_31, %select_n3A, %broadcast_in_dim3A_23 : vector<256x128xi1>, vector<256x128xf32>
    %select_n3A_33 = arith.select %lt3A_30, %broadcast_in_dim3A_25, %add3A_29 : vector<256x128xi1>, vector<256x128xi32>
    %select_n3A_34 = arith.select %lt3A_31, %select_n3A_33, %broadcast_in_dim3A_25 : vector<256x128xi1>, vector<256x128xi32>
    %select_n3A_35 = arith.select %lt3A, %slice3A, %slice3A_26 : vector<256x128xi1>, vector<256x128xf32>
    %select_n3A_36 = arith.select %lt3A_30, %select_n3A_35, %broadcast_in_dim3A_23 : vector<256x128xi1>, vector<256x128xf32>
    %select_n3A_37 = arith.select %lt3A, %iota3A, %add3A_29 : vector<256x128xi1>, vector<256x128xi32>
    %select_n3A_38 = arith.select %lt3A_30, %select_n3A_37, %broadcast_in_dim3A_25 : vector<256x128xi1>, vector<256x128xi32>
    %select_n3A_39 = arith.select %lt3A, %slice3A_26, %slice3A : vector<256x128xi1>, vector<256x128xf32>
    %select_n3A_40 = arith.select %lt3A, %add3A_29, %iota3A : vector<256x128xi1>, vector<256x128xi32>
    %slice3A_41 = vector.extract_strided_slice %add3A_21 {offsets = [0, 256], sizes = [256, 128], strides = [1, 1]} : vector<256x2048xf32> to vector<256x128xf32>
    %add3A_42 = arith.constant 256 : i32
    %add3A_43 = vector.broadcast %add3A_42 : i32 to vector<256x128xi32>
    %add3A_44 = arith.addi %iota3A, %add3A_43 : vector<256x128xi32>
    %lt3A_45 = arith.cmpf olt, %slice3A_41, %select_n3A_39 : vector<256x128xf32>
    %lt3A_46 = arith.cmpf olt, %slice3A_41, %select_n3A_36 : vector<256x128xf32>
    %lt3A_47 = arith.cmpf olt, %slice3A_41, %select_n3A_32 : vector<256x128xf32>
    %select_n3A_48 = arith.select %lt3A_46, %select_n3A_36, %slice3A_41 : vector<256x128xi1>, vector<256x128xf32>
    %select_n3A_49 = arith.select %lt3A_47, %select_n3A_48, %select_n3A_32 : vector<256x128xi1>, vector<256x128xf32>
    %select_n3A_50 = arith.select %lt3A_46, %select_n3A_38, %add3A_44 : vector<256x128xi1>, vector<256x128xi32>
    %select_n3A_51 = arith.select %lt3A_47, %select_n3A_50, %select_n3A_34 : vector<256x128xi1>, vector<256x128xi32>
    %select_n3A_52 = arith.select %lt3A_45, %select_n3A_39, %slice3A_41 : vector<256x128xi1>, vector<256x128xf32>
    %select_n3A_53 = arith.select %lt3A_46, %select_n3A_52, %select_n3A_36 : vector<256x128xi1>, vector<256x128xf32>
    %select_n3A_54 = arith.select %lt3A_45, %select_n3A_40, %add3A_44 : vector<256x128xi1>, vector<256x128xi32>
    %select_n3A_55 = arith.select %lt3A_46, %select_n3A_54, %select_n3A_38 : vector<256x128xi1>, vector<256x128xi32>
    %select_n3A_56 = arith.select %lt3A_45, %slice3A_41, %select_n3A_39 : vector<256x128xi1>, vector<256x128xf32>
    %select_n3A_57 = arith.select %lt3A_45, %add3A_44, %select_n3A_40 : vector<256x128xi1>, vector<256x128xi32>
    %slice3A_58 = vector.extract_strided_slice %add3A_21 {offsets = [0, 384], sizes = [256, 128], strides = [1, 1]} : vector<256x2048xf32> to vector<256x128xf32>
    %add3A_59 = arith.constant 384 : i32
    %add3A_60 = vector.broadcast %add3A_59 : i32 to vector<256x128xi32>
    %add3A_61 = arith.addi %iota3A, %add3A_60 : vector<256x128xi32>
    %lt3A_62 = arith.cmpf olt, %slice3A_58, %select_n3A_56 : vector<256x128xf32>
    %lt3A_63 = arith.cmpf olt, %slice3A_58, %select_n3A_53 : vector<256x128xf32>
    %lt3A_64 = arith.cmpf olt, %slice3A_58, %select_n3A_49 : vector<256x128xf32>
    %select_n3A_65 = arith.select %lt3A_63, %select_n3A_53, %slice3A_58 : vector<256x128xi1>, vector<256x128xf32>
    %select_n3A_66 = arith.select %lt3A_64, %select_n3A_65, %select_n3A_49 : vector<256x128xi1>, vector<256x128xf32>
    %select_n3A_67 = arith.select %lt3A_63, %select_n3A_55, %add3A_61 : vector<256x128xi1>, vector<256x128xi32>
    %select_n3A_68 = arith.select %lt3A_64, %select_n3A_67, %select_n3A_51 : vector<256x128xi1>, vector<256x128xi32>
    %select_n3A_69 = arith.select %lt3A_62, %select_n3A_56, %slice3A_58 : vector<256x128xi1>, vector<256x128xf32>
    %select_n3A_70 = arith.select %lt3A_63, %select_n3A_69, %select_n3A_53 : vector<256x128xi1>, vector<256x128xf32>
    %select_n3A_71 = arith.select %lt3A_62, %select_n3A_57, %add3A_61 : vector<256x128xi1>, vector<256x128xi32>
    %select_n3A_72 = arith.select %lt3A_63, %select_n3A_71, %select_n3A_55 : vector<256x128xi1>, vector<256x128xi32>
    %select_n3A_73 = arith.select %lt3A_62, %slice3A_58, %select_n3A_56 : vector<256x128xi1>, vector<256x128xf32>
    %select_n3A_74 = arith.select %lt3A_62, %add3A_61, %select_n3A_57 : vector<256x128xi1>, vector<256x128xi32>
    %slice3A_75 = vector.extract_strided_slice %add3A_21 {offsets = [0, 512], sizes = [256, 128], strides = [1, 1]} : vector<256x2048xf32> to vector<256x128xf32>
    %add3A_76 = arith.constant 512 : i32
    %add3A_77 = vector.broadcast %add3A_76 : i32 to vector<256x128xi32>
    %add3A_78 = arith.addi %iota3A, %add3A_77 : vector<256x128xi32>
    %lt3A_79 = arith.cmpf olt, %slice3A_75, %select_n3A_73 : vector<256x128xf32>
    %lt3A_80 = arith.cmpf olt, %slice3A_75, %select_n3A_70 : vector<256x128xf32>
    %lt3A_81 = arith.cmpf olt, %slice3A_75, %select_n3A_66 : vector<256x128xf32>
    %select_n3A_82 = arith.select %lt3A_80, %select_n3A_70, %slice3A_75 : vector<256x128xi1>, vector<256x128xf32>
    %select_n3A_83 = arith.select %lt3A_81, %select_n3A_82, %select_n3A_66 : vector<256x128xi1>, vector<256x128xf32>
    %select_n3A_84 = arith.select %lt3A_80, %select_n3A_72, %add3A_78 : vector<256x128xi1>, vector<256x128xi32>
    %select_n3A_85 = arith.select %lt3A_81, %select_n3A_84, %select_n3A_68 : vector<256x128xi1>, vector<256x128xi32>
    %select_n3A_86 = arith.select %lt3A_79, %select_n3A_73, %slice3A_75 : vector<256x128xi1>, vector<256x128xf32>
    %select_n3A_87 = arith.select %lt3A_80, %select_n3A_86, %select_n3A_70 : vector<256x128xi1>, vector<256x128xf32>
    %select_n3A_88 = arith.select %lt3A_79, %select_n3A_74, %add3A_78 : vector<256x128xi1>, vector<256x128xi32>
    %select_n3A_89 = arith.select %lt3A_80, %select_n3A_88, %select_n3A_72 : vector<256x128xi1>, vector<256x128xi32>
    %select_n3A_90 = arith.select %lt3A_79, %slice3A_75, %select_n3A_73 : vector<256x128xi1>, vector<256x128xf32>
    %select_n3A_91 = arith.select %lt3A_79, %add3A_78, %select_n3A_74 : vector<256x128xi1>, vector<256x128xi32>
    %slice3A_92 = vector.extract_strided_slice %add3A_21 {offsets = [0, 640], sizes = [256, 128], strides = [1, 1]} : vector<256x2048xf32> to vector<256x128xf32>
    %add3A_93 = arith.constant 640 : i32
    %add3A_94 = vector.broadcast %add3A_93 : i32 to vector<256x128xi32>
    %add3A_95 = arith.addi %iota3A, %add3A_94 : vector<256x128xi32>
    %lt3A_96 = arith.cmpf olt, %slice3A_92, %select_n3A_90 : vector<256x128xf32>
    %lt3A_97 = arith.cmpf olt, %slice3A_92, %select_n3A_87 : vector<256x128xf32>
    %lt3A_98 = arith.cmpf olt, %slice3A_92, %select_n3A_83 : vector<256x128xf32>
    %select_n3A_99 = arith.select %lt3A_97, %select_n3A_87, %slice3A_92 : vector<256x128xi1>, vector<256x128xf32>
    %select_n3A_100 = arith.select %lt3A_98, %select_n3A_99, %select_n3A_83 : vector<256x128xi1>, vector<256x128xf32>
    %select_n3A_101 = arith.select %lt3A_97, %select_n3A_89, %add3A_95 : vector<256x128xi1>, vector<256x128xi32>
    %select_n3A_102 = arith.select %lt3A_98, %select_n3A_101, %select_n3A_85 : vector<256x128xi1>, vector<256x128xi32>
    %select_n3A_103 = arith.select %lt3A_96, %select_n3A_90, %slice3A_92 : vector<256x128xi1>, vector<256x128xf32>
    %select_n3A_104 = arith.select %lt3A_97, %select_n3A_103, %select_n3A_87 : vector<256x128xi1>, vector<256x128xf32>
    %select_n3A_105 = arith.select %lt3A_96, %select_n3A_91, %add3A_95 : vector<256x128xi1>, vector<256x128xi32>
    %select_n3A_106 = arith.select %lt3A_97, %select_n3A_105, %select_n3A_89 : vector<256x128xi1>, vector<256x128xi32>
    %select_n3A_107 = arith.select %lt3A_96, %slice3A_92, %select_n3A_90 : vector<256x128xi1>, vector<256x128xf32>
    %select_n3A_108 = arith.select %lt3A_96, %add3A_95, %select_n3A_91 : vector<256x128xi1>, vector<256x128xi32>
    %slice3A_109 = vector.extract_strided_slice %add3A_21 {offsets = [0, 768], sizes = [256, 128], strides = [1, 1]} : vector<256x2048xf32> to vector<256x128xf32>
    %add3A_110 = arith.constant 768 : i32
    %add3A_111 = vector.broadcast %add3A_110 : i32 to vector<256x128xi32>
    %add3A_112 = arith.addi %iota3A, %add3A_111 : vector<256x128xi32>
    %lt3A_113 = arith.cmpf olt, %slice3A_109, %select_n3A_107 : vector<256x128xf32>
    %lt3A_114 = arith.cmpf olt, %slice3A_109, %select_n3A_104 : vector<256x128xf32>
    %lt3A_115 = arith.cmpf olt, %slice3A_109, %select_n3A_100 : vector<256x128xf32>
    %select_n3A_116 = arith.select %lt3A_114, %select_n3A_104, %slice3A_109 : vector<256x128xi1>, vector<256x128xf32>
    %select_n3A_117 = arith.select %lt3A_115, %select_n3A_116, %select_n3A_100 : vector<256x128xi1>, vector<256x128xf32>
    %select_n3A_118 = arith.select %lt3A_114, %select_n3A_106, %add3A_112 : vector<256x128xi1>, vector<256x128xi32>
    %select_n3A_119 = arith.select %lt3A_115, %select_n3A_118, %select_n3A_102 : vector<256x128xi1>, vector<256x128xi32>
    %select_n3A_120 = arith.select %lt3A_113, %select_n3A_107, %slice3A_109 : vector<256x128xi1>, vector<256x128xf32>
    %select_n3A_121 = arith.select %lt3A_114, %select_n3A_120, %select_n3A_104 : vector<256x128xi1>, vector<256x128xf32>
    %select_n3A_122 = arith.select %lt3A_113, %select_n3A_108, %add3A_112 : vector<256x128xi1>, vector<256x128xi32>
    %select_n3A_123 = arith.select %lt3A_114, %select_n3A_122, %select_n3A_106 : vector<256x128xi1>, vector<256x128xi32>
    %select_n3A_124 = arith.select %lt3A_113, %slice3A_109, %select_n3A_107 : vector<256x128xi1>, vector<256x128xf32>
    %select_n3A_125 = arith.select %lt3A_113, %add3A_112, %select_n3A_108 : vector<256x128xi1>, vector<256x128xi32>
    %slice3A_126 = vector.extract_strided_slice %add3A_21 {offsets = [0, 896], sizes = [256, 128], strides = [1, 1]} : vector<256x2048xf32> to vector<256x128xf32>
    %add3A_127 = arith.constant 896 : i32
    %add3A_128 = vector.broadcast %add3A_127 : i32 to vector<256x128xi32>
    %add3A_129 = arith.addi %iota3A, %add3A_128 : vector<256x128xi32>
    %lt3A_130 = arith.cmpf olt, %slice3A_126, %select_n3A_124 : vector<256x128xf32>
    %lt3A_131 = arith.cmpf olt, %slice3A_126, %select_n3A_121 : vector<256x128xf32>
    %lt3A_132 = arith.cmpf olt, %slice3A_126, %select_n3A_117 : vector<256x128xf32>
    %select_n3A_133 = arith.select %lt3A_131, %select_n3A_121, %slice3A_126 : vector<256x128xi1>, vector<256x128xf32>
    %select_n3A_134 = arith.select %lt3A_132, %select_n3A_133, %select_n3A_117 : vector<256x128xi1>, vector<256x128xf32>
    %select_n3A_135 = arith.select %lt3A_131, %select_n3A_123, %add3A_129 : vector<256x128xi1>, vector<256x128xi32>
    %select_n3A_136 = arith.select %lt3A_132, %select_n3A_135, %select_n3A_119 : vector<256x128xi1>, vector<256x128xi32>
    %select_n3A_137 = arith.select %lt3A_130, %select_n3A_124, %slice3A_126 : vector<256x128xi1>, vector<256x128xf32>
    %select_n3A_138 = arith.select %lt3A_131, %select_n3A_137, %select_n3A_121 : vector<256x128xi1>, vector<256x128xf32>
    %select_n3A_139 = arith.select %lt3A_130, %select_n3A_125, %add3A_129 : vector<256x128xi1>, vector<256x128xi32>
    %select_n3A_140 = arith.select %lt3A_131, %select_n3A_139, %select_n3A_123 : vector<256x128xi1>, vector<256x128xi32>
    %select_n3A_141 = arith.select %lt3A_130, %slice3A_126, %select_n3A_124 : vector<256x128xi1>, vector<256x128xf32>
    %select_n3A_142 = arith.select %lt3A_130, %add3A_129, %select_n3A_125 : vector<256x128xi1>, vector<256x128xi32>
    %slice3A_143 = vector.extract_strided_slice %add3A_21 {offsets = [0, 1024], sizes = [256, 128], strides = [1, 1]} : vector<256x2048xf32> to vector<256x128xf32>
    %add3A_144 = arith.constant 1024 : i32
    %add3A_145 = vector.broadcast %add3A_144 : i32 to vector<256x128xi32>
    %add3A_146 = arith.addi %iota3A, %add3A_145 : vector<256x128xi32>
    %lt3A_147 = arith.cmpf olt, %slice3A_143, %select_n3A_141 : vector<256x128xf32>
    %lt3A_148 = arith.cmpf olt, %slice3A_143, %select_n3A_138 : vector<256x128xf32>
    %lt3A_149 = arith.cmpf olt, %slice3A_143, %select_n3A_134 : vector<256x128xf32>
    %select_n3A_150 = arith.select %lt3A_148, %select_n3A_138, %slice3A_143 : vector<256x128xi1>, vector<256x128xf32>
    %select_n3A_151 = arith.select %lt3A_149, %select_n3A_150, %select_n3A_134 : vector<256x128xi1>, vector<256x128xf32>
    %select_n3A_152 = arith.select %lt3A_148, %select_n3A_140, %add3A_146 : vector<256x128xi1>, vector<256x128xi32>
    %select_n3A_153 = arith.select %lt3A_149, %select_n3A_152, %select_n3A_136 : vector<256x128xi1>, vector<256x128xi32>
    %select_n3A_154 = arith.select %lt3A_147, %select_n3A_141, %slice3A_143 : vector<256x128xi1>, vector<256x128xf32>
    %select_n3A_155 = arith.select %lt3A_148, %select_n3A_154, %select_n3A_138 : vector<256x128xi1>, vector<256x128xf32>
    %select_n3A_156 = arith.select %lt3A_147, %select_n3A_142, %add3A_146 : vector<256x128xi1>, vector<256x128xi32>
    %select_n3A_157 = arith.select %lt3A_148, %select_n3A_156, %select_n3A_140 : vector<256x128xi1>, vector<256x128xi32>
    %select_n3A_158 = arith.select %lt3A_147, %slice3A_143, %select_n3A_141 : vector<256x128xi1>, vector<256x128xf32>
    %select_n3A_159 = arith.select %lt3A_147, %add3A_146, %select_n3A_142 : vector<256x128xi1>, vector<256x128xi32>
    %slice3A_160 = vector.extract_strided_slice %add3A_21 {offsets = [0, 1152], sizes = [256, 128], strides = [1, 1]} : vector<256x2048xf32> to vector<256x128xf32>
    %add3A_161 = arith.constant 1152 : i32
    %add3A_162 = vector.broadcast %add3A_161 : i32 to vector<256x128xi32>
    %add3A_163 = arith.addi %iota3A, %add3A_162 : vector<256x128xi32>
    %lt3A_164 = arith.cmpf olt, %slice3A_160, %select_n3A_158 : vector<256x128xf32>
    %lt3A_165 = arith.cmpf olt, %slice3A_160, %select_n3A_155 : vector<256x128xf32>
    %lt3A_166 = arith.cmpf olt, %slice3A_160, %select_n3A_151 : vector<256x128xf32>
    %select_n3A_167 = arith.select %lt3A_165, %select_n3A_155, %slice3A_160 : vector<256x128xi1>, vector<256x128xf32>
    %select_n3A_168 = arith.select %lt3A_166, %select_n3A_167, %select_n3A_151 : vector<256x128xi1>, vector<256x128xf32>
    %select_n3A_169 = arith.select %lt3A_165, %select_n3A_157, %add3A_163 : vector<256x128xi1>, vector<256x128xi32>
    %select_n3A_170 = arith.select %lt3A_166, %select_n3A_169, %select_n3A_153 : vector<256x128xi1>, vector<256x128xi32>
    %select_n3A_171 = arith.select %lt3A_164, %select_n3A_158, %slice3A_160 : vector<256x128xi1>, vector<256x128xf32>
    %select_n3A_172 = arith.select %lt3A_165, %select_n3A_171, %select_n3A_155 : vector<256x128xi1>, vector<256x128xf32>
    %select_n3A_173 = arith.select %lt3A_164, %select_n3A_159, %add3A_163 : vector<256x128xi1>, vector<256x128xi32>
    %select_n3A_174 = arith.select %lt3A_165, %select_n3A_173, %select_n3A_157 : vector<256x128xi1>, vector<256x128xi32>
    %select_n3A_175 = arith.select %lt3A_164, %slice3A_160, %select_n3A_158 : vector<256x128xi1>, vector<256x128xf32>
    %select_n3A_176 = arith.select %lt3A_164, %add3A_163, %select_n3A_159 : vector<256x128xi1>, vector<256x128xi32>
    %slice3A_177 = vector.extract_strided_slice %add3A_21 {offsets = [0, 1280], sizes = [256, 128], strides = [1, 1]} : vector<256x2048xf32> to vector<256x128xf32>
    %add3A_178 = arith.constant 1280 : i32
    %add3A_179 = vector.broadcast %add3A_178 : i32 to vector<256x128xi32>
    %add3A_180 = arith.addi %iota3A, %add3A_179 : vector<256x128xi32>
    %lt3A_181 = arith.cmpf olt, %slice3A_177, %select_n3A_175 : vector<256x128xf32>
    %lt3A_182 = arith.cmpf olt, %slice3A_177, %select_n3A_172 : vector<256x128xf32>
    %lt3A_183 = arith.cmpf olt, %slice3A_177, %select_n3A_168 : vector<256x128xf32>
    %select_n3A_184 = arith.select %lt3A_182, %select_n3A_172, %slice3A_177 : vector<256x128xi1>, vector<256x128xf32>
    %select_n3A_185 = arith.select %lt3A_183, %select_n3A_184, %select_n3A_168 : vector<256x128xi1>, vector<256x128xf32>
    %select_n3A_186 = arith.select %lt3A_182, %select_n3A_174, %add3A_180 : vector<256x128xi1>, vector<256x128xi32>
    %select_n3A_187 = arith.select %lt3A_183, %select_n3A_186, %select_n3A_170 : vector<256x128xi1>, vector<256x128xi32>
    %select_n3A_188 = arith.select %lt3A_181, %select_n3A_175, %slice3A_177 : vector<256x128xi1>, vector<256x128xf32>
    %select_n3A_189 = arith.select %lt3A_182, %select_n3A_188, %select_n3A_172 : vector<256x128xi1>, vector<256x128xf32>
    %select_n3A_190 = arith.select %lt3A_181, %select_n3A_176, %add3A_180 : vector<256x128xi1>, vector<256x128xi32>
    %select_n3A_191 = arith.select %lt3A_182, %select_n3A_190, %select_n3A_174 : vector<256x128xi1>, vector<256x128xi32>
    %select_n3A_192 = arith.select %lt3A_181, %slice3A_177, %select_n3A_175 : vector<256x128xi1>, vector<256x128xf32>
    %select_n3A_193 = arith.select %lt3A_181, %add3A_180, %select_n3A_176 : vector<256x128xi1>, vector<256x128xi32>
    %slice3A_194 = vector.extract_strided_slice %add3A_21 {offsets = [0, 1408], sizes = [256, 128], strides = [1, 1]} : vector<256x2048xf32> to vector<256x128xf32>
    %add3A_195 = arith.constant 1408 : i32
    %add3A_196 = vector.broadcast %add3A_195 : i32 to vector<256x128xi32>
    %add3A_197 = arith.addi %iota3A, %add3A_196 : vector<256x128xi32>
    %lt3A_198 = arith.cmpf olt, %slice3A_194, %select_n3A_192 : vector<256x128xf32>
    %lt3A_199 = arith.cmpf olt, %slice3A_194, %select_n3A_189 : vector<256x128xf32>
    %lt3A_200 = arith.cmpf olt, %slice3A_194, %select_n3A_185 : vector<256x128xf32>
    %select_n3A_201 = arith.select %lt3A_199, %select_n3A_189, %slice3A_194 : vector<256x128xi1>, vector<256x128xf32>
    %select_n3A_202 = arith.select %lt3A_200, %select_n3A_201, %select_n3A_185 : vector<256x128xi1>, vector<256x128xf32>
    %select_n3A_203 = arith.select %lt3A_199, %select_n3A_191, %add3A_197 : vector<256x128xi1>, vector<256x128xi32>
    %select_n3A_204 = arith.select %lt3A_200, %select_n3A_203, %select_n3A_187 : vector<256x128xi1>, vector<256x128xi32>
    %select_n3A_205 = arith.select %lt3A_198, %select_n3A_192, %slice3A_194 : vector<256x128xi1>, vector<256x128xf32>
    %select_n3A_206 = arith.select %lt3A_199, %select_n3A_205, %select_n3A_189 : vector<256x128xi1>, vector<256x128xf32>
    %select_n3A_207 = arith.select %lt3A_198, %select_n3A_193, %add3A_197 : vector<256x128xi1>, vector<256x128xi32>
    %select_n3A_208 = arith.select %lt3A_199, %select_n3A_207, %select_n3A_191 : vector<256x128xi1>, vector<256x128xi32>
    %select_n3A_209 = arith.select %lt3A_198, %slice3A_194, %select_n3A_192 : vector<256x128xi1>, vector<256x128xf32>
    %select_n3A_210 = arith.select %lt3A_198, %add3A_197, %select_n3A_193 : vector<256x128xi1>, vector<256x128xi32>
    %slice3A_211 = vector.extract_strided_slice %add3A_21 {offsets = [0, 1536], sizes = [256, 128], strides = [1, 1]} : vector<256x2048xf32> to vector<256x128xf32>
    %add3A_212 = arith.constant 1536 : i32
    %add3A_213 = vector.broadcast %add3A_212 : i32 to vector<256x128xi32>
    %add3A_214 = arith.addi %iota3A, %add3A_213 : vector<256x128xi32>
    %lt3A_215 = arith.cmpf olt, %slice3A_211, %select_n3A_209 : vector<256x128xf32>
    %lt3A_216 = arith.cmpf olt, %slice3A_211, %select_n3A_206 : vector<256x128xf32>
    %lt3A_217 = arith.cmpf olt, %slice3A_211, %select_n3A_202 : vector<256x128xf32>
    %select_n3A_218 = arith.select %lt3A_216, %select_n3A_206, %slice3A_211 : vector<256x128xi1>, vector<256x128xf32>
    %select_n3A_219 = arith.select %lt3A_217, %select_n3A_218, %select_n3A_202 : vector<256x128xi1>, vector<256x128xf32>
    %select_n3A_220 = arith.select %lt3A_216, %select_n3A_208, %add3A_214 : vector<256x128xi1>, vector<256x128xi32>
    %select_n3A_221 = arith.select %lt3A_217, %select_n3A_220, %select_n3A_204 : vector<256x128xi1>, vector<256x128xi32>
    %select_n3A_222 = arith.select %lt3A_215, %select_n3A_209, %slice3A_211 : vector<256x128xi1>, vector<256x128xf32>
    %select_n3A_223 = arith.select %lt3A_216, %select_n3A_222, %select_n3A_206 : vector<256x128xi1>, vector<256x128xf32>
    %select_n3A_224 = arith.select %lt3A_215, %select_n3A_210, %add3A_214 : vector<256x128xi1>, vector<256x128xi32>
    %select_n3A_225 = arith.select %lt3A_216, %select_n3A_224, %select_n3A_208 : vector<256x128xi1>, vector<256x128xi32>
    %select_n3A_226 = arith.select %lt3A_215, %slice3A_211, %select_n3A_209 : vector<256x128xi1>, vector<256x128xf32>
    %select_n3A_227 = arith.select %lt3A_215, %add3A_214, %select_n3A_210 : vector<256x128xi1>, vector<256x128xi32>
    %slice3A_228 = vector.extract_strided_slice %add3A_21 {offsets = [0, 1664], sizes = [256, 128], strides = [1, 1]} : vector<256x2048xf32> to vector<256x128xf32>
    %add3A_229 = arith.constant 1664 : i32
    %add3A_230 = vector.broadcast %add3A_229 : i32 to vector<256x128xi32>
    %add3A_231 = arith.addi %iota3A, %add3A_230 : vector<256x128xi32>
    %lt3A_232 = arith.cmpf olt, %slice3A_228, %select_n3A_226 : vector<256x128xf32>
    %lt3A_233 = arith.cmpf olt, %slice3A_228, %select_n3A_223 : vector<256x128xf32>
    %lt3A_234 = arith.cmpf olt, %slice3A_228, %select_n3A_219 : vector<256x128xf32>
    %select_n3A_235 = arith.select %lt3A_233, %select_n3A_223, %slice3A_228 : vector<256x128xi1>, vector<256x128xf32>
    %select_n3A_236 = arith.select %lt3A_234, %select_n3A_235, %select_n3A_219 : vector<256x128xi1>, vector<256x128xf32>
    %select_n3A_237 = arith.select %lt3A_233, %select_n3A_225, %add3A_231 : vector<256x128xi1>, vector<256x128xi32>
    %select_n3A_238 = arith.select %lt3A_234, %select_n3A_237, %select_n3A_221 : vector<256x128xi1>, vector<256x128xi32>
    %select_n3A_239 = arith.select %lt3A_232, %select_n3A_226, %slice3A_228 : vector<256x128xi1>, vector<256x128xf32>
    %select_n3A_240 = arith.select %lt3A_233, %select_n3A_239, %select_n3A_223 : vector<256x128xi1>, vector<256x128xf32>
    %select_n3A_241 = arith.select %lt3A_232, %select_n3A_227, %add3A_231 : vector<256x128xi1>, vector<256x128xi32>
    %select_n3A_242 = arith.select %lt3A_233, %select_n3A_241, %select_n3A_225 : vector<256x128xi1>, vector<256x128xi32>
    %select_n3A_243 = arith.select %lt3A_232, %slice3A_228, %select_n3A_226 : vector<256x128xi1>, vector<256x128xf32>
    %select_n3A_244 = arith.select %lt3A_232, %add3A_231, %select_n3A_227 : vector<256x128xi1>, vector<256x128xi32>
    %slice3A_245 = vector.extract_strided_slice %add3A_21 {offsets = [0, 1792], sizes = [256, 128], strides = [1, 1]} : vector<256x2048xf32> to vector<256x128xf32>
    %add3A_246 = arith.constant 1792 : i32
    %add3A_247 = vector.broadcast %add3A_246 : i32 to vector<256x128xi32>
    %add3A_248 = arith.addi %iota3A, %add3A_247 : vector<256x128xi32>
    %lt3A_249 = arith.cmpf olt, %slice3A_245, %select_n3A_243 : vector<256x128xf32>
    %lt3A_250 = arith.cmpf olt, %slice3A_245, %select_n3A_240 : vector<256x128xf32>
    %lt3A_251 = arith.cmpf olt, %slice3A_245, %select_n3A_236 : vector<256x128xf32>
    %select_n3A_252 = arith.select %lt3A_250, %select_n3A_240, %slice3A_245 : vector<256x128xi1>, vector<256x128xf32>
    %select_n3A_253 = arith.select %lt3A_251, %select_n3A_252, %select_n3A_236 : vector<256x128xi1>, vector<256x128xf32>
    %select_n3A_254 = arith.select %lt3A_250, %select_n3A_242, %add3A_248 : vector<256x128xi1>, vector<256x128xi32>
    %select_n3A_255 = arith.select %lt3A_251, %select_n3A_254, %select_n3A_238 : vector<256x128xi1>, vector<256x128xi32>
    %select_n3A_256 = arith.select %lt3A_249, %select_n3A_243, %slice3A_245 : vector<256x128xi1>, vector<256x128xf32>
    %select_n3A_257 = arith.select %lt3A_250, %select_n3A_256, %select_n3A_240 : vector<256x128xi1>, vector<256x128xf32>
    %select_n3A_258 = arith.select %lt3A_249, %select_n3A_244, %add3A_248 : vector<256x128xi1>, vector<256x128xi32>
    %select_n3A_259 = arith.select %lt3A_250, %select_n3A_258, %select_n3A_242 : vector<256x128xi1>, vector<256x128xi32>
    %select_n3A_260 = arith.select %lt3A_249, %slice3A_245, %select_n3A_243 : vector<256x128xi1>, vector<256x128xf32>
    %select_n3A_261 = arith.select %lt3A_249, %add3A_248, %select_n3A_244 : vector<256x128xi1>, vector<256x128xi32>
    %slice3A_262 = vector.extract_strided_slice %add3A_21 {offsets = [0, 1920], sizes = [256, 128], strides = [1, 1]} : vector<256x2048xf32> to vector<256x128xf32>
    %add3A_263 = arith.constant 1920 : i32
    %add3A_264 = vector.broadcast %add3A_263 : i32 to vector<256x128xi32>
    %add3A_265 = arith.addi %iota3A, %add3A_264 : vector<256x128xi32>
    %lt3A_266 = arith.cmpf olt, %slice3A_262, %select_n3A_260 : vector<256x128xf32>
    %lt3A_267 = arith.cmpf olt, %slice3A_262, %select_n3A_257 : vector<256x128xf32>
    %lt3A_268 = arith.cmpf olt, %slice3A_262, %select_n3A_253 : vector<256x128xf32>
    %select_n3A_269 = arith.select %lt3A_267, %select_n3A_257, %slice3A_262 : vector<256x128xi1>, vector<256x128xf32>
    %select_n3A_270 = arith.select %lt3A_268, %select_n3A_269, %select_n3A_253 : vector<256x128xi1>, vector<256x128xf32>
    %select_n3A_271 = arith.select %lt3A_267, %select_n3A_259, %add3A_265 : vector<256x128xi1>, vector<256x128xi32>
    %select_n3A_272 = arith.select %lt3A_268, %select_n3A_271, %select_n3A_255 : vector<256x128xi1>, vector<256x128xi32>
    %select_n3A_273 = arith.select %lt3A_266, %select_n3A_260, %slice3A_262 : vector<256x128xi1>, vector<256x128xf32>
    %select_n3A_274 = arith.select %lt3A_267, %select_n3A_273, %select_n3A_257 : vector<256x128xi1>, vector<256x128xf32>
    %select_n3A_275 = arith.select %lt3A_266, %select_n3A_261, %add3A_265 : vector<256x128xi1>, vector<256x128xi32>
    %select_n3A_276 = arith.select %lt3A_267, %select_n3A_275, %select_n3A_259 : vector<256x128xi1>, vector<256x128xi32>
    %select_n3A_277 = arith.select %lt3A_266, %slice3A_262, %select_n3A_260 : vector<256x128xi1>, vector<256x128xf32>
    %select_n3A_278 = arith.select %lt3A_266, %add3A_265, %select_n3A_261 : vector<256x128xi1>, vector<256x128xi32>
    %concatenate3A = tpu.concatenate %select_n3A_277, %select_n3A_274, %select_n3A_270 in 1 : vector<256x128xf32>, vector<256x128xf32>, vector<256x128xf32> -> vector<256x384xf32>
    %concatenate3A_279 = tpu.concatenate %select_n3A_278, %select_n3A_276, %select_n3A_272 in 1 : vector<256x128xi32>, vector<256x128xi32>, vector<256x128xi32> -> vector<256x384xi32>
    %convert_element_type3A = arith.sitofp %concatenate3A_279 : vector<256x384xi32> to vector<256x384xf32>
    %reduce_min3A = arith.constant dense<0x7F800000> : vector<256xf32>
    %reduce_min3A_280 = vector.multi_reduction <minimumf>, %concatenate3A, %reduce_min3A [1] : vector<256x384xf32> to vector<256xf32>
    %broadcast_in_dim3A_281 = vector.shape_cast %reduce_min3A_280 : vector<256xf32> to vector<256x1xf32>
    %le3A = vector.broadcast %broadcast_in_dim3A_281 : vector<256x1xf32> to vector<256x384xf32>
    %le3A_282 = arith.cmpf ole, %concatenate3A, %le3A : vector<256x384xf32>
    %jit3A = arith.constant 1.000000e+09 : f32
    %broadcast_in_dim3A_283 = vector.broadcast %jit3A : f32 to vector<256x384xf32>
    %select_n3A_284 = arith.select %le3A_282, %convert_element_type3A, %broadcast_in_dim3A_283 : vector<256x384xi1>, vector<256x384xf32>
    %reduce_min3A_285 = arith.constant dense<0x7F800000> : vector<256xf32>
    %reduce_min3A_286 = vector.multi_reduction <minimumf>, %select_n3A_284, %reduce_min3A_285 [1] : vector<256x384xf32> to vector<256xf32>
    %broadcast_in_dim3A_287 = vector.shape_cast %reduce_min3A_286 : vector<256xf32> to vector<256x1xf32>
    %eq3A = vector.broadcast %broadcast_in_dim3A_287 : vector<256x1xf32> to vector<256x384xf32>
    %eq3A_288 = arith.cmpf oeq, %convert_element_type3A, %eq3A : vector<256x384xf32>
    %jit3A_289 = arith.constant 0x7F800000 : f32
    %broadcast_in_dim3A_290 = vector.broadcast %jit3A_289 : f32 to vector<256x384xf32>
    %select_n3A_291 = arith.select %eq3A_288, %broadcast_in_dim3A_290, %concatenate3A : vector<256x384xi1>, vector<256x384xf32>
    %reduce_min3A_292 = arith.constant dense<0x7F800000> : vector<256xf32>
    %reduce_min3A_293 = vector.multi_reduction <minimumf>, %select_n3A_291, %reduce_min3A_292 [1] : vector<256x384xf32> to vector<256xf32>
    %broadcast_in_dim3A_294 = vector.shape_cast %reduce_min3A_293 : vector<256xf32> to vector<256x1xf32>
    %le3A_295 = vector.broadcast %broadcast_in_dim3A_294 : vector<256x1xf32> to vector<256x384xf32>
    %le3A_296 = arith.cmpf ole, %select_n3A_291, %le3A_295 : vector<256x384xf32>
    %jit3A_297 = arith.constant 1.000000e+09 : f32
    %broadcast_in_dim3A_298 = vector.broadcast %jit3A_297 : f32 to vector<256x384xf32>
    %select_n3A_299 = arith.select %le3A_296, %convert_element_type3A, %broadcast_in_dim3A_298 : vector<256x384xi1>, vector<256x384xf32>
    %reduce_min3A_300 = arith.constant dense<0x7F800000> : vector<256xf32>
    %reduce_min3A_301 = vector.multi_reduction <minimumf>, %select_n3A_299, %reduce_min3A_300 [1] : vector<256x384xf32> to vector<256xf32>
    %broadcast_in_dim3A_302 = vector.shape_cast %reduce_min3A_301 : vector<256xf32> to vector<256x1xf32>
    %eq3A_303 = vector.broadcast %broadcast_in_dim3A_302 : vector<256x1xf32> to vector<256x384xf32>
    %eq3A_304 = arith.cmpf oeq, %convert_element_type3A, %eq3A_303 : vector<256x384xf32>
    %jit3A_305 = arith.constant 0x7F800000 : f32
    %broadcast_in_dim3A_306 = vector.broadcast %jit3A_305 : f32 to vector<256x384xf32>
    %select_n3A_307 = arith.select %eq3A_304, %broadcast_in_dim3A_306, %select_n3A_291 : vector<256x384xi1>, vector<256x384xf32>
    %reduce_min3A_308 = arith.constant dense<0x7F800000> : vector<256xf32>
    %reduce_min3A_309 = vector.multi_reduction <minimumf>, %select_n3A_307, %reduce_min3A_308 [1] : vector<256x384xf32> to vector<256xf32>
    %broadcast_in_dim3A_310 = vector.shape_cast %reduce_min3A_309 : vector<256xf32> to vector<256x1xf32>
    %le3A_311 = vector.broadcast %broadcast_in_dim3A_310 : vector<256x1xf32> to vector<256x384xf32>
    %le3A_312 = arith.cmpf ole, %select_n3A_307, %le3A_311 : vector<256x384xf32>
    %jit3A_313 = arith.constant 1.000000e+09 : f32
    %broadcast_in_dim3A_314 = vector.broadcast %jit3A_313 : f32 to vector<256x384xf32>
    %select_n3A_315 = arith.select %le3A_312, %convert_element_type3A, %broadcast_in_dim3A_314 : vector<256x384xi1>, vector<256x384xf32>
    %reduce_min3A_316 = arith.constant dense<0x7F800000> : vector<256xf32>
    %reduce_min3A_317 = vector.multi_reduction <minimumf>, %select_n3A_315, %reduce_min3A_316 [1] : vector<256x384xf32> to vector<256xf32>
    %broadcast_in_dim3A_318 = vector.shape_cast %reduce_min3A_317 : vector<256xf32> to vector<256x1xf32>
    %eq3A_319 = vector.broadcast %broadcast_in_dim3A_318 : vector<256x1xf32> to vector<256x384xf32>
    %eq3A_320 = arith.cmpf oeq, %convert_element_type3A, %eq3A_319 : vector<256x384xf32>
    %jit3A_321 = arith.constant 0x7F800000 : f32
    %broadcast_in_dim3A_322 = vector.broadcast %jit3A_321 : f32 to vector<256x384xf32>
    %select_n3A_323 = arith.select %eq3A_320, %broadcast_in_dim3A_322, %select_n3A_307 : vector<256x384xi1>, vector<256x384xf32>
    %reduce_min3A_324 = arith.constant dense<0x7F800000> : vector<256xf32>
    %reduce_min3A_325 = vector.multi_reduction <minimumf>, %select_n3A_323, %reduce_min3A_324 [1] : vector<256x384xf32> to vector<256xf32>
    %broadcast_in_dim3A_326 = vector.shape_cast %reduce_min3A_325 : vector<256xf32> to vector<256x1xf32>
    %le3A_327 = vector.broadcast %broadcast_in_dim3A_326 : vector<256x1xf32> to vector<256x384xf32>
    %le3A_328 = arith.cmpf ole, %select_n3A_323, %le3A_327 : vector<256x384xf32>
    %jit3A_329 = arith.constant 1.000000e+09 : f32
    %broadcast_in_dim3A_330 = vector.broadcast %jit3A_329 : f32 to vector<256x384xf32>
    %select_n3A_331 = arith.select %le3A_328, %convert_element_type3A, %broadcast_in_dim3A_330 : vector<256x384xi1>, vector<256x384xf32>
    %reduce_min3A_332 = arith.constant dense<0x7F800000> : vector<256xf32>
    %reduce_min3A_333 = vector.multi_reduction <minimumf>, %select_n3A_331, %reduce_min3A_332 [1] : vector<256x384xf32> to vector<256xf32>
    %broadcast_in_dim3A_334 = vector.shape_cast %reduce_min3A_333 : vector<256xf32> to vector<256x1xf32>
    %eq3A_335 = vector.broadcast %broadcast_in_dim3A_334 : vector<256x1xf32> to vector<256x384xf32>
    %eq3A_336 = arith.cmpf oeq, %convert_element_type3A, %eq3A_335 : vector<256x384xf32>
    %jit3A_337 = arith.constant 0x7F800000 : f32
    %broadcast_in_dim3A_338 = vector.broadcast %jit3A_337 : f32 to vector<256x384xf32>
    %select_n3A_339 = arith.select %eq3A_336, %broadcast_in_dim3A_338, %select_n3A_323 : vector<256x384xi1>, vector<256x384xf32>
    %reduce_min3A_340 = arith.constant dense<0x7F800000> : vector<256xf32>
    %reduce_min3A_341 = vector.multi_reduction <minimumf>, %select_n3A_339, %reduce_min3A_340 [1] : vector<256x384xf32> to vector<256xf32>
    %broadcast_in_dim3A_342 = vector.shape_cast %reduce_min3A_341 : vector<256xf32> to vector<256x1xf32>
    %le3A_343 = vector.broadcast %broadcast_in_dim3A_342 : vector<256x1xf32> to vector<256x384xf32>
    %le3A_344 = arith.cmpf ole, %select_n3A_339, %le3A_343 : vector<256x384xf32>
    %jit3A_345 = arith.constant 1.000000e+09 : f32
    %broadcast_in_dim3A_346 = vector.broadcast %jit3A_345 : f32 to vector<256x384xf32>
    %select_n3A_347 = arith.select %le3A_344, %convert_element_type3A, %broadcast_in_dim3A_346 : vector<256x384xi1>, vector<256x384xf32>
    %reduce_min3A_348 = arith.constant dense<0x7F800000> : vector<256xf32>
    %reduce_min3A_349 = vector.multi_reduction <minimumf>, %select_n3A_347, %reduce_min3A_348 [1] : vector<256x384xf32> to vector<256xf32>
    %broadcast_in_dim3A_350 = vector.shape_cast %reduce_min3A_349 : vector<256xf32> to vector<256x1xf32>
    %eq3A_351 = vector.broadcast %broadcast_in_dim3A_350 : vector<256x1xf32> to vector<256x384xf32>
    %eq3A_352 = arith.cmpf oeq, %convert_element_type3A, %eq3A_351 : vector<256x384xf32>
    %jit3A_353 = arith.constant 0x7F800000 : f32
    %broadcast_in_dim3A_354 = vector.broadcast %jit3A_353 : f32 to vector<256x384xf32>
    %select_n3A_355 = arith.select %eq3A_352, %broadcast_in_dim3A_354, %select_n3A_339 : vector<256x384xi1>, vector<256x384xf32>
    %reduce_min3A_356 = arith.constant dense<0x7F800000> : vector<256xf32>
    %reduce_min3A_357 = vector.multi_reduction <minimumf>, %select_n3A_355, %reduce_min3A_356 [1] : vector<256x384xf32> to vector<256xf32>
    %broadcast_in_dim3A_358 = vector.shape_cast %reduce_min3A_357 : vector<256xf32> to vector<256x1xf32>
    %le3A_359 = vector.broadcast %broadcast_in_dim3A_358 : vector<256x1xf32> to vector<256x384xf32>
    %le3A_360 = arith.cmpf ole, %select_n3A_355, %le3A_359 : vector<256x384xf32>
    %jit3A_361 = arith.constant 1.000000e+09 : f32
    %broadcast_in_dim3A_362 = vector.broadcast %jit3A_361 : f32 to vector<256x384xf32>
    %select_n3A_363 = arith.select %le3A_360, %convert_element_type3A, %broadcast_in_dim3A_362 : vector<256x384xi1>, vector<256x384xf32>
    %reduce_min3A_364 = arith.constant dense<0x7F800000> : vector<256xf32>
    %reduce_min3A_365 = vector.multi_reduction <minimumf>, %select_n3A_363, %reduce_min3A_364 [1] : vector<256x384xf32> to vector<256xf32>
    %broadcast_in_dim3A_366 = vector.shape_cast %reduce_min3A_365 : vector<256xf32> to vector<256x1xf32>
    %eq3A_367 = vector.broadcast %broadcast_in_dim3A_366 : vector<256x1xf32> to vector<256x384xf32>
    %eq3A_368 = arith.cmpf oeq, %convert_element_type3A, %eq3A_367 : vector<256x384xf32>
    %jit3A_369 = arith.constant 0x7F800000 : f32
    %broadcast_in_dim3A_370 = vector.broadcast %jit3A_369 : f32 to vector<256x384xf32>
    %select_n3A_371 = arith.select %eq3A_368, %broadcast_in_dim3A_370, %select_n3A_355 : vector<256x384xi1>, vector<256x384xf32>
    %reduce_min3A_372 = arith.constant dense<0x7F800000> : vector<256xf32>
    %reduce_min3A_373 = vector.multi_reduction <minimumf>, %select_n3A_371, %reduce_min3A_372 [1] : vector<256x384xf32> to vector<256xf32>
    %broadcast_in_dim3A_374 = vector.shape_cast %reduce_min3A_373 : vector<256xf32> to vector<256x1xf32>
    %le3A_375 = vector.broadcast %broadcast_in_dim3A_374 : vector<256x1xf32> to vector<256x384xf32>
    %le3A_376 = arith.cmpf ole, %select_n3A_371, %le3A_375 : vector<256x384xf32>
    %jit3A_377 = arith.constant 1.000000e+09 : f32
    %broadcast_in_dim3A_378 = vector.broadcast %jit3A_377 : f32 to vector<256x384xf32>
    %select_n3A_379 = arith.select %le3A_376, %convert_element_type3A, %broadcast_in_dim3A_378 : vector<256x384xi1>, vector<256x384xf32>
    %reduce_min3A_380 = arith.constant dense<0x7F800000> : vector<256xf32>
    %reduce_min3A_381 = vector.multi_reduction <minimumf>, %select_n3A_379, %reduce_min3A_380 [1] : vector<256x384xf32> to vector<256xf32>
    %broadcast_in_dim3A_382 = vector.shape_cast %reduce_min3A_381 : vector<256xf32> to vector<256x1xf32>
    %eq3A_383 = vector.broadcast %broadcast_in_dim3A_382 : vector<256x1xf32> to vector<256x384xf32>
    %eq3A_384 = arith.cmpf oeq, %convert_element_type3A, %eq3A_383 : vector<256x384xf32>
    %jit3A_385 = arith.constant 0x7F800000 : f32
    %broadcast_in_dim3A_386 = vector.broadcast %jit3A_385 : f32 to vector<256x384xf32>
    %select_n3A_387 = arith.select %eq3A_384, %broadcast_in_dim3A_386, %select_n3A_371 : vector<256x384xi1>, vector<256x384xf32>
    %reduce_min3A_388 = arith.constant dense<0x7F800000> : vector<256xf32>
    %reduce_min3A_389 = vector.multi_reduction <minimumf>, %select_n3A_387, %reduce_min3A_388 [1] : vector<256x384xf32> to vector<256xf32>
    %broadcast_in_dim3A_390 = vector.shape_cast %reduce_min3A_389 : vector<256xf32> to vector<256x1xf32>
    %le3A_391 = vector.broadcast %broadcast_in_dim3A_390 : vector<256x1xf32> to vector<256x384xf32>
    %le3A_392 = arith.cmpf ole, %select_n3A_387, %le3A_391 : vector<256x384xf32>
    %jit3A_393 = arith.constant 1.000000e+09 : f32
    %broadcast_in_dim3A_394 = vector.broadcast %jit3A_393 : f32 to vector<256x384xf32>
    %select_n3A_395 = arith.select %le3A_392, %convert_element_type3A, %broadcast_in_dim3A_394 : vector<256x384xi1>, vector<256x384xf32>
    %reduce_min3A_396 = arith.constant dense<0x7F800000> : vector<256xf32>
    %reduce_min3A_397 = vector.multi_reduction <minimumf>, %select_n3A_395, %reduce_min3A_396 [1] : vector<256x384xf32> to vector<256xf32>
    %broadcast_in_dim3A_398 = vector.shape_cast %reduce_min3A_397 : vector<256xf32> to vector<256x1xf32>
    %eq3A_399 = vector.broadcast %broadcast_in_dim3A_398 : vector<256x1xf32> to vector<256x384xf32>
    %eq3A_400 = arith.cmpf oeq, %convert_element_type3A, %eq3A_399 : vector<256x384xf32>
    %jit3A_401 = arith.constant 0x7F800000 : f32
    %broadcast_in_dim3A_402 = vector.broadcast %jit3A_401 : f32 to vector<256x384xf32>
    %select_n3A_403 = arith.select %eq3A_400, %broadcast_in_dim3A_402, %select_n3A_387 : vector<256x384xi1>, vector<256x384xf32>
    %reduce_min3A_404 = arith.constant dense<0x7F800000> : vector<256xf32>
    %reduce_min3A_405 = vector.multi_reduction <minimumf>, %select_n3A_403, %reduce_min3A_404 [1] : vector<256x384xf32> to vector<256xf32>
    %broadcast_in_dim3A_406 = vector.shape_cast %reduce_min3A_405 : vector<256xf32> to vector<256x1xf32>
    %le3A_407 = vector.broadcast %broadcast_in_dim3A_406 : vector<256x1xf32> to vector<256x384xf32>
    %le3A_408 = arith.cmpf ole, %select_n3A_403, %le3A_407 : vector<256x384xf32>
    %jit3A_409 = arith.constant 1.000000e+09 : f32
    %broadcast_in_dim3A_410 = vector.broadcast %jit3A_409 : f32 to vector<256x384xf32>
    %select_n3A_411 = arith.select %le3A_408, %convert_element_type3A, %broadcast_in_dim3A_410 : vector<256x384xi1>, vector<256x384xf32>
    %reduce_min3A_412 = arith.constant dense<0x7F800000> : vector<256xf32>
    %reduce_min3A_413 = vector.multi_reduction <minimumf>, %select_n3A_411, %reduce_min3A_412 [1] : vector<256x384xf32> to vector<256xf32>
    %broadcast_in_dim3A_414 = vector.shape_cast %reduce_min3A_413 : vector<256xf32> to vector<256x1xf32>
    %eq3A_415 = vector.broadcast %broadcast_in_dim3A_414 : vector<256x1xf32> to vector<256x384xf32>
    %eq3A_416 = arith.cmpf oeq, %convert_element_type3A, %eq3A_415 : vector<256x384xf32>
    %jit3A_417 = arith.constant 0x7F800000 : f32
    %broadcast_in_dim3A_418 = vector.broadcast %jit3A_417 : f32 to vector<256x384xf32>
    %select_n3A_419 = arith.select %eq3A_416, %broadcast_in_dim3A_418, %select_n3A_403 : vector<256x384xi1>, vector<256x384xf32>
    %reduce_min3A_420 = arith.constant dense<0x7F800000> : vector<256xf32>
    %reduce_min3A_421 = vector.multi_reduction <minimumf>, %select_n3A_419, %reduce_min3A_420 [1] : vector<256x384xf32> to vector<256xf32>
    %broadcast_in_dim3A_422 = vector.shape_cast %reduce_min3A_421 : vector<256xf32> to vector<256x1xf32>
    %le3A_423 = vector.broadcast %broadcast_in_dim3A_422 : vector<256x1xf32> to vector<256x384xf32>
    %le3A_424 = arith.cmpf ole, %select_n3A_419, %le3A_423 : vector<256x384xf32>
    %jit3A_425 = arith.constant 1.000000e+09 : f32
    %broadcast_in_dim3A_426 = vector.broadcast %jit3A_425 : f32 to vector<256x384xf32>
    %select_n3A_427 = arith.select %le3A_424, %convert_element_type3A, %broadcast_in_dim3A_426 : vector<256x384xi1>, vector<256x384xf32>
    %reduce_min3A_428 = arith.constant dense<0x7F800000> : vector<256xf32>
    %reduce_min3A_429 = vector.multi_reduction <minimumf>, %select_n3A_427, %reduce_min3A_428 [1] : vector<256x384xf32> to vector<256xf32>
    %broadcast_in_dim3A_430 = vector.shape_cast %reduce_min3A_429 : vector<256xf32> to vector<256x1xf32>
    %eq3A_431 = vector.broadcast %broadcast_in_dim3A_430 : vector<256x1xf32> to vector<256x384xf32>
    %eq3A_432 = arith.cmpf oeq, %convert_element_type3A, %eq3A_431 : vector<256x384xf32>
    %jit3A_433 = arith.constant 0x7F800000 : f32
    %broadcast_in_dim3A_434 = vector.broadcast %jit3A_433 : f32 to vector<256x384xf32>
    %select_n3A_435 = arith.select %eq3A_432, %broadcast_in_dim3A_434, %select_n3A_419 : vector<256x384xi1>, vector<256x384xf32>
    %reduce_min3A_436 = arith.constant dense<0x7F800000> : vector<256xf32>
    %reduce_min3A_437 = vector.multi_reduction <minimumf>, %select_n3A_435, %reduce_min3A_436 [1] : vector<256x384xf32> to vector<256xf32>
    %broadcast_in_dim3A_438 = vector.shape_cast %reduce_min3A_437 : vector<256xf32> to vector<256x1xf32>
    %le3A_439 = vector.broadcast %broadcast_in_dim3A_438 : vector<256x1xf32> to vector<256x384xf32>
    %le3A_440 = arith.cmpf ole, %select_n3A_435, %le3A_439 : vector<256x384xf32>
    %jit3A_441 = arith.constant 1.000000e+09 : f32
    %broadcast_in_dim3A_442 = vector.broadcast %jit3A_441 : f32 to vector<256x384xf32>
    %select_n3A_443 = arith.select %le3A_440, %convert_element_type3A, %broadcast_in_dim3A_442 : vector<256x384xi1>, vector<256x384xf32>
    %reduce_min3A_444 = arith.constant dense<0x7F800000> : vector<256xf32>
    %reduce_min3A_445 = vector.multi_reduction <minimumf>, %select_n3A_443, %reduce_min3A_444 [1] : vector<256x384xf32> to vector<256xf32>
    %broadcast_in_dim3A_446 = vector.shape_cast %reduce_min3A_445 : vector<256xf32> to vector<256x1xf32>
    %eq3A_447 = vector.broadcast %broadcast_in_dim3A_446 : vector<256x1xf32> to vector<256x384xf32>
    %eq3A_448 = arith.cmpf oeq, %convert_element_type3A, %eq3A_447 : vector<256x384xf32>
    %jit3A_449 = arith.constant 0x7F800000 : f32
    %broadcast_in_dim3A_450 = vector.broadcast %jit3A_449 : f32 to vector<256x384xf32>
    %select_n3A_451 = arith.select %eq3A_448, %broadcast_in_dim3A_450, %select_n3A_435 : vector<256x384xi1>, vector<256x384xf32>
    %reduce_min3A_452 = arith.constant dense<0x7F800000> : vector<256xf32>
    %reduce_min3A_453 = vector.multi_reduction <minimumf>, %select_n3A_451, %reduce_min3A_452 [1] : vector<256x384xf32> to vector<256xf32>
    %broadcast_in_dim3A_454 = vector.shape_cast %reduce_min3A_453 : vector<256xf32> to vector<256x1xf32>
    %le3A_455 = vector.broadcast %broadcast_in_dim3A_454 : vector<256x1xf32> to vector<256x384xf32>
    %le3A_456 = arith.cmpf ole, %select_n3A_451, %le3A_455 : vector<256x384xf32>
    %jit3A_457 = arith.constant 1.000000e+09 : f32
    %broadcast_in_dim3A_458 = vector.broadcast %jit3A_457 : f32 to vector<256x384xf32>
    %select_n3A_459 = arith.select %le3A_456, %convert_element_type3A, %broadcast_in_dim3A_458 : vector<256x384xi1>, vector<256x384xf32>
    %reduce_min3A_460 = arith.constant dense<0x7F800000> : vector<256xf32>
    %reduce_min3A_461 = vector.multi_reduction <minimumf>, %select_n3A_459, %reduce_min3A_460 [1] : vector<256x384xf32> to vector<256xf32>
    %broadcast_in_dim3A_462 = vector.shape_cast %reduce_min3A_461 : vector<256xf32> to vector<256x1xf32>
    %eq3A_463 = vector.broadcast %broadcast_in_dim3A_462 : vector<256x1xf32> to vector<256x384xf32>
    %eq3A_464 = arith.cmpf oeq, %convert_element_type3A, %eq3A_463 : vector<256x384xf32>
    %jit3A_465 = arith.constant 0x7F800000 : f32
    %broadcast_in_dim3A_466 = vector.broadcast %jit3A_465 : f32 to vector<256x384xf32>
    %select_n3A_467 = arith.select %eq3A_464, %broadcast_in_dim3A_466, %select_n3A_451 : vector<256x384xi1>, vector<256x384xf32>
    %reduce_min3A_468 = arith.constant dense<0x7F800000> : vector<256xf32>
    %reduce_min3A_469 = vector.multi_reduction <minimumf>, %select_n3A_467, %reduce_min3A_468 [1] : vector<256x384xf32> to vector<256xf32>
    %broadcast_in_dim3A_470 = vector.shape_cast %reduce_min3A_469 : vector<256xf32> to vector<256x1xf32>
    %le3A_471 = vector.broadcast %broadcast_in_dim3A_470 : vector<256x1xf32> to vector<256x384xf32>
    %le3A_472 = arith.cmpf ole, %select_n3A_467, %le3A_471 : vector<256x384xf32>
    %jit3A_473 = arith.constant 1.000000e+09 : f32
    %broadcast_in_dim3A_474 = vector.broadcast %jit3A_473 : f32 to vector<256x384xf32>
    %select_n3A_475 = arith.select %le3A_472, %convert_element_type3A, %broadcast_in_dim3A_474 : vector<256x384xi1>, vector<256x384xf32>
    %reduce_min3A_476 = arith.constant dense<0x7F800000> : vector<256xf32>
    %reduce_min3A_477 = vector.multi_reduction <minimumf>, %select_n3A_475, %reduce_min3A_476 [1] : vector<256x384xf32> to vector<256xf32>
    %broadcast_in_dim3A_478 = vector.shape_cast %reduce_min3A_477 : vector<256xf32> to vector<256x1xf32>
    %eq3A_479 = vector.broadcast %broadcast_in_dim3A_478 : vector<256x1xf32> to vector<256x384xf32>
    %eq3A_480 = arith.cmpf oeq, %convert_element_type3A, %eq3A_479 : vector<256x384xf32>
    %jit3A_481 = arith.constant 0x7F800000 : f32
    %broadcast_in_dim3A_482 = vector.broadcast %jit3A_481 : f32 to vector<256x384xf32>
    %select_n3A_483 = arith.select %eq3A_480, %broadcast_in_dim3A_482, %select_n3A_467 : vector<256x384xi1>, vector<256x384xf32>
    %reduce_min3A_484 = arith.constant dense<0x7F800000> : vector<256xf32>
    %reduce_min3A_485 = vector.multi_reduction <minimumf>, %select_n3A_483, %reduce_min3A_484 [1] : vector<256x384xf32> to vector<256xf32>
    %broadcast_in_dim3A_486 = vector.shape_cast %reduce_min3A_485 : vector<256xf32> to vector<256x1xf32>
    %le3A_487 = vector.broadcast %broadcast_in_dim3A_486 : vector<256x1xf32> to vector<256x384xf32>
    %le3A_488 = arith.cmpf ole, %select_n3A_483, %le3A_487 : vector<256x384xf32>
    %jit3A_489 = arith.constant 1.000000e+09 : f32
    %broadcast_in_dim3A_490 = vector.broadcast %jit3A_489 : f32 to vector<256x384xf32>
    %select_n3A_491 = arith.select %le3A_488, %convert_element_type3A, %broadcast_in_dim3A_490 : vector<256x384xi1>, vector<256x384xf32>
    %reduce_min3A_492 = arith.constant dense<0x7F800000> : vector<256xf32>
    %reduce_min3A_493 = vector.multi_reduction <minimumf>, %select_n3A_491, %reduce_min3A_492 [1] : vector<256x384xf32> to vector<256xf32>
    %broadcast_in_dim3A_494 = vector.shape_cast %reduce_min3A_493 : vector<256xf32> to vector<256x1xf32>
    %eq3A_495 = vector.broadcast %broadcast_in_dim3A_494 : vector<256x1xf32> to vector<256x384xf32>
    %eq3A_496 = arith.cmpf oeq, %convert_element_type3A, %eq3A_495 : vector<256x384xf32>
    %jit3A_497 = arith.constant 0x7F800000 : f32
    %broadcast_in_dim3A_498 = vector.broadcast %jit3A_497 : f32 to vector<256x384xf32>
    %select_n3A_499 = arith.select %eq3A_496, %broadcast_in_dim3A_498, %select_n3A_483 : vector<256x384xi1>, vector<256x384xf32>
    %reduce_min3A_500 = arith.constant dense<0x7F800000> : vector<256xf32>
    %reduce_min3A_501 = vector.multi_reduction <minimumf>, %select_n3A_499, %reduce_min3A_500 [1] : vector<256x384xf32> to vector<256xf32>
    %broadcast_in_dim3A_502 = vector.shape_cast %reduce_min3A_501 : vector<256xf32> to vector<256x1xf32>
    %le3A_503 = vector.broadcast %broadcast_in_dim3A_502 : vector<256x1xf32> to vector<256x384xf32>
    %le3A_504 = arith.cmpf ole, %select_n3A_499, %le3A_503 : vector<256x384xf32>
    %jit3A_505 = arith.constant 1.000000e+09 : f32
    %broadcast_in_dim3A_506 = vector.broadcast %jit3A_505 : f32 to vector<256x384xf32>
    %select_n3A_507 = arith.select %le3A_504, %convert_element_type3A, %broadcast_in_dim3A_506 : vector<256x384xi1>, vector<256x384xf32>
    %reduce_min3A_508 = arith.constant dense<0x7F800000> : vector<256xf32>
    %reduce_min3A_509 = vector.multi_reduction <minimumf>, %select_n3A_507, %reduce_min3A_508 [1] : vector<256x384xf32> to vector<256xf32>
    %broadcast_in_dim3A_510 = vector.shape_cast %reduce_min3A_509 : vector<256xf32> to vector<256x1xf32>
    %eq3A_511 = vector.broadcast %broadcast_in_dim3A_510 : vector<256x1xf32> to vector<256x384xf32>
    %eq3A_512 = arith.cmpf oeq, %convert_element_type3A, %eq3A_511 : vector<256x384xf32>
    %jit3A_513 = arith.constant 0x7F800000 : f32
    %broadcast_in_dim3A_514 = vector.broadcast %jit3A_513 : f32 to vector<256x384xf32>
    %select_n3A_515 = arith.select %eq3A_512, %broadcast_in_dim3A_514, %select_n3A_499 : vector<256x384xi1>, vector<256x384xf32>
    %reduce_min3A_516 = arith.constant dense<0x7F800000> : vector<256xf32>
    %reduce_min3A_517 = vector.multi_reduction <minimumf>, %select_n3A_515, %reduce_min3A_516 [1] : vector<256x384xf32> to vector<256xf32>
    %broadcast_in_dim3A_518 = vector.shape_cast %reduce_min3A_517 : vector<256xf32> to vector<256x1xf32>
    %le3A_519 = vector.broadcast %broadcast_in_dim3A_518 : vector<256x1xf32> to vector<256x384xf32>
    %le3A_520 = arith.cmpf ole, %select_n3A_515, %le3A_519 : vector<256x384xf32>
    %jit3A_521 = arith.constant 1.000000e+09 : f32
    %broadcast_in_dim3A_522 = vector.broadcast %jit3A_521 : f32 to vector<256x384xf32>
    %select_n3A_523 = arith.select %le3A_520, %convert_element_type3A, %broadcast_in_dim3A_522 : vector<256x384xi1>, vector<256x384xf32>
    %reduce_min3A_524 = arith.constant dense<0x7F800000> : vector<256xf32>
    %reduce_min3A_525 = vector.multi_reduction <minimumf>, %select_n3A_523, %reduce_min3A_524 [1] : vector<256x384xf32> to vector<256xf32>
    %broadcast_in_dim3A_526 = vector.shape_cast %reduce_min3A_525 : vector<256xf32> to vector<256x1xf32>
    %concatenate3A_527 = tpu.concatenate %broadcast_in_dim3A_287, %broadcast_in_dim3A_302, %broadcast_in_dim3A_318, %broadcast_in_dim3A_334, %broadcast_in_dim3A_350, %broadcast_in_dim3A_366, %broadcast_in_dim3A_382, %broadcast_in_dim3A_398, %broadcast_in_dim3A_414, %broadcast_in_dim3A_430, %broadcast_in_dim3A_446, %broadcast_in_dim3A_462, %broadcast_in_dim3A_478, %broadcast_in_dim3A_494, %broadcast_in_dim3A_510, %broadcast_in_dim3A_526 in 1 : vector<256x1xf32>, vector<256x1xf32>, vector<256x1xf32>, vector<256x1xf32>, vector<256x1xf32>, vector<256x1xf32>, vector<256x1xf32>, vector<256x1xf32>, vector<256x1xf32>, vector<256x1xf32>, vector<256x1xf32>, vector<256x1xf32>, vector<256x1xf32>, vector<256x1xf32>, vector<256x1xf32>, vector<256x1xf32> -> vector<256x16xf32>
    %convert_element_type3A_528 = arith.fptosi %concatenate3A_527 : vector<256x16xf32> to vector<256x16xi32>
    %mul3A_529 = arith.constant 2048 : i32
    %mul3A_530 = arith.muli %arg0, %mul3A_529 : i32
    %add3A_531 = vector.broadcast %mul3A_530 : i32 to vector<256x16xi32>
    %add3A_532 = arith.addi %convert_element_type3A_528, %add3A_531 : vector<256x16xi32>
    %swap3A = arith.constant 0 : index
    %swap3A_533 = arith.constant 0 : index
    %swap3A_534 = vector.load %arg8[%swap3A, %swap3A_533] : memref<256x16xi32, #tpu.memory_space<vmem>>, vector<256x16xi32>
    tpu.vector_store %arg8[%swap3A, %swap3A_533], %add3A_532 {strides = array<i32>} : memref<256x16xi32, #tpu.memory_space<vmem>>, vector<256x16xi32>,
    %get3A_535 = arith.constant 0 : index
    %get3A_536 = arith.constant 0 : index
    %get3A_537 = vector.load %arg5[%get3A_535, %get3A_536] : memref<64x64xf32, #tpu.memory_space<vmem>>, vector<64x64xf32>
    %dot_general3A_538 = arith.constant dense<0.000000e+00> : vector<256x64xf32>
    %dot_general3A_539 = tpu.matmul %get3A_9, %get3A_537, %dot_general3A_538 {dimension_numbers = #tpu.dot_dimension_numbers<[1], [0], [0], [1], [0, 0, 1, 1], [], []>, transpose_lhs_hint = false} : vector<256x64xf32>, vector<64x64xf32>, vector<256x64xf32> -> vector<256x64xf32>
    %swap3A_540 = arith.constant 0 : index
    %swap3A_541 = arith.constant 0 : index
    %swap3A_542 = vector.load %arg9[%swap3A_540, %swap3A_541] : memref<256x64xf32, #tpu.memory_space<vmem>>, vector<256x64xf32>
    tpu.vector_store %arg9[%swap3A_540, %swap3A_541], %dot_general3A_539 {strides = array<i32>} : memref<256x64xf32, #tpu.memory_space<vmem>>, vector<256x64xf32>,
    %get3A_543 = arith.constant 0 : index
    %get3A_544 = arith.constant 0 : index
    %get3A_545 = vector.load %arg6[%get3A_543, %get3A_544] : memref<64x64xf32, #tpu.memory_space<vmem>>, vector<64x64xf32>
    %dot_general3A_546 = arith.constant dense<0.000000e+00> : vector<256x64xf32>
    %dot_general3A_547 = tpu.matmul %get3A_9, %get3A_545, %dot_general3A_546 {dimension_numbers = #tpu.dot_dimension_numbers<[1], [0], [0], [1], [0, 0, 1, 1], [], []>, transpose_lhs_hint = false} : vector<256x64xf32>, vector<64x64xf32>, vector<256x64xf32> -> vector<256x64xf32>
    %get3A_548 = arith.constant 0 : index
    %get3A_549 = arith.constant 0 : index
    %get3A_550 = vector.load %arg7[%get3A_548, %get3A_549] : memref<64x64xf32, #tpu.memory_space<vmem>>, vector<64x64xf32>
    %dot_general3A_551 = arith.constant dense<0.000000e+00> : vector<256x64xf32>
    %dot_general3A_552 = tpu.matmul %get3A_9, %get3A_550, %dot_general3A_551 {dimension_numbers = #tpu.dot_dimension_numbers<[1], [0], [0], [1], [0, 0, 1, 1], [], []>, transpose_lhs_hint = false} : vector<256x64xf32>, vector<64x64xf32>, vector<256x64xf32> -> vector<256x64xf32>
    %convert_element_type3A_553 = arith.truncf %dot_general3A_547 : vector<256x64xf32> to vector<256x64xbf16>
    %bitcast_convert_type3A = tpu.bitcast %convert_element_type3A_553 : vector<256x64xbf16> -> vector<256x64xi16>
    %convert_element_type3A_554 = arith.extui %bitcast_convert_type3A : vector<256x64xi16> to vector<256x64xi32>
    %convert_element_type3A_555 = arith.truncf %dot_general3A_552 : vector<256x64xf32> to vector<256x64xbf16>
    %bitcast_convert_type3A_556 = tpu.bitcast %convert_element_type3A_555 : vector<256x64xbf16> -> vector<256x64xi16>
    %convert_element_type3A_557 = arith.extui %bitcast_convert_type3A_556 : vector<256x64xi16> to vector<256x64xi32>
    %shift_left3A = arith.constant 16 : i32
    %shift_left3A_558 = vector.broadcast %shift_left3A : i32 to vector<256x64xi32>
    %shift_left3A_559 = arith.shli %convert_element_type3A_557, %shift_left3A_558 : vector<256x64xi32>
    %or3A = arith.ori %convert_element_type3A_554, %shift_left3A_559 : vector<256x64xi32>
    %bitcast_convert_type3A_560 = tpu.bitcast %or3A : vector<256x64xi32> -> vector<256x64xf32>
    %broadcast_in_dim3A_561 = arith.constant 0.000000e+00 : f32
    %broadcast_in_dim3A_562 = vector.broadcast %broadcast_in_dim3A_561 : f32 to vector<256x56xf32>
    %concatenate3A_563 = tpu.concatenate %bitcast_convert_type3A_560, %get3A_1, %broadcast_in_dim3A_562 in 1 : vector<256x64xf32>, vector<256x8xf32>, vector<256x56xf32> -> vector<256x128xf32>
    %swap3A_564 = arith.constant 0 : index
    %swap3A_565 = arith.constant 0 : index
    %swap3A_566 = vector.load %arg10[%swap3A_564, %swap3A_565] : memref<256x128xf32, #tpu.memory_space<vmem>>, vector<256x128xf32>
    tpu.vector_store %arg10[%swap3A_564, %swap3A_565], %concatenate3A_563 {strides = array<i32>} : memref<256x128xf32, #tpu.memory_space<vmem>>, vector<256x128xf32>,
    return
  }
  func.func @transform_0(%arg0: i32, %arg1: i32) -> (i32, i32) {
    %mul3A = arith.constant 8 : i32
    %mul3A_0 = arith.muli %arg0, %mul3A : i32
    %add3A = arith.addi %mul3A_0, %arg1 : i32
    %c0_i32 = arith.constant 0 : i32
    %c0_i32_1 = arith.constant 0 : i32
    return %add3A, %c0_i32 : i32, i32
  }
  func.func @transform_1(%arg0: i32, %arg1: i32) -> (i32, i32, i32) {
    %c0_i32 = arith.constant 0 : i32
    %c0_i32_0 = arith.constant 0 : i32
    %c0_i32_1 = arith.constant 0 : i32
    return %arg0, %c0_i32, %c0_i32_0 : i32, i32, i32
  }
  func.func @transform_2(%arg0: i32, %arg1: i32) -> (i32, i32) {
    %mul3A = arith.constant 8 : i32
    %mul3A_0 = arith.muli %arg0, %mul3A : i32
    %add3A = arith.addi %mul3A_0, %arg1 : i32
    %c0_i32 = arith.constant 0 : i32
    %c0_i32_1 = arith.constant 0 : i32
    return %add3A, %c0_i32 : i32, i32
  }
  func.func @transform_3(%arg0: i32, %arg1: i32) -> (i32, i32) {
    %c0_i32 = arith.constant 0 : i32
    %c0_i32_0 = arith.constant 0 : i32
    %c0_i32_1 = arith.constant 0 : i32
    return %c0_i32, %c0_i32_0 : i32, i32
  }
  func.func @transform_4(%arg0: i32, %arg1: i32) -> (i32, i32) {
    %c0_i32 = arith.constant 0 : i32
    %c0_i32_0 = arith.constant 0 : i32
    %c0_i32_1 = arith.constant 0 : i32
    return %c0_i32, %c0_i32_0 : i32, i32
  }
  func.func @transform_5(%arg0: i32, %arg1: i32) -> (i32, i32) {
    %c0_i32 = arith.constant 0 : i32
    %c0_i32_0 = arith.constant 0 : i32
    %c0_i32_1 = arith.constant 0 : i32
    return %c0_i32, %c0_i32_0 : i32, i32
  }
  func.func @transform_6(%arg0: i32, %arg1: i32) -> (i32, i32) {
    %mul3A = arith.constant 8 : i32
    %mul3A_0 = arith.muli %arg0, %mul3A : i32
    %add3A = arith.addi %mul3A_0, %arg1 : i32
    %c0_i32 = arith.constant 0 : i32
    %c0_i32_1 = arith.constant 0 : i32
    return %add3A, %c0_i32 : i32, i32
  }
  func.func @transform_7(%arg0: i32, %arg1: i32) -> (i32, i32) {
    %mul3A = arith.constant 8 : i32
    %mul3A_0 = arith.muli %arg0, %mul3A : i32
    %add3A = arith.addi %mul3A_0, %arg1 : i32
    %c0_i32 = arith.constant 0 : i32
    %c0_i32_1 = arith.constant 0 : i32
    return %add3A, %c0_i32 : i32, i32
  }
  func.func @transform_8(%arg0: i32, %arg1: i32) -> (i32, i32) {
    %mul3A = arith.constant 8 : i32
    %mul3A_0 = arith.muli %arg0, %mul3A : i32
    %add3A = arith.addi %mul3A_0, %arg1 : i32
    %c0_i32 = arith.constant 0 : i32
    %c0_i32_1 = arith.constant 0 : i32
    return %add3A, %c0_i32 : i32, i32
  }
}

module attributes {stable_mosaic.version = 14 : i64} {
  func.func @_stage_c_body(%arg0: i32, %arg1: memref<16x256x128xf32, #tpu.memory_space<vmem>>, %arg2: memref<256x64xf32, #tpu.memory_space<vmem>>, %arg3: memref<256x16xf32, #tpu.memory_space<vmem>>, %arg4: memref<256x64xf32, #tpu.memory_space<vmem>>, %arg5: memref<16x64xbf16, #tpu.memory_space<vmem>>, %arg6: memref<1x64xf32, #tpu.memory_space<vmem>>, %arg7: memref<64x64xbf16, #tpu.memory_space<vmem>>, %arg8: memref<1x64xf32, #tpu.memory_space<vmem>>, %arg9: memref<64x256xbf16, #tpu.memory_space<vmem>>, %arg10: memref<1x256xf32, #tpu.memory_space<vmem>>, %arg11: memref<256x64xbf16, #tpu.memory_space<vmem>>, %arg12: memref<1x64xf32, #tpu.memory_space<vmem>>, %arg13: memref<64x64xf32, #tpu.memory_space<vmem>>, %arg14: memref<1x64xf32, #tpu.memory_space<vmem>>, %arg15: memref<256x64xf32, #tpu.memory_space<vmem>>) attributes {dimension_semantics = [#tpu.dimension_semantics<arbitrary>], iteration_bounds = array<i64: 16>, scalar_prefetch = 0 : i64, scratch_operands = 0 : i64, tpu.core_type = #tpu.core_type<tc>, window_params = [{transform_indices = @transform_0, window_bounds = array<i64: 16, 256, 128>}, {transform_indices = @transform_1, window_bounds = array<i64: 256, 64>}, {transform_indices = @transform_2, window_bounds = array<i64: 256, 16>}, {transform_indices = @transform_3, window_bounds = array<i64: 256, 64>}, {pipeline_mode = #tpu.pipeline_mode<synchronous>, transform_indices = @transform_4, window_bounds = array<i64: 16, 64>}, {pipeline_mode = #tpu.pipeline_mode<synchronous>, transform_indices = @transform_5, window_bounds = array<i64: 1, 64>}, {pipeline_mode = #tpu.pipeline_mode<synchronous>, transform_indices = @transform_6, window_bounds = array<i64: 64, 64>}, {pipeline_mode = #tpu.pipeline_mode<synchronous>, transform_indices = @transform_7, window_bounds = array<i64: 1, 64>}, {pipeline_mode = #tpu.pipeline_mode<synchronous>, transform_indices = @transform_8, window_bounds = array<i64: 64, 256>}, {pipeline_mode = #tpu.pipeline_mode<synchronous>, transform_indices = @transform_9, window_bounds = array<i64: 1, 256>}, {pipeline_mode = #tpu.pipeline_mode<synchronous>, transform_indices = @transform_10, window_bounds = array<i64: 256, 64>}, {pipeline_mode = #tpu.pipeline_mode<synchronous>, transform_indices = @transform_11, window_bounds = array<i64: 1, 64>}, {pipeline_mode = #tpu.pipeline_mode<synchronous>, transform_indices = @transform_12, window_bounds = array<i64: 64, 64>}, {pipeline_mode = #tpu.pipeline_mode<synchronous>, transform_indices = @transform_13, window_bounds = array<i64: 1, 64>}, {transform_indices = @transform_14, window_bounds = array<i64: 256, 64>}]} {
    %get3A = arith.constant 0 : index
    %get3A_0 = arith.constant 0 : index
    %get3A_1 = arith.constant 0 : index
    %get3A_2 = vector.load %arg1[%get3A, %get3A_0, %get3A_1] : memref<16x256x128xf32, #tpu.memory_space<vmem>>, vector<16x256x128xf32>
    %slice3A = vector.extract_strided_slice %get3A_2 {offsets = [0, 0, 0], sizes = [16, 256, 64], strides = [1, 1, 1]} : vector<16x256x128xf32> to vector<16x256x64xf32>
    %bitcast_convert_type3A = tpu.bitcast %slice3A : vector<16x256x64xf32> -> vector<16x256x64xi32>
    %shift_left3A = arith.constant 16 : i32
    %shift_left3A_3 = vector.broadcast %shift_left3A : i32 to vector<16x256x64xi32>
    %shift_left3A_4 = arith.shli %bitcast_convert_type3A, %shift_left3A_3 : vector<16x256x64xi32>
    %bitcast_convert_type3A_5 = tpu.bitcast %shift_left3A_4 : vector<16x256x64xi32> -> vector<16x256x64xf32>
    %and3A = arith.constant -65536 : i32
    %and3A_6 = vector.broadcast %and3A : i32 to vector<16x256x64xi32>
    %and3A_7 = arith.andi %bitcast_convert_type3A, %and3A_6 : vector<16x256x64xi32>
    %bitcast_convert_type3A_8 = tpu.bitcast %and3A_7 : vector<16x256x64xi32> -> vector<16x256x64xf32>
    %slice3A_9 = vector.extract_strided_slice %get3A_2 {offsets = [0, 0, 64], sizes = [16, 256, 16], strides = [1, 1, 1]} : vector<16x256x128xf32> to vector<16x256x16xf32>
    %get3A_10 = arith.constant 0 : index
    %get3A_11 = arith.constant 0 : index
    %get3A_12 = vector.load %arg3[%get3A_10, %get3A_11] : memref<256x16xf32, #tpu.memory_space<vmem>>, vector<256x16xf32>
    %broadcast_in_dim3A = vector.shape_cast %get3A_12 : vector<256x16xf32> to vector<1x256x16xf32>
    %sub3A = vector.broadcast %broadcast_in_dim3A : vector<1x256x16xf32> to vector<16x256x16xf32>
    %sub3A_13 = arith.subf %sub3A, %slice3A_9 : vector<16x256x16xf32>
    %reshape3A = vector.shape_cast %sub3A_13 : vector<16x256x16xf32> to vector<4096x16xf32>
    %convert_element_type3A = arith.truncf %reshape3A : vector<4096x16xf32> to vector<4096x16xbf16>
    %get3A_14 = arith.constant 0 : index
    %get3A_15 = arith.constant 0 : index
    %get3A_16 = vector.load %arg5[%get3A_14, %get3A_15] : memref<16x64xbf16, #tpu.memory_space<vmem>>, vector<16x64xbf16>
    %dot_general3A = arith.constant dense<0.000000e+00> : vector<4096x64xf32>
    %dot_general3A_17 = tpu.matmul %convert_element_type3A, %get3A_16, %dot_general3A {dimension_numbers = #tpu.dot_dimension_numbers<[1], [0], [0], [1], [0, 0, 1, 1], [], []>, transpose_lhs_hint = false} : vector<4096x16xbf16>, vector<16x64xbf16>, vector<4096x64xf32> -> vector<4096x64xf32>
    %get3A_18 = arith.constant 0 : index
    %get3A_19 = arith.constant 0 : index
    %get3A_20 = vector.load %arg6[%get3A_18, %get3A_19] : memref<1x64xf32, #tpu.memory_space<vmem>>, vector<1x64xf32>
    %add3A = vector.broadcast %get3A_20 : vector<1x64xf32> to vector<4096x64xf32>
    %add3A_21 = arith.addf %dot_general3A_17, %add3A : vector<4096x64xf32>
    %max3A = arith.constant 0.000000e+00 : f32
    %max3A_22 = vector.broadcast %max3A : f32 to vector<4096x64xf32>
    %max3A_23 = arith.maximumf %add3A_21, %max3A_22 : vector<4096x64xf32>
    %convert_element_type3A_24 = arith.truncf %max3A_23 : vector<4096x64xf32> to vector<4096x64xbf16>
    %get3A_25 = arith.constant 0 : index
    %get3A_26 = arith.constant 0 : index
    %get3A_27 = vector.load %arg7[%get3A_25, %get3A_26] : memref<64x64xbf16, #tpu.memory_space<vmem>>, vector<64x64xbf16>
    %dot_general3A_28 = arith.constant dense<0.000000e+00> : vector<4096x64xf32>
    %dot_general3A_29 = tpu.matmul %convert_element_type3A_24, %get3A_27, %dot_general3A_28 {dimension_numbers = #tpu.dot_dimension_numbers<[1], [0], [0], [1], [0, 0, 1, 1], [], []>, transpose_lhs_hint = false} : vector<4096x64xbf16>, vector<64x64xbf16>, vector<4096x64xf32> -> vector<4096x64xf32>
    %get3A_30 = arith.constant 0 : index
    %get3A_31 = arith.constant 0 : index
    %get3A_32 = vector.load %arg8[%get3A_30, %get3A_31] : memref<1x64xf32, #tpu.memory_space<vmem>>, vector<1x64xf32>
    %add3A_33 = vector.broadcast %get3A_32 : vector<1x64xf32> to vector<4096x64xf32>
    %add3A_34 = arith.addf %dot_general3A_29, %add3A_33 : vector<4096x64xf32>
    %get3A_35 = arith.constant 0 : index
    %get3A_36 = arith.constant 0 : index
    %get3A_37 = vector.load %arg2[%get3A_35, %get3A_36] : memref<256x64xf32, #tpu.memory_space<vmem>>, vector<256x64xf32>
    %reshape3A_38 = vector.shape_cast %add3A_34 : vector<4096x64xf32> to vector<16x256x64xf32>
    %broadcast_in_dim3A_39 = vector.shape_cast %get3A_37 : vector<256x64xf32> to vector<1x256x64xf32>
    %sub3A_40 = vector.broadcast %broadcast_in_dim3A_39 : vector<1x256x64xf32> to vector<16x256x64xf32>
    %sub3A_41 = arith.subf %sub3A_40, %bitcast_convert_type3A_5 : vector<16x256x64xf32>
    %add3A_42 = arith.addf %sub3A_41, %reshape3A_38 : vector<16x256x64xf32>
    %reshape3A_43 = vector.shape_cast %add3A_42 : vector<16x256x64xf32> to vector<4096x64xf32>
    %convert_element_type3A_44 = arith.truncf %reshape3A_43 : vector<4096x64xf32> to vector<4096x64xbf16>
    %get3A_45 = arith.constant 0 : index
    %get3A_46 = arith.constant 0 : index
    %get3A_47 = vector.load %arg9[%get3A_45, %get3A_46] : memref<64x256xbf16, #tpu.memory_space<vmem>>, vector<64x256xbf16>
    %dot_general3A_48 = arith.constant dense<0.000000e+00> : vector<4096x256xf32>
    %dot_general3A_49 = tpu.matmul %convert_element_type3A_44, %get3A_47, %dot_general3A_48 {dimension_numbers = #tpu.dot_dimension_numbers<[1], [0], [0], [1], [0, 0, 1, 1], [], []>, transpose_lhs_hint = false} : vector<4096x64xbf16>, vector<64x256xbf16>, vector<4096x256xf32> -> vector<4096x256xf32>
    %get3A_50 = arith.constant 0 : index
    %get3A_51 = arith.constant 0 : index
    %get3A_52 = vector.load %arg10[%get3A_50, %get3A_51] : memref<1x256xf32, #tpu.memory_space<vmem>>, vector<1x256xf32>
    %add3A_53 = vector.broadcast %get3A_52 : vector<1x256xf32> to vector<4096x256xf32>
    %add3A_54 = arith.addf %dot_general3A_49, %add3A_53 : vector<4096x256xf32>
    %max3A_55 = arith.constant 0.000000e+00 : f32
    %max3A_56 = vector.broadcast %max3A_55 : f32 to vector<4096x256xf32>
    %max3A_57 = arith.maximumf %add3A_54, %max3A_56 : vector<4096x256xf32>
    %convert_element_type3A_58 = arith.truncf %max3A_57 : vector<4096x256xf32> to vector<4096x256xbf16>
    %get3A_59 = arith.constant 0 : index
    %get3A_60 = arith.constant 0 : index
    %get3A_61 = vector.load %arg11[%get3A_59, %get3A_60] : memref<256x64xbf16, #tpu.memory_space<vmem>>, vector<256x64xbf16>
    %dot_general3A_62 = arith.constant dense<0.000000e+00> : vector<4096x64xf32>
    %dot_general3A_63 = tpu.matmul %convert_element_type3A_58, %get3A_61, %dot_general3A_62 {dimension_numbers = #tpu.dot_dimension_numbers<[1], [0], [0], [1], [0, 0, 1, 1], [], []>, transpose_lhs_hint = false} : vector<4096x256xbf16>, vector<256x64xbf16>, vector<4096x64xf32> -> vector<4096x64xf32>
    %get3A_64 = arith.constant 0 : index
    %get3A_65 = arith.constant 0 : index
    %get3A_66 = vector.load %arg12[%get3A_64, %get3A_65] : memref<1x64xf32, #tpu.memory_space<vmem>>, vector<1x64xf32>
    %add3A_67 = vector.broadcast %get3A_66 : vector<1x64xf32> to vector<4096x64xf32>
    %add3A_68 = arith.addf %dot_general3A_63, %add3A_67 : vector<4096x64xf32>
    %sqrt3A = arith.constant 6.400000e+01 : f32
    %sqrt3A_69 = math.sqrt %sqrt3A : f32
    %div3A = arith.constant 1.000000e+00 : f32
    %div3A_70 = arith.divf %div3A, %sqrt3A_69 : f32
    %mul3A = vector.broadcast %div3A_70 : f32 to vector<4096x64xf32>
    %mul3A_71 = arith.mulf %add3A_68, %mul3A : vector<4096x64xf32>
    %reshape3A_72 = vector.shape_cast %mul3A_71 : vector<4096x64xf32> to vector<16x256x64xf32>
    %reduce_max3A = arith.constant dense<0xFF800000> : vector<256x64xf32>
    %reduce_max3A_73 = vector.multi_reduction <maximumf>, %reshape3A_72, %reduce_max3A [0] : vector<16x256x64xf32> to vector<256x64xf32>
    %broadcast_in_dim3A_74 = vector.shape_cast %reduce_max3A_73 : vector<256x64xf32> to vector<1x256x64xf32>
    %sub3A_75 = vector.broadcast %broadcast_in_dim3A_74 : vector<1x256x64xf32> to vector<16x256x64xf32>
    %sub3A_76 = arith.subf %reshape3A_72, %sub3A_75 : vector<16x256x64xf32>
    %exp3A = math.exp %sub3A_76 : vector<16x256x64xf32>
    %reduce_sum3A = arith.constant dense<0.000000e+00> : vector<256x64xf32>
    %reduce_sum3A_77 = vector.multi_reduction <add>, %exp3A, %reduce_sum3A [0] : vector<16x256x64xf32> to vector<256x64xf32>
    %broadcast_in_dim3A_78 = vector.shape_cast %reduce_sum3A_77 : vector<256x64xf32> to vector<1x256x64xf32>
    %div3A_79 = vector.broadcast %broadcast_in_dim3A_78 : vector<1x256x64xf32> to vector<16x256x64xf32>
    %div3A_80 = arith.divf %exp3A, %div3A_79 : vector<16x256x64xf32>
    %add3A_81 = arith.addf %bitcast_convert_type3A_8, %reshape3A_38 : vector<16x256x64xf32>
    %mul3A_82 = arith.mulf %div3A_80, %add3A_81 : vector<16x256x64xf32>
    %reduce_sum3A_83 = arith.constant dense<0.000000e+00> : vector<256x64xf32>
    %reduce_sum3A_84 = vector.multi_reduction <add>, %mul3A_82, %reduce_sum3A_83 [0] : vector<16x256x64xf32> to vector<256x64xf32>
    %get3A_85 = arith.constant 0 : index
    %get3A_86 = arith.constant 0 : index
    %get3A_87 = vector.load %arg13[%get3A_85, %get3A_86] : memref<64x64xf32, #tpu.memory_space<vmem>>, vector<64x64xf32>
    %dot_general3A_88 = arith.constant dense<0.000000e+00> : vector<256x64xf32>
    %dot_general3A_89 = tpu.matmul %reduce_sum3A_84, %get3A_87, %dot_general3A_88 {dimension_numbers = #tpu.dot_dimension_numbers<[1], [0], [0], [1], [0, 0, 1, 1], [], []>, transpose_lhs_hint = false} : vector<256x64xf32>, vector<64x64xf32>, vector<256x64xf32> -> vector<256x64xf32>
    %get3A_90 = arith.constant 0 : index
    %get3A_91 = arith.constant 0 : index
    %get3A_92 = vector.load %arg14[%get3A_90, %get3A_91] : memref<1x64xf32, #tpu.memory_space<vmem>>, vector<1x64xf32>
    %add3A_93 = vector.broadcast %get3A_92 : vector<1x64xf32> to vector<256x64xf32>
    %add3A_94 = arith.addf %dot_general3A_89, %add3A_93 : vector<256x64xf32>
    %get3A_95 = arith.constant 0 : index
    %get3A_96 = arith.constant 0 : index
    %get3A_97 = vector.load %arg4[%get3A_95, %get3A_96] : memref<256x64xf32, #tpu.memory_space<vmem>>, vector<256x64xf32>
    %add3A_98 = arith.addf %add3A_94, %get3A_97 : vector<256x64xf32>
    %swap3A = arith.constant 0 : index
    %swap3A_99 = arith.constant 0 : index
    %swap3A_100 = vector.load %arg15[%swap3A, %swap3A_99] : memref<256x64xf32, #tpu.memory_space<vmem>>, vector<256x64xf32>
    tpu.vector_store %arg15[%swap3A, %swap3A_99], %add3A_98 {strides = array<i32>} : memref<256x64xf32, #tpu.memory_space<vmem>>, vector<256x64xf32>,
    return
  }
  func.func @transform_0(%arg0: i32) -> (i32, i32, i32) {
    %c0_i32 = arith.constant 0 : i32
    %c0_i32_0 = arith.constant 0 : i32
    %c0_i32_1 = arith.constant 0 : i32
    return %c0_i32, %arg0, %c0_i32_0 : i32, i32, i32
  }
  func.func @transform_1(%arg0: i32) -> (i32, i32) {
    %c0_i32 = arith.constant 0 : i32
    %c0_i32_0 = arith.constant 0 : i32
    return %arg0, %c0_i32 : i32, i32
  }
  func.func @transform_2(%arg0: i32) -> (i32, i32) {
    %c0_i32 = arith.constant 0 : i32
    %c0_i32_0 = arith.constant 0 : i32
    return %arg0, %c0_i32 : i32, i32
  }
  func.func @transform_3(%arg0: i32) -> (i32, i32) {
    %c0_i32 = arith.constant 0 : i32
    %c0_i32_0 = arith.constant 0 : i32
    return %arg0, %c0_i32 : i32, i32
  }
  func.func @transform_4(%arg0: i32) -> (i32, i32) {
    %c0_i32 = arith.constant 0 : i32
    %c0_i32_0 = arith.constant 0 : i32
    %c0_i32_1 = arith.constant 0 : i32
    return %c0_i32, %c0_i32_0 : i32, i32
  }
  func.func @transform_5(%arg0: i32) -> (i32, i32) {
    %c0_i32 = arith.constant 0 : i32
    %c0_i32_0 = arith.constant 0 : i32
    %c0_i32_1 = arith.constant 0 : i32
    return %c0_i32, %c0_i32_0 : i32, i32
  }
  func.func @transform_6(%arg0: i32) -> (i32, i32) {
    %c0_i32 = arith.constant 0 : i32
    %c0_i32_0 = arith.constant 0 : i32
    %c0_i32_1 = arith.constant 0 : i32
    return %c0_i32, %c0_i32_0 : i32, i32
  }
  func.func @transform_7(%arg0: i32) -> (i32, i32) {
    %c0_i32 = arith.constant 0 : i32
    %c0_i32_0 = arith.constant 0 : i32
    %c0_i32_1 = arith.constant 0 : i32
    return %c0_i32, %c0_i32_0 : i32, i32
  }
  func.func @transform_8(%arg0: i32) -> (i32, i32) {
    %c0_i32 = arith.constant 0 : i32
    %c0_i32_0 = arith.constant 0 : i32
    %c0_i32_1 = arith.constant 0 : i32
    return %c0_i32, %c0_i32_0 : i32, i32
  }
  func.func @transform_9(%arg0: i32) -> (i32, i32) {
    %c0_i32 = arith.constant 0 : i32
    %c0_i32_0 = arith.constant 0 : i32
    %c0_i32_1 = arith.constant 0 : i32
    return %c0_i32, %c0_i32_0 : i32, i32
  }
  func.func @transform_10(%arg0: i32) -> (i32, i32) {
    %c0_i32 = arith.constant 0 : i32
    %c0_i32_0 = arith.constant 0 : i32
    %c0_i32_1 = arith.constant 0 : i32
    return %c0_i32, %c0_i32_0 : i32, i32
  }
  func.func @transform_11(%arg0: i32) -> (i32, i32) {
    %c0_i32 = arith.constant 0 : i32
    %c0_i32_0 = arith.constant 0 : i32
    %c0_i32_1 = arith.constant 0 : i32
    return %c0_i32, %c0_i32_0 : i32, i32
  }
  func.func @transform_12(%arg0: i32) -> (i32, i32) {
    %c0_i32 = arith.constant 0 : i32
    %c0_i32_0 = arith.constant 0 : i32
    %c0_i32_1 = arith.constant 0 : i32
    return %c0_i32, %c0_i32_0 : i32, i32
  }
  func.func @transform_13(%arg0: i32) -> (i32, i32) {
    %c0_i32 = arith.constant 0 : i32
    %c0_i32_0 = arith.constant 0 : i32
    %c0_i32_1 = arith.constant 0 : i32
    return %c0_i32, %c0_i32_0 : i32, i32
  }
  func.func @transform_14(%arg0: i32) -> (i32, i32) {
    %c0_i32 = arith.constant 0 : i32
    %c0_i32_0 = arith.constant 0 : i32
    return %arg0, %c0_i32 : i32, i32
  }
}

</mosaic_0001>

<sc_bundles>
// kernel: kernel.11.cloned.1.call-start
scs
__scs_entry_jumppad:
0x0: {  	(pc) =	sbr.rel $0x88, $3  }
0x1: {  	(tag) =	ssettag $0x0;
	lr =	simm.s32 $0x1  }
0x2: {  	[smem:$0x3F92] =	sst lr;
	_ =	strace $0xD0000000  }
0x3: {  	_ = 	snop  }
0x4: {  	_ = 	snop  }
0x5: {  	_ = 	snop  }
0x6: {  	_ = 	snop  }
0x7: {  	_ = 	snop  }
__scs_overlays_trampoline_lowered:
0x8: {  	[smem:$0x3FA1] =	sst s0  }
0x9: {  	[smem:$0x3FA2] =	sst s1  }
0xa: {  	[smem:$0x3FA3] =	sst s2  }
0xb: {  	[smem:$0x3FA4] =	sst s3  }
0xc: {  	[smem:$0x3FA5] =	sst s4  }
0xd: {  	[smem:$0x3FA6] =	sst s5  }
0xe: {  	[smem:$0x3FA7] =	sst s6  }
0xf: {  	[smem:$0x3FA8] =	sst s7  }
0x10: {  	[smem:$0x3FA9] =	sst s8  }
0x11: {  	[smem:$0x3FAA] =	sst s9;
	s0 =	simm.s32 @!p0 $0x0  }
0x12: {  	s1 =	sld [smem:$0x3F90];
	s0 =	simm.s32 @p0 $0x1  }
0x13: {  	[smem:$0x3FAB] =	sst s0;
	s0 =	simm.s32 @!p1 $0x0  }
0x14: {  	s2 =	sld [smem:$0x3F8F];
	s0 =	simm.s32 @p1 $0x1  }
0x15: {  	[smem:$0x3FAC] =	sst s0;
	s0 =	simm.s32 @!p2 $0x0  }
0x16: {  	s3 =	sld [smem:$0x3FDB];
	s0 =	simm.s32 @p2 $0x1  }
0x17: {  	s4 =	simm.s32 $0x1BF5;
	[smem:$0x3FAE] =	sst s0  }
0x18: {  	s0 =	sld [smem:$0x3F91];
	_ =	swait.ge [sflag:s4], $0x0  }
0x19: {  	s7 =	sld [smem:$0x3F92]  }
0x1a: {  	s8 =	sadd.s32 $0xFFFFE003, lr  }
0x1b: {  	s9 =	sadd.s32 $0xFFFFFEF7, lr;
	s5 =	simm.s32 $0xFFFFFFFF;
	p2 =	slt.u32 s8, $0xFFFFF086  }
0x1c: {  	p1 =	slt.u32 s9, $0xF7A;
	s5 =	simm.s32 @!p2 $0x0  }
0x1d: {  	s5 =	simm.s32 @p1 $0x1;
	p0 =	seq.s32 s7, s2  }
0x1e: {  	s7 =	smul.u32 @!p0 $0xF7A, s2;
	p2 =	seq.s32 @!p0 s5, $0x0  }
0x1f: {  	s9 =	smul.u32 $0xF7A, s1;
	s8 =	simm.s32 @!p0 $0x1BF5;
	p2 =	por !p2, p0  }
0x20: {  	[sflag:s8] =	ssyncset.s32 @!p0 $0xFFFFF086;
	s6 =	sadd.s32 @!p0 s3, s7;
	s7 =	simm.s32 @!p0 $0x108  }
0x21: {  	s3 =	sadd.s32 s3, s9;
	s6 =	sadd.s32 @!p0 $0x88, s6;
	s7 =	simm.s32 @p2 $0x1082  }
0x22: {  	[simem:s7], [sflag:s8] =	dma.local @!p0 [hbm:s6], $0xF7A  }
0x23: {  	s9 =	sor.u32 $0xD0000000, s2;
	s6 =	simm.s32 $0x108;
	_ =	swait.ge @!p0 [sflag:s8], $0x0  }
0x24: {  	s3 =	sadd.s32 $0x88, s3;
	s6 =	simm.s32 @!p1 $0x1082;
	[sflag:s4] =	ssyncset.s32 $0xFFFFF086  }
0x25: {  	[simem:s6], [sflag:s4] =	dma.local [hbm:s3], $0xF7A  }
0x26: {  	[smem:$0x3F92] =	sst s1;
	(tag) =	ssettag s2;
	_ =	strace s9  }
0x27: {  	s1 =	sld [smem:$0x3FA2]  }
0x28: {  	s2 =	sld [smem:$0x3FA3]  }
0x29: {  	s4 =	sld [smem:$0x3FA5]  }
0x2a: {  	p0 =	seq.s32 s5, $0x0;
	s5 =	sld [smem:$0x3FA6]  }
0x2b: {  	s6 =	sld [smem:$0x3FA7]  }
0x2c: {  	s7 =	sld [smem:$0x3FA8]  }
0x2d: {  	s3 =	simm.s32 $0x108;
	s8 =	sld [smem:$0x3FA9]  }
0x2e: {  	s3 =	simm.s32 @!p0 $0x1082;
	s9 =	sld [smem:$0x3FAA]  }
0x2f: {  	lr =	sadd.s32 s0, s3;
	s0 =	sld [smem:$0x3FA1]  }
0x30: {  	s3 =	sld [smem:$0x3FA4]  }
0x31: {  	[smem:$0x3FAD] =	sst s10  }
0x32: {  	s10 =	sld [smem:$0x3FAB];
	_ =	sdelay $0x3  }
0x33: {  	p0 =	seq.s32 s10, $0x1;
	s10 =	sld [smem:$0x3FAD];
	_ =	sdelay $0x3  }
0x34: {  	[smem:$0x3FAD] =	sst s10  }
0x35: {  	s10 =	sld [smem:$0x3FAC];
	_ =	sdelay $0x3  }
0x36: {  	p1 =	seq.s32 s10, $0x1;
	s10 =	sld [smem:$0x3FAD];
	_ =	sdelay $0x3  }
0x37: {  	[smem:$0x3FAD] =	sst s10  }
0x38: {  	s10 =	sld [smem:$0x3FAE]  }
0x39: {  	_ = 	snop;
	(pc) =	sbr.ind lr, $3  }
0x3a: {  	_ = 	snop  }
0x3b: {  	_ = 	snop  }
0x3c: {  	p2 =	seq.s32 s10, $0x1;
	s10 =	sld [smem:$0x3FAD]  }
0x3d: {  	_ =	shalt  }
0x3e: {  	_ =	shalt  }
0x3f: {  	_ =	shalt  }
0x40: {  	_ =	shalt  }
0x41: {  	_ =	shalt  }
0x42: {  	_ =	shalt  }
0x43: {  	_ =	shalt  }
0x44: {  	_ =	shalt  }
0x45: {  	_ =	shalt  }
0x46: {  	_ =	shalt  }
0x47: {  	_ =	shalt  }
0x48: {  	_ =	shalt  }
0x49: {  	_ =	shalt  }
0x4a: {  	_ =	shalt  }
0x4b: {  	_ =	shalt  }
0x4c: {  	_ =	shalt  }
0x4d: {  	_ =	shalt  }
0x4e: {  	_ =	shalt  }
0x4f: {  	_ =	shalt  }
0x50: {  	_ =	shalt  }
0x51: {  	_ =	shalt  }
0x52: {  	_ =	shalt  }
0x53: {  	_ =	shalt  }
0x54: {  	_ =	shalt  }
0x55: {  	_ =	shalt  }
0x56: {  	_ =	shalt  }
0x57: {  	_ =	shalt  }
0x58: {  	_ =	shalt  }
0x59: {  	_ =	shalt  }
0x5a: {  	_ =	shalt  }
0x5b: {  	_ =	shalt  }
0x5c: {  	_ =	shalt  }
0x5d: {  	_ =	shalt  }
0x5e: {  	_ =	shalt  }
0x5f: {  	_ =	shalt  }
0x60: {  	_ =	shalt  }
0x61: {  	_ =	shalt  }
0x62: {  	_ =	shalt  }
0x63: {  	_ =	shalt  }
0x64: {  	_ =	shalt  }
0x65: {  	_ =	shalt  }
0x66: {  	_ =	shalt  }
0x67: {  	_ =	shalt  }
0x68: {  	_ =	shalt  }
0x69: {  	_ =	shalt  }
0x6a: {  	_ =	shalt  }
0x6b: {  	_ =	shalt  }
0x6c: {  	_ =	shalt  }
0x6d: {  	_ =	shalt  }
0x6e: {  	_ =	shalt  }
0x6f: {  	_ =	shalt  }
0x70: {  	_ =	shalt  }
0x71: {  	_ =	shalt  }
0x72: {  	_ =	shalt  }
0x73: {  	_ =	shalt  }
0x74: {  	_ =	shalt  }
0x75: {  	_ =	shalt  }
0x76: {  	_ =	shalt  }
0x77: {  	_ =	shalt  }
0x78: {  	_ =	shalt  }
0x79: {  	_ =	shalt  }
0x7a: {  	_ =	shalt  }
0x7b: {  	_ =	shalt  }
0x7c: {  	_ =	shalt  }
0x7d: {  	_ =	shalt  }
0x7e: {  	_ =	shalt  }
0x7f: {  	_ =	shalt  }
0x80: {  	_ =	shalt  }
0x81: {  	_ =	shalt  }
0x82: {  	_ =	shalt  }
0x83: {  	_ =	shalt  }
0x84: {  	_ =	shalt  }
0x85: {  	_ =	shalt  }
0x86: {  	_ =	shalt  }
0x87: {  	_ =	shalt  }
.Lfunc_end0:
.L_simem_size_0:
called_computation.1_lowered:
.L_overlay_start_0:
0x88: {  	s2 =	sld [smem:$0x3FD9]  }
0x89: {  	s3 =	sld [smem:$0x3FFE];
	_ =	sdelay $0x1  }
0x8a: {  	s1 =	srdreg.scid  }
0x8b: {  	s0 =	sand.u32 $0x1, s1  }
0x8c: {  	s17 =	sshll.u32 s0, $0xA;
	s2 =	sadd.s32 s3, s2  }
0x8d: {  	s2 =	sadd.s32 s2, s17  }
0x8e: {  	[smem:$0x3FB9] =	sst s2  }
0x8f: {  	_ = 	snop  }
0x90: {  	s18 =	sld [smem:$0x3FD0];
	(tm) =	ssettm $0x1  }
0x91: {  	s19 =	sld [smem:$0x3FFB];
	_ =	sdelay $0x3  }
0x92: {  	_ =	strace s19  }
0x93: {  	s2 =	sld [smem:$0x3FFC];
	_ =	sdelay $0x3  }
0x94: {  	_ =	strace s2  }
0x95: {  	s2 =	sld [smem:$0x3FFD];
	_ =	sdelay $0x3  }
0x96: {  	_ =	strace s2  }
0x97: {  	_ =	strace $0x8FFFFFFF  }
0x98: {  	s20 =	sld [smem:$0x3FDB];
	_ =	sdelay $0x1  }
0x99: {  	s4 =	simm.s32 $_scs_section_size  }
0x9a: {  	s5 =	simm.s32 $_size__tile_overlayer_lowered;
	s6 =	simm.s32 $_tile_overlayer_lowered  }
0x9b: {  	s7 =	simm.s32 $0x1BFF;
	s21 =	sshll.u32 s6, $0x1;
	s4 =	sadd.s32 s4, s20  }
0x9c: {  	s22 =	simm.s32 $0x0;
	s5 =	sshll.u32 s5, $0x1;
	s6 =	sadd.s32 s21, s4  }
0x9d: {  	[timem:s22], [sflag:s7] =	dma.local [hbm:s6], s5  }
0x9e: {  	_ =	swait.ge [sflag:s7], s5  }
0x9f: {  	s5 =	ssub.s32 $0x0, s5;
	[sflag:s7] =	ssyncset.done $0x0  }
0xa0: {  	[sflag:s7] =	ssyncadd.s32 s5;
	_ =	sdelay $0x1  }
0xa1: {  	s23 =	simm.s32 $0x1B8B  }
0xa2: {  	_ =	swait.ge [sflag:s23], $0x1  }
0xa3: {  	[sflag:s23] =	ssyncset.done $0x0  }
0xa4: {  	[sflag:s23] =	ssyncadd.s32 $0xFFFFFFFF  }
0xa5: {  	s5 =	sld [smem:$0x0]  }
0xa6: {  	s6 =	sand.u32 $0xFFFFFFFE, s1  }
0xa7: {  	p0 =	sne.s32 s1, s6  }
0xa8: {  	s6 =	sshll.u32 @p0 s6, $0xE  }
0xa9: {  	s6 =	sadd.s32 @p0 $0x11B8D, s6;
	s7 =	sshll.u32 @p0 s5, $0x11  }
0xaa: {  	s6 =	sor.u32 @p0 s7, s6  }
0xab: {  	[sflag:s6] =	ssyncadd.remote.s32 @p0 $0x1;
	_ =	sdelay $0x1  }
0xac: {  	s6 =	simm.s32 @p0 $0x1B8D  }
0xad: {  	_ =	swait.eq @p0 [sflag:s6], $0x1  }
0xae: {  	[sflag:s6] =	ssyncadd.s32 @p0 $0xFFFFFFFF  }
0xaf: {  	s7 =	sshll.u32 @!p0 s1, $0xE  }
0xb0: {  	s7 =	sor.u32 @!p0 $0x4000, s7;
	s6 =	simm.s32 @!p0 $0x1B8D  }
0xb1: {  	s5 =	sshll.u32 @!p0 s5, $0x11;
	s7 =	sadd.s32 @!p0 $0x11B8D, s7;
	_ =	swait.eq @!p0 [sflag:s6], $0x1  }
0xb2: {  	s5 =	sor.u32 @!p0 s5, s7;
	[sflag:s6] =	ssyncadd.s32 @!p0 $0xFFFFFFFF  }
0xb3: {  	s25 =	simm.s32 $0x1B8E;
	s24 =	sld [smem:$0x3FFE];
	[sflag:s5] =	ssyncadd.remote.s32 @!p0 $0x1  }
0xb4: {  	s26 =	simm.s32 $execute0_lowered;
	[smem:$0x3FD2] =	sst s25  }
0xb5: {  	s6 =	sshll.u32 s26, $0x1;
	_ =	strace $0x80000049;
	[dreg:$0x1] =	wrdreg $0xFFFFFFFF  }
0xb6: {  	s28 =	simm.s32 $_size_execute0_lowered;
	s4 =	sadd.s32 s4, s6;
	[dreg:$0x0] =	wrdreg $0x0  }
0xb7: {  	s6 =	sshll.u32 s28, $0x1;
	[dreg:$0x2] =	wrdreg s4  }
0xb8: {  	[dreg:$0x3] =	wrdreg s6  }
0xb9: {  	[dreg:$0x4] =	wrdreg $0xC0  }
0xba: {  	_ =	task [dreg:s22], $0x5FFFF  }
0xbb: {  	[dreg:$0x1] =	wrdreg $0xFFFFFFFF  }
0xbc: {  	[dreg:$0x0] =	wrdreg $0x60  }
0xbd: {  	[dreg:$0x2] =	wrdreg s18  }
0xbe: {  	[dreg:$0x3] =	wrdreg s24  }
0xbf: {  	[dreg:$0x4] =	wrdreg $0xA  }
0xc0: {  	_ =	task.clear_ibuf [dreg:s22], $0x5FFFF;
	_ =	strace $0x90000049  }
0xc1: {  	s29 =	simm.s32 $0xA;
	_ =	strace $0x8000004B  }
0xc2: {  	_ =	swait.ge [sflag:s29], $0x1  }
0xc3: {  	[sflag:s29] =	ssyncadd.s32 $0xFFFFFFFF  }
0xc4: {  	_ =	strace $0x9000004B  }
0xc5: {  	_ =	sfence  }
0xc6: {  	s30 =	sld [smem:$0x0];
	_ =	sdelay $0x2  }
0xc7: {  	s31 =	sshll.u32 s1, $0xD;
	s1 =	sshrl.u32 s1, $0x2  }
0xc8: {  	s4 =	sand.u32 $0x4000, s31;
	s1 =	sadd.s32 s1, s30  }
0xc9: {  	s0 =	sor.u32 s4, s0;
	s1 =	sshll.u32 s1, $0x11  }
0xca: {  	s0 =	sor.u32 s1, s0  }
0xcb: {  	s0 =	sadd.s32 $0x8F2B, s0  }
0xcc: {  	[sflag:s0] =	ssyncadd.remote.s32 $0x1  }
0xcd: {  	_ =	sfence.sel $0xFFFF  }
0xce: {  	[dreg:$0x0] =	wrdreg $0xFFFFFFFF;
	(pc) =	sbr.abs _section_cstart, $3  }
0xcf: {  	[dreg:$0x1] =	wrdreg $0xFFFFFFFF  }
0xd0: {  	_ =	task.clear_ibuf [dreg:s22], $0x2FFFF;
	_ =	strace $0x9FFFFFFF  }
0xd1: {  	(tm) =	ssettm $0x7FFFFFFF  }
tec
execute0_lowered:
.L_overlay_start_1:
0x0: {  	(tag) =	ssettag $0x1  }
0x1: {  	s0 =	srdreg.scid;
	s3 =	rddreg [dreg:$0x0]  }
0x2: {  	s16 =	stileid.u32;
	s4 =	rddreg [dreg:$0x1];
	s0 =	sand.u32 $0x1, s0  }
0x3: {  	s31 =	simm.s32 $0x6;
	s1 =	sshll.u32 s16, $0xC;
	s2 =	sshll.u32 s0, $0xB  }
0x4: {  	s9 =	simm.s32 $0x1;
	s30 =	simm.s32 $0x180;
	s1 =	sor.u32 s2, s1  }
0x5: {  	s7 =	simm.s32 $0x3;
	s28 =	simm.s32 $0x200;
	s5 =	sshrl.u32 s1, $0x3  }
0x6: {  	s2 =	simm.s32 $0x0;
	s1 =	sshll.u32 s1, $0x4;
	s5 =	sadd.s32 s5, s4  }
0x7: {  	[smem:$0x7FF] =	sst s2;
	s1 =	sadd.s32 s1, s4;
	s10 =	sadd.s32 $0x115800, s5  }
0x8: {  	_ =	strace $0x8000004A;
	s11 =	sadd.s32 $0x117800, s1;
	[dreg:$0x3] =	wrdreg s10  }
0x9: {  	s29 =	simm.s32 $0x280;
	s12 =	sadd.s32 $0x118000, s1;
	[dreg:$0x4] =	wrdreg s11  }
0xa: {  	s8 =	simm.s32 $0x4;
	s13 =	sadd.s32 $0x118800, s1;
	[dreg:$0x5] =	wrdreg s12  }
0xb: {  	s6 =	simm.s32 $0x5;
	s14 =	sadd.s32 $0x119000, s1;
	[dreg:$0x6] =	wrdreg s13  }
0xc: {  	p0 =	por $0x0, $0x0;
	s15 =	sadd.s32 $0x119800, s1;
	[dreg:$0x7] =	wrdreg s14  }
0xd: {  	s0 =	ssub.s32 $0x2, s0;
	s17 =	sadd.s32 $0x11A000, s1;
	[dreg:$0x8] =	wrdreg s15  }
0xe: {  	s24 =	sshrl.u32 s0, $0x1;
	s18 =	sadd.s32 $0x11A800, s1;
	[dreg:$0x9] =	wrdreg s17  }
0xf: {  	s0 =	ssub.s32 s0, s24;
	s19 =	sadd.s32 $0x11B000, s1;
	[dreg:$0xa] =	wrdreg s18  }
0x10: {  	s24 =	simm.s32 $0x480;
	s20 =	sadd.s32 $0x11B800, s1;
	[dreg:$0xb] =	wrdreg s19  }
0x11: {  	s0 =	smax.u32 s0, $0x1;
	s21 =	sadd.s32 $0x11C000, s1;
	[dreg:$0xc] =	wrdreg s20  }
0x12: {  	s22 =	sadd.s32 $0x11C800, s1;
	s23 =	sadd.s32 $0x11D000, s1;
	[dreg:$0xd] =	wrdreg s21  }
0x13: {  	s25 =	sadd.s32 $0x11D800, s1;
	s26 =	sadd.s32 $0x11E000, s1;
	[dreg:$0xe] =	wrdreg s22  }
0x14: {  	s4 =	sadd.s32 $0x11E800, s1;
	s5 =	sadd.s32 $0x11F000, s1;
	[dreg:$0xf] =	wrdreg s23  }
0x15: {  	p1 =	sne.s32 s0, $0x1;
	s1 =	sadd.s32 $0xFFFFFFFF, s0;
	[dreg:$0x10] =	wrdreg s25  }
0x16: {  	[dreg:$0x11] =	wrdreg s26;
	s13 =	simm.s32 $0x80;
	s14 =	simm.s32 $0x800  }
.Ltmp0:
0x17: {  	s15 =	simm.s32 $0x4800;
	s11 =	simm.s32 $0x8800;
	(pc) =	sbr.rel @!p1 .LBB2_1-.Ltmp0, $4  }
0x18: {  	s12 =	simm.s32 $0xC800;
	s10 =	simm.s32 $0x2;
	s25 =	simm.s32 $0x300  }
0x19: {  	s26 =	simm.s32 $0x380;
	s23 =	simm.s32 $0x400;
	s21 =	simm.s32 $0x500  }
0x1a: {  	s22 =	simm.s32 $0x580;
	s19 =	simm.s32 $0x600;
	s20 =	simm.s32 $0x680  }
0x1b: {  	s17 =	simm.s32 $0x700;
	s18 =	simm.s32 $0x780;
	s0 =	rddreg [dreg:$0x3]  }
0x1c: {  	[tilespmem:s2], [sflag:$0x6] =	stream.linear.gather [hbm4b:s0+s2], $0x800, $0x38;
	[tilespmem:$0x10800] =	vst v63  }
0x1d: {  	_ =	swait.ge [sflag:s31], $0x800  }
0x1e: {  	[sflag:s31] =	ssyncset.done $0x0  }
0x1f: {  	[sflag:s31] =	ssyncadd.s32 $0xFFFFF800  }
0x20: {  	[tilespmem:s14], [sflag:$0x1] =	stream.indirect.gather [hbm4b:s3+s13], $0x80, s2, s13, $0xb8;
	[tilespmem:$0x10800] =	vst v63  }
0x21: {  	_ = 	snop  }
0x22: {  	[tilespmem:s15], [sflag:$0x1] =	stream.indirect.gather [hbm4b:s3+s13], $0x80, s13, s13, $0xb8;
	[tilespmem:$0x10800] =	vst v63  }
0x23: {  	_ =	swait.ge [sflag:s9], $0x4000  }
0x24: {  	[sflag:s9] =	ssyncset.done $0x0  }
0x25: {  	[sflag:s9] =	ssyncadd.s32 $0xFFFFC000  }
0x26: {  	_ =	swait.ge [sflag:s9], $0x4000  }
0x27: {  	[sflag:s9] =	ssyncset.done $0x0  }
0x28: {  	s0 =	rddreg [dreg:$0x4];
	[sflag:s9] =	ssyncadd.s32 $0xFFFFC000  }
0x29: {  	[hbm4b:s0+s2] =	stream.linear.scatter [tilespmem:s14], [sflag:$0x2], $0x4000, $0x38;
	[tilespmem:$0x10800] =	vst v63  }
0x2a: {  	s16 =	smov.u32 s1;
	s1 =	rddreg [dreg:$0x5]  }
0x2b: {  	[hbm4b:s1+s2] =	stream.linear.scatter [tilespmem:s15], [sflag:$0x3], $0x4000, $0x38;
	[tilespmem:$0x10800] =	vst v63  }
0x2c: {  	s1 =	simm.s32 $0x100  }
0x2d: {  	[tilespmem:s11], [sflag:$0x1] =	stream.indirect.gather [hbm4b:s3+s13], $0x80, s1, s13, $0xb8;
	[tilespmem:$0x10800] =	vst v63  }
0x2e: {  	_ = 	snop  }
0x2f: {  	[tilespmem:s12], [sflag:$0x1] =	stream.indirect.gather [hbm4b:s3+s13], $0x80, s30, s13, $0xb8;
	[tilespmem:$0x10800] =	vst v63  }
0x30: {  	_ =	swait.ge [sflag:s9], $0x4000  }
0x31: {  	[sflag:s9] =	ssyncset.done $0x0  }
0x32: {  	[sflag:s9] =	ssyncadd.s32 $0xFFFFC000  }
0x33: {  	_ =	swait.ge [sflag:s9], $0x4000  }
0x34: {  	[sflag:s9] =	ssyncset.done $0x0  }
0x35: {  	s0 =	rddreg [dreg:$0x6];
	[sflag:s9] =	ssyncadd.s32 $0xFFFFC000  }
0x36: {  	[hbm4b:s0+s2] =	stream.linear.scatter [tilespmem:s11], [sflag:$0x4], $0x4000, $0x38;
	[tilespmem:$0x10800] =	vst v63  }
0x37: {  	s1 =	rddreg [dreg:$0x7]  }
0x38: {  	[hbm4b:s1+s2] =	stream.linear.scatter [tilespmem:s12], [sflag:$0x5], $0x4000, $0x38;
	[tilespmem:$0x10800] =	vst v63  }
0x39: {  	_ =	swait.ge [sflag:s10], $0x4000  }
0x3a: {  	[sflag:s10] =	ssyncset.done $0x0  }
0x3b: {  	[sflag:s10] =	ssyncadd.s32 $0xFFFFC000  }
0x3c: {  	_ =	swait.ge [sflag:s7], $0x4000  }
0x3d: {  	[sflag:s7] =	ssyncset.done $0x0  }
0x3e: {  	[sflag:s7] =	ssyncadd.s32 $0xFFFFC000  }
0x3f: {  	[tilespmem:s14], [sflag:$0x1] =	stream.indirect.gather [hbm4b:s3+s13], $0x80, s28, s13, $0xb8;
	[tilespmem:$0x10800] =	vst v63  }
0x40: {  	_ = 	snop  }
0x41: {  	[tilespmem:s15], [sflag:$0x1] =	stream.indirect.gather [hbm4b:s3+s13], $0x80, s29, s13, $0xb8;
	[tilespmem:$0x10800] =	vst v63  }
0x42: {  	_ =	swait.ge [sflag:s9], $0x4000  }
0x43: {  	[sflag:s9] =	ssyncset.done $0x0  }
0x44: {  	[sflag:s9] =	ssyncadd.s32 $0xFFFFC000  }
0x45: {  	_ =	swait.ge [sflag:s9], $0x4000  }
0x46: {  	[sflag:s9] =	ssyncset.done $0x0  }
0x47: {  	s0 =	rddreg [dreg:$0x8];
	[sflag:s9] =	ssyncadd.s32 $0xFFFFC000  }
0x48: {  	[hbm4b:s0+s2] =	stream.linear.scatter [tilespmem:s14], [sflag:$0x2], $0x4000, $0x38;
	[tilespmem:$0x10800] =	vst v63  }
0x49: {  	s1 =	rddreg [dreg:$0x9]  }
0x4a: {  	[hbm4b:s1+s2] =	stream.linear.scatter [tilespmem:s15], [sflag:$0x3], $0x4000, $0x38;
	[tilespmem:$0x10800] =	vst v63  }
0x4b: {  	_ =	swait.ge [sflag:s8], $0x4000  }
0x4c: {  	[sflag:s8] =	ssyncset.done $0x0  }
0x4d: {  	[sflag:s8] =	ssyncadd.s32 $0xFFFFC000  }
0x4e: {  	_ =	swait.ge [sflag:s6], $0x4000  }
0x4f: {  	[sflag:s6] =	ssyncset.done $0x0  }
0x50: {  	[sflag:s6] =	ssyncadd.s32 $0xFFFFC000  }
0x51: {  	[tilespmem:s11], [sflag:$0x1] =	stream.indirect.gather [hbm4b:s3+s13], $0x80, s25, s13, $0xb8;
	[tilespmem:$0x10800] =	vst v63  }
0x52: {  	_ = 	snop  }
0x53: {  	[tilespmem:s12], [sflag:$0x1] =	stream.indirect.gather [hbm4b:s3+s13], $0x80, s26, s13, $0xb8;
	[tilespmem:$0x10800] =	vst v63  }
0x54: {  	_ =	swait.ge [sflag:s9], $0x4000  }
0x55: {  	[sflag:s9] =	ssyncset.done $0x0  }
0x56: {  	[sflag:s9] =	ssyncadd.s32 $0xFFFFC000  }
0x57: {  	_ =	swait.ge [sflag:s9], $0x4000  }
0x58: {  	[sflag:s9] =	ssyncset.done $0x0  }
0x59: {  	s0 =	rddreg [dreg:$0xa];
	[sflag:s9] =	ssyncadd.s32 $0xFFFFC000  }
0x5a: {  	[hbm4b:s0+s2] =	stream.linear.scatter [tilespmem:s11], [sflag:$0x4], $0x4000, $0x38;
	[tilespmem:$0x10800] =	vst v63  }
0x5b: {  	s1 =	rddreg [dreg:$0xb]  }
0x5c: {  	[hbm4b:s1+s2] =	stream.linear.scatter [tilespmem:s12], [sflag:$0x5], $0x4000, $0x38;
	[tilespmem:$0x10800] =	vst v63  }
0x5d: {  	_ =	swait.ge [sflag:s10], $0x4000  }
0x5e: {  	[sflag:s10] =	ssyncset.done $0x0  }
0x5f: {  	[sflag:s10] =	ssyncadd.s32 $0xFFFFC000  }
0x60: {  	_ =	swait.ge [sflag:s7], $0x4000  }
0x61: {  	[sflag:s7] =	ssyncset.done $0x0  }
0x62: {  	[sflag:s7] =	ssyncadd.s32 $0xFFFFC000  }
0x63: {  	[tilespmem:s14], [sflag:$0x1] =	stream.indirect.gather [hbm4b:s3+s13], $0x80, s23, s13, $0xb8;
	[tilespmem:$0x10800] =	vst v63  }
0x64: {  	_ = 	snop  }
0x65: {  	[tilespmem:s15], [sflag:$0x1] =	stream.indirect.gather [hbm4b:s3+s13], $0x80, s24, s13, $0xb8;
	[tilespmem:$0x10800] =	vst v63  }
0x66: {  	_ =	swait.ge [sflag:s9], $0x4000  }
0x67: {  	[sflag:s9] =	ssyncset.done $0x0  }
0x68: {  	[sflag:s9] =	ssyncadd.s32 $0xFFFFC000  }
0x69: {  	_ =	swait.ge [sflag:s9], $0x4000  }
0x6a: {  	[sflag:s9] =	ssyncset.done $0x0  }
0x6b: {  	s0 =	rddreg [dreg:$0xc];
	[sflag:s9] =	ssyncadd.s32 $0xFFFFC000  }
0x6c: {  	[hbm4b:s0+s2] =	stream.linear.scatter [tilespmem:s14], [sflag:$0x2], $0x4000, $0x38;
	[tilespmem:$0x10800] =	vst v63  }
0x6d: {  	s1 =	rddreg [dreg:$0xd]  }
0x6e: {  	[hbm4b:s1+s2] =	stream.linear.scatter [tilespmem:s15], [sflag:$0x3], $0x4000, $0x38;
	[tilespmem:$0x10800] =	vst v63  }
0x6f: {  	_ =	swait.ge [sflag:s8], $0x4000  }
0x70: {  	[sflag:s8] =	ssyncset.done $0x0  }
0x71: {  	[sflag:s8] =	ssyncadd.s32 $0xFFFFC000  }
0x72: {  	_ =	swait.ge [sflag:s6], $0x4000  }
0x73: {  	[sflag:s6] =	ssyncset.done $0x0  }
0x74: {  	[sflag:s6] =	ssyncadd.s32 $0xFFFFC000  }
0x75: {  	[tilespmem:s11], [sflag:$0x1] =	stream.indirect.gather [hbm4b:s3+s13], $0x80, s21, s13, $0xb8;
	[tilespmem:$0x10800] =	vst v63  }
0x76: {  	_ = 	snop  }
0x77: {  	[tilespmem:s12], [sflag:$0x1] =	stream.indirect.gather [hbm4b:s3+s13], $0x80, s22, s13, $0xb8;
	[tilespmem:$0x10800] =	vst v63  }
0x78: {  	_ =	swait.ge [sflag:s9], $0x4000  }
0x79: {  	[sflag:s9] =	ssyncset.done $0x0  }
0x7a: {  	[sflag:s9] =	ssyncadd.s32 $0xFFFFC000  }
0x7b: {  	_ =	swait.ge [sflag:s9], $0x4000  }
0x7c: {  	[sflag:s9] =	ssyncset.done $0x0  }
0x7d: {  	s0 =	rddreg [dreg:$0xe];
	[sflag:s9] =	ssyncadd.s32 $0xFFFFC000  }
0x7e: {  	[hbm4b:s0+s2] =	stream.linear.scatter [tilespmem:s11], [sflag:$0x4], $0x4000, $0x38;
	[tilespmem:$0x10800] =	vst v63  }
0x7f: {  	s1 =	rddreg [dreg:$0xf]  }
0x80: {  	[hbm4b:s1+s2] =	stream.linear.scatter [tilespmem:s12], [sflag:$0x5], $0x4000, $0x38;
	[tilespmem:$0x10800] =	vst v63  }
0x81: {  	_ =	swait.ge [sflag:s10], $0x4000  }
0x82: {  	[sflag:s10] =	ssyncset.done $0x0  }
0x83: {  	[sflag:s10] =	ssyncadd.s32 $0xFFFFC000  }
0x84: {  	_ =	swait.ge [sflag:s7], $0x4000  }
0x85: {  	[sflag:s7] =	ssyncset.done $0x0  }
0x86: {  	[sflag:s7] =	ssyncadd.s32 $0xFFFFC000  }
0x87: {  	[tilespmem:s14], [sflag:$0x1] =	stream.indirect.gather [hbm4b:s3+s13], $0x80, s19, s13, $0xb8;
	[tilespmem:$0x10800] =	vst v63  }
0x88: {  	_ = 	snop  }
0x89: {  	[tilespmem:s15], [sflag:$0x1] =	stream.indirect.gather [hbm4b:s3+s13], $0x80, s20, s13, $0xb8;
	[tilespmem:$0x10800] =	vst v63  }
0x8a: {  	_ =	swait.ge [sflag:s9], $0x4000  }
0x8b: {  	[sflag:s9] =	ssyncset.done $0x0  }
0x8c: {  	[sflag:s9] =	ssyncadd.s32 $0xFFFFC000  }
0x8d: {  	_ =	swait.ge [sflag:s9], $0x4000  }
0x8e: {  	[sflag:s9] =	ssyncset.done $0x0  }
0x8f: {  	s0 =	rddreg [dreg:$0x10];
	[sflag:s9] =	ssyncadd.s32 $0xFFFFC000  }
0x90: {  	[hbm4b:s0+s2] =	stream.linear.scatter [tilespmem:s14], [sflag:$0x2], $0x4000, $0x38;
	[tilespmem:$0x10800] =	vst v63  }
0x91: {  	s1 =	rddreg [dreg:$0x11]  }
0x92: {  	[hbm4b:s1+s2] =	stream.linear.scatter [tilespmem:s15], [sflag:$0x3], $0x4000, $0x38;
	[tilespmem:$0x10800] =	vst v63  }
0x93: {  	_ =	swait.ge [sflag:s8], $0x4000  }
0x94: {  	[sflag:s8] =	ssyncset.done $0x0  }
0x95: {  	[sflag:s8] =	ssyncadd.s32 $0xFFFFC000  }
0x96: {  	_ =	swait.ge [sflag:s6], $0x4000  }
0x97: {  	[sflag:s6] =	ssyncset.done $0x0  }
0x98: {  	[sflag:s6] =	ssyncadd.s32 $0xFFFFC000  }
0x99: {  	[tilespmem:s11], [sflag:$0x1] =	stream.indirect.gather [hbm4b:s3+s13], $0x80, s17, s13, $0xb8;
	[tilespmem:$0x10800] =	vst v63  }
0x9a: {  	_ = 	snop  }
0x9b: {  	[tilespmem:s12], [sflag:$0x1] =	stream.indirect.gather [hbm4b:s3+s13], $0x80, s18, s13, $0xb8;
	[tilespmem:$0x10800] =	vst v63  }
0x9c: {  	_ =	swait.ge [sflag:s9], $0x4000  }
0x9d: {  	[sflag:s9] =	ssyncset.done $0x0  }
0x9e: {  	[sflag:s9] =	ssyncadd.s32 $0xFFFFC000  }
0x9f: {  	_ =	swait.ge [sflag:s9], $0x4000  }
0xa0: {  	[sflag:s9] =	ssyncset.done $0x0  }
0xa1: {  	[sflag:s9] =	ssyncadd.s32 $0xFFFFC000  }
0xa2: {  	[hbm4b:s4+s2] =	stream.linear.scatter [tilespmem:s11], [sflag:$0x4], $0x4000, $0x38;
	[tilespmem:$0x10800] =	vst v63  }
0xa3: {  	_ = 	snop  }
0xa4: {  	[hbm4b:s5+s2] =	stream.linear.scatter [tilespmem:s12], [sflag:$0x5], $0x4000, $0x38;
	[tilespmem:$0x10800] =	vst v63  }
0xa5: {  	_ =	swait.ge [sflag:s10], $0x4000  }
0xa6: {  	[sflag:s10] =	ssyncset.done $0x0  }
0xa7: {  	[sflag:s10] =	ssyncadd.s32 $0xFFFFC000  }
0xa8: {  	_ =	swait.ge [sflag:s7], $0x4000  }
0xa9: {  	[sflag:s7] =	ssyncset.done $0x0  }
0xaa: {  	p1 =	sne.s32 s16, $0x1;
	[sflag:s7] =	ssyncadd.s32 $0xFFFFC000  }
.Ltmp1:
0xab: {  	_ =	swait.ge [sflag:s8], $0x4000;
	(pc) =	sbr.rel @!p1 .LBB2_3-.Ltmp1, $4  }
0xac: {  	[sflag:s8] =	ssyncset.done $0x0  }
0xad: {  	[sflag:s8] =	ssyncadd.s32 $0xFFFFC000  }
0xae: {  	p0 =	por $0x1, $0x1;
	_ =	swait.ge [sflag:s6], $0x4000  }
0xaf: {  	s1 =	sadd.s32 $0xFFFFFFFF, s16;
	s0 =	rddreg [dreg:$0x3];
	[sflag:s6] =	ssyncset.done $0x0  }
.LBB2_4:
0xb0: {  	[sflag:s6] =	ssyncadd.s32 $0xFFFFC000  }
0xb1: {  	[tilespmem:s2], [sflag:$0x6] =	stream.linear.gather [hbm4b:s0+s2], $0x800, $0x38;
	[tilespmem:$0x10800] =	vst v63  }
0xb2: {  	_ =	swait.ge [sflag:s31], $0x800  }
0xb3: {  	[sflag:s31] =	ssyncset.done $0x0  }
0xb4: {  	[sflag:s31] =	ssyncadd.s32 $0xFFFFF800  }
0xb5: {  	[tilespmem:s14], [sflag:$0x1] =	stream.indirect.gather [hbm4b:s3+s13], $0x80, s2, s13, $0xb8;
	[tilespmem:$0x10800] =	vst v63  }
0xb6: {  	_ = 	snop  }
0xb7: {  	[tilespmem:s15], [sflag:$0x1] =	stream.indirect.gather [hbm4b:s3+s13], $0x80, s13, s13, $0xb8;
	[tilespmem:$0x10800] =	vst v63  }
0xb8: {  	_ =	swait.ge [sflag:s9], $0x4000  }
0xb9: {  	[sflag:s9] =	ssyncset.done $0x0  }
0xba: {  	[sflag:s9] =	ssyncadd.s32 $0xFFFFC000  }
0xbb: {  	_ =	swait.ge [sflag:s9], $0x4000  }
0xbc: {  	[sflag:s9] =	ssyncset.done $0x0  }
0xbd: {  	s0 =	rddreg [dreg:$0x4];
	[sflag:s9] =	ssyncadd.s32 $0xFFFFC000  }
0xbe: {  	[hbm4b:s0+s2] =	stream.linear.scatter [tilespmem:s14], [sflag:$0x2], $0x4000, $0x38;
	[tilespmem:$0x10800] =	vst v63  }
0xbf: {  	s16 =	rddreg [dreg:$0x5]  }
0xc0: {  	[hbm4b:s16+s2] =	stream.linear.scatter [tilespmem:s15], [sflag:$0x3], $0x4000, $0x38;
	[tilespmem:$0x10800] =	vst v63  }
0xc1: {  	s16 =	simm.s32 $0x100  }
0xc2: {  	[tilespmem:s11], [sflag:$0x1] =	stream.indirect.gather [hbm4b:s3+s13], $0x80, s16, s13, $0xb8;
	[tilespmem:$0x10800] =	vst v63  }
0xc3: {  	_ = 	snop  }
0xc4: {  	[tilespmem:s12], [sflag:$0x1] =	stream.indirect.gather [hbm4b:s3+s13], $0x80, s30, s13, $0xb8;
	[tilespmem:$0x10800] =	vst v63  }
0xc5: {  	_ =	swait.ge [sflag:s9], $0x4000  }
0xc6: {  	[sflag:s9] =	ssyncset.done $0x0  }
0xc7: {  	[sflag:s9] =	ssyncadd.s32 $0xFFFFC000  }
0xc8: {  	_ =	swait.ge [sflag:s9], $0x4000  }
0xc9: {  	[sflag:s9] =	ssyncset.done $0x0  }
0xca: {  	s0 =	rddreg [dreg:$0x6];
	[sflag:s9] =	ssyncadd.s32 $0xFFFFC000  }
0xcb: {  	[hbm4b:s0+s2] =	stream.linear.scatter [tilespmem:s11], [sflag:$0x4], $0x4000, $0x38;
	[tilespmem:$0x10800] =	vst v63  }
0xcc: {  	s16 =	rddreg [dreg:$0x7]  }
0xcd: {  	[hbm4b:s16+s2] =	stream.linear.scatter [tilespmem:s12], [sflag:$0x5], $0x4000, $0x38;
	[tilespmem:$0x10800] =	vst v63  }
0xce: {  	_ =	swait.ge [sflag:s10], $0x4000  }
0xcf: {  	[sflag:s10] =	ssyncset.done $0x0  }
0xd0: {  	[sflag:s10] =	ssyncadd.s32 $0xFFFFC000  }
0xd1: {  	_ =	swait.ge [sflag:s7], $0x4000  }
0xd2: {  	[sflag:s7] =	ssyncset.done $0x0  }
0xd3: {  	[sflag:s7] =	ssyncadd.s32 $0xFFFFC000  }
0xd4: {  	[tilespmem:s14], [sflag:$0x1] =	stream.indirect.gather [hbm4b:s3+s13], $0x80, s28, s13, $0xb8;
	[tilespmem:$0x10800] =	vst v63  }
0xd5: {  	_ = 	snop  }
0xd6: {  	[tilespmem:s15], [sflag:$0x1] =	stream.indirect.gather [hbm4b:s3+s13], $0x80, s29, s13, $0xb8;
	[tilespmem:$0x10800] =	vst v63  }
0xd7: {  	_ =	swait.ge [sflag:s9], $0x4000  }
0xd8: {  	[sflag:s9] =	ssyncset.done $0x0  }
0xd9: {  	[sflag:s9] =	ssyncadd.s32 $0xFFFFC000  }
0xda: {  	_ =	swait.ge [sflag:s9], $0x4000  }
0xdb: {  	[sflag:s9] =	ssyncset.done $0x0  }
0xdc: {  	s0 =	rddreg [dreg:$0x8];
	[sflag:s9] =	ssyncadd.s32 $0xFFFFC000  }
0xdd: {  	[hbm4b:s0+s2] =	stream.linear.scatter [tilespmem:s14], [sflag:$0x2], $0x4000, $0x38;
	[tilespmem:$0x10800] =	vst v63  }
0xde: {  	s16 =	rddreg [dreg:$0x9]  }
0xdf: {  	[hbm4b:s16+s2] =	stream.linear.scatter [tilespmem:s15], [sflag:$0x3], $0x4000, $0x38;
	[tilespmem:$0x10800] =	vst v63  }
0xe0: {  	_ =	swait.ge [sflag:s8], $0x4000  }
0xe1: {  	[sflag:s8] =	ssyncset.done $0x0  }
0xe2: {  	[sflag:s8] =	ssyncadd.s32 $0xFFFFC000  }
0xe3: {  	_ =	swait.ge [sflag:s6], $0x4000  }
0xe4: {  	[sflag:s6] =	ssyncset.done $0x0  }
0xe5: {  	[sflag:s6] =	ssyncadd.s32 $0xFFFFC000  }
0xe6: {  	[tilespmem:s11], [sflag:$0x1] =	stream.indirect.gather [hbm4b:s3+s13], $0x80, s25, s13, $0xb8;
	[tilespmem:$0x10800] =	vst v63  }
0xe7: {  	_ = 	snop  }
0xe8: {  	[tilespmem:s12], [sflag:$0x1] =	stream.indirect.gather [hbm4b:s3+s13], $0x80, s26, s13, $0xb8;
	[tilespmem:$0x10800] =	vst v63  }
0xe9: {  	_ =	swait.ge [sflag:s9], $0x4000  }
0xea: {  	[sflag:s9] =	ssyncset.done $0x0  }
0xeb: {  	[sflag:s9] =	ssyncadd.s32 $0xFFFFC000  }
0xec: {  	_ =	swait.ge [sflag:s9], $0x4000  }
0xed: {  	[sflag:s9] =	ssyncset.done $0x0  }
0xee: {  	s0 =	rddreg [dreg:$0xa];
	[sflag:s9] =	ssyncadd.s32 $0xFFFFC000  }
0xef: {  	[hbm4b:s0+s2] =	stream.linear.scatter [tilespmem:s11], [sflag:$0x4], $0x4000, $0x38;
	[tilespmem:$0x10800] =	vst v63  }
0xf0: {  	s16 =	rddreg [dreg:$0xb]  }
0xf1: {  	[hbm4b:s16+s2] =	stream.linear.scatter [tilespmem:s12], [sflag:$0x5], $0x4000, $0x38;
	[tilespmem:$0x10800] =	vst v63  }
0xf2: {  	_ =	swait.ge [sflag:s10], $0x4000  }
0xf3: {  	[sflag:s10] =	ssyncset.done $0x0  }
0xf4: {  	[sflag:s10] =	ssyncadd.s32 $0xFFFFC000  }
0xf5: {  	_ =	swait.ge [sflag:s7], $0x4000  }
0xf6: {  	[sflag:s7] =	ssyncset.done $0x0  }
0xf7: {  	[sflag:s7] =	ssyncadd.s32 $0xFFFFC000  }
0xf8: {  	[tilespmem:s14], [sflag:$0x1] =	stream.indirect.gather [hbm4b:s3+s13], $0x80, s23, s13, $0xb8;
	[tilespmem:$0x10800] =	vst v63  }
0xf9: {  	_ = 	snop  }
0xfa: {  	[tilespmem:s15], [sflag:$0x1] =	stream.indirect.gather [hbm4b:s3+s13], $0x80, s24, s13, $0xb8;
	[tilespmem:$0x10800] =	vst v63  }
0xfb: {  	_ =	swait.ge [sflag:s9], $0x4000  }
0xfc: {  	[sflag:s9] =	ssyncset.done $0x0  }
0xfd: {  	[sflag:s9] =	ssyncadd.s32 $0xFFFFC000  }
0xfe: {  	_ =	swait.ge [sflag:s9], $0x4000  }
0xff: {  	[sflag:s9] =	ssyncset.done $0x0  }
0x100: {  	s0 =	rddreg [dreg:$0xc];
	[sflag:s9] =	ssyncadd.s32 $0xFFFFC000  }
0x101: {  	[hbm4b:s0+s2] =	stream.linear.scatter [tilespmem:s14], [sflag:$0x2], $0x4000, $0x38;
	[tilespmem:$0x10800] =	vst v63  }
0x102: {  	s16 =	rddreg [dreg:$0xd]  }
0x103: {  	[hbm4b:s16+s2] =	stream.linear.scatter [tilespmem:s15], [sflag:$0x3], $0x4000, $0x38;
	[tilespmem:$0x10800] =	vst v63  }
0x104: {  	_ =	swait.ge [sflag:s8], $0x4000  }
0x105: {  	[sflag:s8] =	ssyncset.done $0x0  }
0x106: {  	[sflag:s8] =	ssyncadd.s32 $0xFFFFC000  }
0x107: {  	_ =	swait.ge [sflag:s6], $0x4000  }
0x108: {  	[sflag:s6] =	ssyncset.done $0x0  }
0x109: {  	[sflag:s6] =	ssyncadd.s32 $0xFFFFC000  }
0x10a: {  	[tilespmem:s11], [sflag:$0x1] =	stream.indirect.gather [hbm4b:s3+s13], $0x80, s21, s13, $0xb8;
	[tilespmem:$0x10800] =	vst v63  }
0x10b: {  	_ = 	snop  }
0x10c: {  	[tilespmem:s12], [sflag:$0x1] =	stream.indirect.gather [hbm4b:s3+s13], $0x80, s22, s13, $0xb8;
	[tilespmem:$0x10800] =	vst v63  }
0x10d: {  	_ =	swait.ge [sflag:s9], $0x4000  }
0x10e: {  	[sflag:s9] =	ssyncset.done $0x0  }
0x10f: {  	[sflag:s9] =	ssyncadd.s32 $0xFFFFC000  }
0x110: {  	_ =	swait.ge [sflag:s9], $0x4000  }
0x111: {  	[sflag:s9] =	ssyncset.done $0x0  }
0x112: {  	s0 =	rddreg [dreg:$0xe];
	[sflag:s9] =	ssyncadd.s32 $0xFFFFC000  }
0x113: {  	[hbm4b:s0+s2] =	stream.linear.scatter [tilespmem:s11], [sflag:$0x4], $0x4000, $0x38;
	[tilespmem:$0x10800] =	vst v63  }
0x114: {  	s16 =	rddreg [dreg:$0xf]  }
0x115: {  	[hbm4b:s16+s2] =	stream.linear.scatter [tilespmem:s12], [sflag:$0x5], $0x4000, $0x38;
	[tilespmem:$0x10800] =	vst v63  }
0x116: {  	_ =	swait.ge [sflag:s10], $0x4000  }
0x117: {  	[sflag:s10] =	ssyncset.done $0x0  }
0x118: {  	[sflag:s10] =	ssyncadd.s32 $0xFFFFC000  }
0x119: {  	_ =	swait.ge [sflag:s7], $0x4000  }
0x11a: {  	[sflag:s7] =	ssyncset.done $0x0  }
0x11b: {  	[sflag:s7] =	ssyncadd.s32 $0xFFFFC000  }
0x11c: {  	[tilespmem:s14], [sflag:$0x1] =	stream.indirect.gather [hbm4b:s3+s13], $0x80, s19, s13, $0xb8;
	[tilespmem:$0x10800] =	vst v63  }
0x11d: {  	_ = 	snop  }
0x11e: {  	[tilespmem:s15], [sflag:$0x1] =	stream.indirect.gather [hbm4b:s3+s13], $0x80, s20, s13, $0xb8;
	[tilespmem:$0x10800] =	vst v63  }
0x11f: {  	_ =	swait.ge [sflag:s9], $0x4000  }
0x120: {  	[sflag:s9] =	ssyncset.done $0x0  }
0x121: {  	[sflag:s9] =	ssyncadd.s32 $0xFFFFC000  }
0x122: {  	_ =	swait.ge [sflag:s9], $0x4000  }
0x123: {  	[sflag:s9] =	ssyncset.done $0x0  }
0x124: {  	s0 =	rddreg [dreg:$0x10];
	[sflag:s9] =	ssyncadd.s32 $0xFFFFC000  }
0x125: {  	[hbm4b:s0+s2] =	stream.linear.scatter [tilespmem:s14], [sflag:$0x2], $0x4000, $0x38;
	[tilespmem:$0x10800] =	vst v63  }
0x126: {  	s16 =	rddreg [dreg:$0x11]  }
0x127: {  	[hbm4b:s16+s2] =	stream.linear.scatter [tilespmem:s15], [sflag:$0x3], $0x4000, $0x38;
	[tilespmem:$0x10800] =	vst v63  }
0x128: {  	_ =	swait.ge [sflag:s8], $0x4000  }
0x129: {  	[sflag:s8] =	ssyncset.done $0x0  }
0x12a: {  	[sflag:s8] =	ssyncadd.s32 $0xFFFFC000  }
0x12b: {  	_ =	swait.ge [sflag:s6], $0x4000  }
0x12c: {  	[sflag:s6] =	ssyncset.done $0x0  }
0x12d: {  	[sflag:s6] =	ssyncadd.s32 $0xFFFFC000  }
0x12e: {  	[tilespmem:s11], [sflag:$0x1] =	stream.indirect.gather [hbm4b:s3+s13], $0x80, s17, s13, $0xb8;
	[tilespmem:$0x10800] =	vst v63  }
0x12f: {  	_ = 	snop  }
0x130: {  	[tilespmem:s12], [sflag:$0x1] =	stream.indirect.gather [hbm4b:s3+s13], $0x80, s18, s13, $0xb8;
	[tilespmem:$0x10800] =	vst v63  }
0x131: {  	_ =	swait.ge [sflag:s9], $0x4000  }
0x132: {  	[sflag:s9] =	ssyncset.done $0x0  }
0x133: {  	[sflag:s9] =	ssyncadd.s32 $0xFFFFC000  }
0x134: {  	_ =	swait.ge [sflag:s9], $0x4000  }
0x135: {  	[sflag:s9] =	ssyncset.done $0x0  }
0x136: {  	[sflag:s9] =	ssyncadd.s32 $0xFFFFC000  }
0x137: {  	[hbm4b:s4+s2] =	stream.linear.scatter [tilespmem:s11], [sflag:$0x4], $0x4000, $0x38;
	[tilespmem:$0x10800] =	vst v63  }
0x138: {  	_ = 	snop  }
0x139: {  	[hbm4b:s5+s2] =	stream.linear.scatter [tilespmem:s12], [sflag:$0x5], $0x4000, $0x38;
	[tilespmem:$0x10800] =	vst v63  }
0x13a: {  	_ =	swait.ge [sflag:s10], $0x4000  }
0x13b: {  	[sflag:s10] =	ssyncset.done $0x0  }
0x13c: {  	[sflag:s10] =	ssyncadd.s32 $0xFFFFC000  }
0x13d: {  	_ =	swait.ge [sflag:s7], $0x4000  }
0x13e: {  	[sflag:s7] =	ssyncset.done $0x0  }
0x13f: {  	p1 =	sne.s32 s1, $0x1;
	[sflag:s7] =	ssyncadd.s32 $0xFFFFC000  }
.Ltmp2:
0x140: {  	_ =	swait.ge [sflag:s8], $0x4000;
	(pc) =	sbr.rel @p1 .LBB2_4-.Ltmp2, $4  }
0x141: {  	[sflag:s8] =	ssyncset.done $0x0  }
0x142: {  	[sflag:s8] =	ssyncadd.s32 $0xFFFFC000  }
0x143: {  	_ =	swait.ge [sflag:s6], $0x4000  }
0x144: {  	s1 =	sadd.s32 $0xFFFFFFFF, s1;
	s0 =	rddreg [dreg:$0x3];
	[sflag:s6] =	ssyncset.done $0x0  }
0x145: {  	s18 =	simm.s32 $0x180;
	s30 =	simm.s32 $0x100  }
0x146: {  	s29 =	simm.s32 $0x280;
	s28 =	simm.s32 $0x200;
	s26 =	simm.s32 $0x380  }
0x147: {  	s25 =	simm.s32 $0x300;
	s24 =	simm.s32 $0x480;
	s23 =	simm.s32 $0x400  }
0x148: {  	s22 =	simm.s32 $0x580;
	s21 =	simm.s32 $0x500;
	s20 =	simm.s32 $0x680  }
0x149: {  	s19 =	simm.s32 $0x600;
	s17 =	simm.s32 $0x700;
	s16 =	stileid.u32  }
.LBB2_6:
0x14a: {  	[sflag:s6] =	ssyncadd.s32 @p0 $0xFFFFC000  }
0x14b: {  	[tilespmem:s2], [sflag:$0x6] =	stream.linear.gather [hbm4b:s0+s2], $0x800, $0x38;
	[tilespmem:$0x10800] =	vst v63  }
0x14c: {  	_ =	swait.ge [sflag:s31], $0x800  }
0x14d: {  	[sflag:s31] =	ssyncset.done $0x0  }
0x14e: {  	[sflag:s31] =	ssyncadd.s32 $0xFFFFF800  }
0x14f: {  	[tilespmem:s14], [sflag:$0x1] =	stream.indirect.gather [hbm4b:s3+s13], $0x80, s2, s13, $0xb8;
	[tilespmem:$0x10800] =	vst v63  }
0x150: {  	_ = 	snop  }
0x151: {  	[tilespmem:s15], [sflag:$0x1] =	stream.indirect.gather [hbm4b:s3+s13], $0x80, s13, s13, $0xb8;
	[tilespmem:$0x10800] =	vst v63  }
0x152: {  	_ =	swait.ge [sflag:s9], $0x4000  }
0x153: {  	[sflag:s9] =	ssyncset.done $0x0  }
0x154: {  	[sflag:s9] =	ssyncadd.s32 $0xFFFFC000  }
0x155: {  	_ =	swait.ge [sflag:s9], $0x4000  }
0x156: {  	[sflag:s9] =	ssyncset.done $0x0  }
0x157: {  	s31 =	rddreg [dreg:$0x4];
	[sflag:s9] =	ssyncadd.s32 $0xFFFFC000  }
0x158: {  	[hbm4b:s31+s2] =	stream.linear.scatter [tilespmem:s14], [sflag:$0x2], $0x4000, $0x38;
	[tilespmem:$0x10800] =	vst v63  }
0x159: {  	s1 =	rddreg [dreg:$0x5]  }
0x15a: {  	[hbm4b:s1+s2] =	stream.linear.scatter [tilespmem:s15], [sflag:$0x3], $0x4000, $0x38;
	[tilespmem:$0x10800] =	vst v63  }
0x15b: {  	_ = 	snop  }
0x15c: {  	[tilespmem:s11], [sflag:$0x1] =	stream.indirect.gather [hbm4b:s3+s13], $0x80, s30, s13, $0xb8;
	[tilespmem:$0x10800] =	vst v63  }
0x15d: {  	_ = 	snop  }
0x15e: {  	[tilespmem:s12], [sflag:$0x1] =	stream.indirect.gather [hbm4b:s3+s13], $0x80, s18, s13, $0xb8;
	[tilespmem:$0x10800] =	vst v63  }
0x15f: {  	_ =	swait.ge [sflag:s9], $0x4000  }
0x160: {  	[sflag:s9] =	ssyncset.done $0x0  }
0x161: {  	[sflag:s9] =	ssyncadd.s32 $0xFFFFC000  }
0x162: {  	_ =	swait.ge [sflag:s9], $0x4000  }
0x163: {  	[sflag:s9] =	ssyncset.done $0x0  }
0x164: {  	s1 =	rddreg [dreg:$0x6];
	[sflag:s9] =	ssyncadd.s32 $0xFFFFC000  }
0x165: {  	[hbm4b:s1+s2] =	stream.linear.scatter [tilespmem:s11], [sflag:$0x4], $0x4000, $0x38;
	[tilespmem:$0x10800] =	vst v63  }
0x166: {  	s18 =	rddreg [dreg:$0x7]  }
0x167: {  	[hbm4b:s18+s2] =	stream.linear.scatter [tilespmem:s12], [sflag:$0x5], $0x4000, $0x38;
	[tilespmem:$0x10800] =	vst v63  }
0x168: {  	_ =	swait.ge [sflag:s10], $0x4000  }
0x169: {  	[sflag:s10] =	ssyncset.done $0x0  }
0x16a: {  	[sflag:s10] =	ssyncadd.s32 $0xFFFFC000  }
0x16b: {  	_ =	swait.ge [sflag:s7], $0x4000  }
0x16c: {  	[sflag:s7] =	ssyncset.done $0x0  }
0x16d: {  	[sflag:s7] =	ssyncadd.s32 $0xFFFFC000  }
0x16e: {  	[tilespmem:s14], [sflag:$0x1] =	stream.indirect.gather [hbm4b:s3+s13], $0x80, s28, s13, $0xb8;
	[tilespmem:$0x10800] =	vst v63  }
0x16f: {  	_ = 	snop  }
0x170: {  	[tilespmem:s15], [sflag:$0x1] =	stream.indirect.gather [hbm4b:s3+s13], $0x80, s29, s13, $0xb8;
	[tilespmem:$0x10800] =	vst v63  }
0x171: {  	_ =	swait.ge [sflag:s9], $0x4000  }
0x172: {  	[sflag:s9] =	ssyncset.done $0x0  }
0x173: {  	[sflag:s9] =	ssyncadd.s32 $0xFFFFC000  }
0x174: {  	_ =	swait.ge [sflag:s9], $0x4000  }
0x175: {  	[sflag:s9] =	ssyncset.done $0x0  }
0x176: {  	s30 =	rddreg [dreg:$0x8];
	[sflag:s9] =	ssyncadd.s32 $0xFFFFC000  }
0x177: {  	[hbm4b:s30+s2] =	stream.linear.scatter [tilespmem:s14], [sflag:$0x2], $0x4000, $0x38;
	[tilespmem:$0x10800] =	vst v63  }
0x178: {  	s31 =	rddreg [dreg:$0x9]  }
0x179: {  	[hbm4b:s31+s2] =	stream.linear.scatter [tilespmem:s15], [sflag:$0x3], $0x4000, $0x38;
	[tilespmem:$0x10800] =	vst v63  }
0x17a: {  	_ =	swait.ge [sflag:s8], $0x4000  }
0x17b: {  	[sflag:s8] =	ssyncset.done $0x0  }
0x17c: {  	[sflag:s8] =	ssyncadd.s32 $0xFFFFC000  }
0x17d: {  	_ =	swait.ge [sflag:s6], $0x4000  }
0x17e: {  	[sflag:s6] =	ssyncset.done $0x0  }
0x17f: {  	[sflag:s6] =	ssyncadd.s32 $0xFFFFC000  }
0x180: {  	[tilespmem:s11], [sflag:$0x1] =	stream.indirect.gather [hbm4b:s3+s13], $0x80, s25, s13, $0xb8;
	[tilespmem:$0x10800] =	vst v63  }
0x181: {  	_ = 	snop  }
0x182: {  	[tilespmem:s12], [sflag:$0x1] =	stream.indirect.gather [hbm4b:s3+s13], $0x80, s26, s13, $0xb8;
	[tilespmem:$0x10800] =	vst v63  }
0x183: {  	_ =	swait.ge [sflag:s9], $0x4000  }
0x184: {  	[sflag:s9] =	ssyncset.done $0x0  }
0x185: {  	[sflag:s9] =	ssyncadd.s32 $0xFFFFC000  }
0x186: {  	_ =	swait.ge [sflag:s9], $0x4000  }
0x187: {  	[sflag:s9] =	ssyncset.done $0x0  }
0x188: {  	s1 =	rddreg [dreg:$0xa];
	[sflag:s9] =	ssyncadd.s32 $0xFFFFC000  }
0x189: {  	[hbm4b:s1+s2] =	stream.linear.scatter [tilespmem:s11], [sflag:$0x4], $0x4000, $0x38;
	[tilespmem:$0x10800] =	vst v63  }
0x18a: {  	s18 =	rddreg [dreg:$0xb]  }
0x18b: {  	[hbm4b:s18+s2] =	stream.linear.scatter [tilespmem:s12], [sflag:$0x5], $0x4000, $0x38;
	[tilespmem:$0x10800] =	vst v63  }
0x18c: {  	_ =	swait.ge [sflag:s10], $0x4000  }
0x18d: {  	[sflag:s10] =	ssyncset.done $0x0  }
0x18e: {  	[sflag:s10] =	ssyncadd.s32 $0xFFFFC000  }
0x18f: {  	_ =	swait.ge [sflag:s7], $0x4000  }
0x190: {  	[sflag:s7] =	ssyncset.done $0x0  }
0x191: {  	[sflag:s7] =	ssyncadd.s32 $0xFFFFC000  }
0x192: {  	[tilespmem:s14], [sflag:$0x1] =	stream.indirect.gather [hbm4b:s3+s13], $0x80, s23, s13, $0xb8;
	[tilespmem:$0x10800] =	vst v63  }
0x193: {  	_ = 	snop  }
0x194: {  	[tilespmem:s15], [sflag:$0x1] =	stream.indirect.gather [hbm4b:s3+s13], $0x80, s24, s13, $0xb8;
	[tilespmem:$0x10800] =	vst v63  }
0x195: {  	_ =	swait.ge [sflag:s9], $0x4000  }
0x196: {  	[sflag:s9] =	ssyncset.done $0x0  }
0x197: {  	[sflag:s9] =	ssyncadd.s32 $0xFFFFC000  }
0x198: {  	_ =	swait.ge [sflag:s9], $0x4000  }
0x199: {  	[sflag:s9] =	ssyncset.done $0x0  }
0x19a: {  	s24 =	rddreg [dreg:$0xc];
	[sflag:s9] =	ssyncadd.s32 $0xFFFFC000  }
0x19b: {  	[hbm4b:s24+s2] =	stream.linear.scatter [tilespmem:s14], [sflag:$0x2], $0x4000, $0x38;
	[tilespmem:$0x10800] =	vst v63  }
0x19c: {  	s25 =	rddreg [dreg:$0xd]  }
0x19d: {  	[hbm4b:s25+s2] =	stream.linear.scatter [tilespmem:s15], [sflag:$0x3], $0x4000, $0x38;
	[tilespmem:$0x10800] =	vst v63  }
0x19e: {  	_ =	swait.ge [sflag:s8], $0x4000  }
0x19f: {  	[sflag:s8] =	ssyncset.done $0x0  }
0x1a0: {  	[sflag:s8] =	ssyncadd.s32 $0xFFFFC000  }
0x1a1: {  	_ =	swait.ge [sflag:s6], $0x4000  }
0x1a2: {  	[sflag:s6] =	ssyncset.done $0x0  }
0x1a3: {  	[sflag:s6] =	ssyncadd.s32 $0xFFFFC000  }
0x1a4: {  	[tilespmem:s11], [sflag:$0x1] =	stream.indirect.gather [hbm4b:s3+s13], $0x80, s21, s13, $0xb8;
	[tilespmem:$0x10800] =	vst v63  }
0x1a5: {  	_ = 	snop  }
0x1a6: {  	[tilespmem:s12], [sflag:$0x1] =	stream.indirect.gather [hbm4b:s3+s13], $0x80, s22, s13, $0xb8;
	[tilespmem:$0x10800] =	vst v63  }
0x1a7: {  	_ =	swait.ge [sflag:s9], $0x4000  }
0x1a8: {  	[sflag:s9] =	ssyncset.done $0x0  }
0x1a9: {  	[sflag:s9] =	ssyncadd.s32 $0xFFFFC000  }
0x1aa: {  	_ =	swait.ge [sflag:s9], $0x4000  }
0x1ab: {  	[sflag:s9] =	ssyncset.done $0x0  }
0x1ac: {  	s26 =	rddreg [dreg:$0xe];
	[sflag:s9] =	ssyncadd.s32 $0xFFFFC000  }
0x1ad: {  	[hbm4b:s26+s2] =	stream.linear.scatter [tilespmem:s11], [sflag:$0x4], $0x4000, $0x38;
	[tilespmem:$0x10800] =	vst v63  }
0x1ae: {  	s28 =	rddreg [dreg:$0xf]  }
0x1af: {  	[hbm4b:s28+s2] =	stream.linear.scatter [tilespmem:s12], [sflag:$0x5], $0x4000, $0x38;
	[tilespmem:$0x10800] =	vst v63  }
0x1b0: {  	_ =	swait.ge [sflag:s10], $0x4000  }
0x1b1: {  	[sflag:s10] =	ssyncset.done $0x0  }
0x1b2: {  	[sflag:s10] =	ssyncadd.s32 $0xFFFFC000  }
0x1b3: {  	_ =	swait.ge [sflag:s7], $0x4000  }
0x1b4: {  	[sflag:s7] =	ssyncset.done $0x0  }
0x1b5: {  	[sflag:s7] =	ssyncadd.s32 $0xFFFFC000  }
0x1b6: {  	[tilespmem:s14], [sflag:$0x1] =	stream.indirect.gather [hbm4b:s3+s13], $0x80, s19, s13, $0xb8;
	[tilespmem:$0x10800] =	vst v63  }
0x1b7: {  	_ = 	snop  }
0x1b8: {  	[tilespmem:s15], [sflag:$0x1] =	stream.indirect.gather [hbm4b:s3+s13], $0x80, s20, s13, $0xb8;
	[tilespmem:$0x10800] =	vst v63  }
0x1b9: {  	_ =	swait.ge [sflag:s9], $0x4000  }
0x1ba: {  	[sflag:s9] =	ssyncset.done $0x0  }
0x1bb: {  	[sflag:s9] =	ssyncadd.s32 $0xFFFFC000  }
0x1bc: {  	_ =	swait.ge [sflag:s9], $0x4000  }
0x1bd: {  	[sflag:s9] =	ssyncset.done $0x0  }
0x1be: {  	s29 =	rddreg [dreg:$0x10];
	[sflag:s9] =	ssyncadd.s32 $0xFFFFC000  }
0x1bf: {  	[hbm4b:s29+s2] =	stream.linear.scatter [tilespmem:s14], [sflag:$0x2], $0x4000, $0x38;
	[tilespmem:$0x10800] =	vst v63  }
0x1c0: {  	s30 =	rddreg [dreg:$0x11]  }
0x1c1: {  	[hbm4b:s30+s2] =	stream.linear.scatter [tilespmem:s15], [sflag:$0x3], $0x4000, $0x38;
	[tilespmem:$0x10800] =	vst v63  }
0x1c2: {  	_ =	swait.ge [sflag:s8], $0x4000  }
0x1c3: {  	[sflag:s8] =	ssyncset.done $0x0  }
0x1c4: {  	[sflag:s8] =	ssyncadd.s32 $0xFFFFC000  }
0x1c5: {  	_ =	swait.ge [sflag:s6], $0x4000  }
0x1c6: {  	[sflag:s6] =	ssyncset.done $0x0  }
0x1c7: {  	[sflag:s6] =	ssyncadd.s32 $0xFFFFC000  }
0x1c8: {  	[tilespmem:s11], [sflag:$0x1] =	stream.indirect.gather [hbm4b:s3+s13], $0x80, s17, s13, $0xb8;
	[tilespmem:$0x10800] =	vst v63  }
0x1c9: {  	s31 =	simm.s32 $0x780  }
0x1ca: {  	[tilespmem:s12], [sflag:$0x1] =	stream.indirect.gather [hbm4b:s3+s13], $0x80, s31, s13, $0xb8;
	[tilespmem:$0x10800] =	vst v63  }
0x1cb: {  	_ =	swait.ge [sflag:s9], $0x4000  }
0x1cc: {  	[sflag:s9] =	ssyncset.done $0x0  }
0x1cd: {  	[sflag:s9] =	ssyncadd.s32 $0xFFFFC000  }
0x1ce: {  	_ =	swait.ge [sflag:s9], $0x4000  }
0x1cf: {  	[sflag:s9] =	ssyncset.done $0x0  }
0x1d0: {  	[sflag:s9] =	ssyncadd.s32 $0xFFFFC000  }
0x1d1: {  	[hbm4b:s4+s2] =	stream.linear.scatter [tilespmem:s11], [sflag:$0x4], $0x4000, $0x38;
	[tilespmem:$0x10800] =	vst v63  }
0x1d2: {  	_ = 	snop  }
0x1d3: {  	[hbm4b:s5+s2] =	stream.linear.scatter [tilespmem:s12], [sflag:$0x5], $0x4000, $0x38;
	[tilespmem:$0x10800] =	vst v63  }
0x1d4: {  	_ =	swait.ge [sflag:s10], $0x4000  }
0x1d5: {  	[sflag:s10] =	ssyncset.done $0x0  }
0x1d6: {  	[sflag:s10] =	ssyncadd.s32 $0xFFFFC000  }
0x1d7: {  	_ =	swait.ge [sflag:s7], $0x4000  }
0x1d8: {  	[sflag:s7] =	ssyncset.done $0x0  }
0x1d9: {  	[sflag:s7] =	ssyncadd.s32 $0xFFFFC000  }
0x1da: {  	_ =	swait.ge [sflag:s8], $0x4000  }
0x1db: {  	[sflag:s8] =	ssyncset.done $0x0  }
0x1dc: {  	[sflag:s8] =	ssyncadd.s32 $0xFFFFC000  }
0x1dd: {  	_ =	swait.ge [sflag:s6], $0x4000  }
0x1de: {  	[sflag:s6] =	ssyncset.done $0x0  }
0x1df: {  	[sflag:s6] =	ssyncadd.s32 $0xFFFFC000  }
0x1e0: {  	_ =	sfence.sel $0x180000  }
0x1e1: {  	[bflag:$0x0] =	sbarrier.arrive $0xFFFF  }
0x1e2: {  	_ =	strace $0x9000004A  }
0x1e3: {  	[bflag:$0x2] =	sbarrier.arrive $0xFFFF  }
0x1e4: {  	p0 =	sne.s32 s16, $0x0;
	s0 =	rddreg [dreg:$0x2]  }
0x1e5: {  	s0 =	sadd.s32 @!p0 $0x100000, s0  }
0x1e6: {  	[sflag:s0] =	ssyncadd.tile.s32 @!p0 $0x1;
	_ =	shalt  }
.LBB2_1:
.Ltmp3:
0x1e7: {  	s18 =	simm.s32 $0x180;
	(pc) =	sbr.rel .LBB2_6-.Ltmp3, $4  }
0x1e8: {  	s30 =	simm.s32 $0x100;
	s29 =	simm.s32 $0x280;
	s28 =	simm.s32 $0x200  }
0x1e9: {  	s26 =	simm.s32 $0x380;
	s25 =	simm.s32 $0x300;
	s24 =	simm.s32 $0x480  }
0x1ea: {  	s23 =	simm.s32 $0x400;
	s22 =	simm.s32 $0x580;
	s21 =	simm.s32 $0x500  }
0x1eb: {  	s20 =	simm.s32 $0x680;
	s19 =	simm.s32 $0x600;
	s17 =	simm.s32 $0x700  }
.LBB2_3:
.Ltmp4:
0x1ec: {  	s18 =	simm.s32 $0x180;
	s30 =	simm.s32 $0x100;
	(pc) =	sbr.rel .LBB2_6-.Ltmp4, $4  }
0x1ed: {  	s29 =	simm.s32 $0x280;
	s28 =	simm.s32 $0x200;
	s26 =	simm.s32 $0x380  }
0x1ee: {  	s25 =	simm.s32 $0x300;
	s24 =	simm.s32 $0x480;
	s23 =	simm.s32 $0x400  }
0x1ef: {  	s22 =	simm.s32 $0x580;
	s21 =	simm.s32 $0x500;
	s20 =	simm.s32 $0x680  }
0x1f0: {  	s19 =	simm.s32 $0x600;
	s17 =	simm.s32 $0x700;
	s16 =	stileid.u32  }
.Lfunc_end2:
_tile_overlayer_lowered:
.L_overlay_start_2:
0x1f1: {  	(tag) =	ssettag $0x2  }
0x1f2: {  	s0 =	rddreg [dreg:$0x0];
	s2 =	stileid.u32  }
0x1f3: {  	s1 =	rddreg [dreg:$0x1];
	p0 =	sne.s32 s2, $0x0  }
0x1f4: {  	s3 =	rddreg [dreg:$0x2];
	[bflag:$0x3] =	sbarrier.arrive $0xFFFF;
	s2 =	simm.s32 @!p0 $0x1C06  }
0x1f5: {  	[timem:s3], [sflag:s2] =	dma.local @!p0 [hbm:s0], s1  }
0x1f6: {  	s0 =	simm.s32 @!p0 $0x6  }
0x1f7: {  	_ =	swait.ge @!p0 [sflag:s0], s1  }
0x1f8: {  	s1 =	ssub.s32 @!p0 $0x0, s1;
	[sflag:s0] =	ssyncset.done @!p0 $0x0  }
0x1f9: {  	[sflag:s0] =	ssyncadd.s32 @!p0 s1  }
0x1fa: {  	[bflag:$0x3] =	sbarrier.arrive $0xFFFF  }
0x1fb: {  	_ =	shalt  }

// kernel: kernel.8.cloned.1.call-start
scs
__scs_entry_jumppad:
0x0: {  	(pc) =	sbr.rel $0x88, $3  }
0x1: {  	(tag) =	ssettag $0x0;
	lr =	simm.s32 $0x1  }
0x2: {  	[smem:$0x3F92] =	sst lr;
	_ =	strace $0xD0000000  }
0x3: {  	_ = 	snop  }
0x4: {  	_ = 	snop  }
0x5: {  	_ = 	snop  }
0x6: {  	_ = 	snop  }
0x7: {  	_ = 	snop  }
__scs_overlays_trampoline_lowered:
0x8: {  	[smem:$0x3FA1] =	sst s0  }
0x9: {  	[smem:$0x3FA2] =	sst s1  }
0xa: {  	[smem:$0x3FA3] =	sst s2  }
0xb: {  	[smem:$0x3FA4] =	sst s3  }
0xc: {  	[smem:$0x3FA5] =	sst s4  }
0xd: {  	[smem:$0x3FA6] =	sst s5  }
0xe: {  	[smem:$0x3FA7] =	sst s6  }
0xf: {  	[smem:$0x3FA8] =	sst s7  }
0x10: {  	[smem:$0x3FA9] =	sst s8  }
0x11: {  	[smem:$0x3FAA] =	sst s9;
	s0 =	simm.s32 @!p0 $0x0  }
0x12: {  	s1 =	sld [smem:$0x3F90];
	s0 =	simm.s32 @p0 $0x1  }
0x13: {  	[smem:$0x3FAB] =	sst s0;
	s0 =	simm.s32 @!p1 $0x0  }
0x14: {  	s2 =	sld [smem:$0x3F8F];
	s0 =	simm.s32 @p1 $0x1  }
0x15: {  	[smem:$0x3FAC] =	sst s0;
	s0 =	simm.s32 @!p2 $0x0  }
0x16: {  	s3 =	sld [smem:$0x3FDB];
	s0 =	simm.s32 @p2 $0x1  }
0x17: {  	s4 =	simm.s32 $0x1BF5;
	[smem:$0x3FAE] =	sst s0  }
0x18: {  	s0 =	sld [smem:$0x3F91];
	_ =	swait.ge [sflag:s4], $0x0  }
0x19: {  	s7 =	sld [smem:$0x3F92]  }
0x1a: {  	s8 =	sadd.s32 $0xFFFFE003, lr  }
0x1b: {  	s9 =	sadd.s32 $0xFFFFFEF7, lr;
	s5 =	simm.s32 $0xFFFFFFFF;
	p2 =	slt.u32 s8, $0xFFFFF086  }
0x1c: {  	p1 =	slt.u32 s9, $0xF7A;
	s5 =	simm.s32 @!p2 $0x0  }
0x1d: {  	s5 =	simm.s32 @p1 $0x1;
	p0 =	seq.s32 s7, s2  }
0x1e: {  	s7 =	smul.u32 @!p0 $0xF7A, s2;
	p2 =	seq.s32 @!p0 s5, $0x0  }
0x1f: {  	s9 =	smul.u32 $0xF7A, s1;
	s8 =	simm.s32 @!p0 $0x1BF5;
	p2 =	por !p2, p0  }
0x20: {  	[sflag:s8] =	ssyncset.s32 @!p0 $0xFFFFF086;
	s6 =	sadd.s32 @!p0 s3, s7;
	s7 =	simm.s32 @!p0 $0x108  }
0x21: {  	s3 =	sadd.s32 s3, s9;
	s6 =	sadd.s32 @!p0 $0x88, s6;
	s7 =	simm.s32 @p2 $0x1082  }
0x22: {  	[simem:s7], [sflag:s8] =	dma.local @!p0 [hbm:s6], $0xF7A  }
0x23: {  	s9 =	sor.u32 $0xD0000000, s2;
	s6 =	simm.s32 $0x108;
	_ =	swait.ge @!p0 [sflag:s8], $0x0  }
0x24: {  	s3 =	sadd.s32 $0x88, s3;
	s6 =	simm.s32 @!p1 $0x1082;
	[sflag:s4] =	ssyncset.s32 $0xFFFFF086  }
0x25: {  	[simem:s6], [sflag:s4] =	dma.local [hbm:s3], $0xF7A  }
0x26: {  	[smem:$0x3F92] =	sst s1;
	(tag) =	ssettag s2;
	_ =	strace s9  }
0x27: {  	s1 =	sld [smem:$0x3FA2]  }
0x28: {  	s2 =	sld [smem:$0x3FA3]  }
0x29: {  	s4 =	sld [smem:$0x3FA5]  }
0x2a: {  	p0 =	seq.s32 s5, $0x0;
	s5 =	sld [smem:$0x3FA6]  }
0x2b: {  	s6 =	sld [smem:$0x3FA7]  }
0x2c: {  	s7 =	sld [smem:$0x3FA8]  }
0x2d: {  	s3 =	simm.s32 $0x108;
	s8 =	sld [smem:$0x3FA9]  }
0x2e: {  	s3 =	simm.s32 @!p0 $0x1082;
	s9 =	sld [smem:$0x3FAA]  }
0x2f: {  	lr =	sadd.s32 s0, s3;
	s0 =	sld [smem:$0x3FA1]  }
0x30: {  	s3 =	sld [smem:$0x3FA4]  }
0x31: {  	[smem:$0x3FAD] =	sst s10  }
0x32: {  	s10 =	sld [smem:$0x3FAB];
	_ =	sdelay $0x3  }
0x33: {  	p0 =	seq.s32 s10, $0x1;
	s10 =	sld [smem:$0x3FAD];
	_ =	sdelay $0x3  }
0x34: {  	[smem:$0x3FAD] =	sst s10  }
0x35: {  	s10 =	sld [smem:$0x3FAC];
	_ =	sdelay $0x3  }
0x36: {  	p1 =	seq.s32 s10, $0x1;
	s10 =	sld [smem:$0x3FAD];
	_ =	sdelay $0x3  }
0x37: {  	[smem:$0x3FAD] =	sst s10  }
0x38: {  	s10 =	sld [smem:$0x3FAE]  }
0x39: {  	_ = 	snop;
	(pc) =	sbr.ind lr, $3  }
0x3a: {  	_ = 	snop  }
0x3b: {  	_ = 	snop  }
0x3c: {  	p2 =	seq.s32 s10, $0x1;
	s10 =	sld [smem:$0x3FAD]  }
0x3d: {  	_ =	shalt  }
0x3e: {  	_ =	shalt  }
0x3f: {  	_ =	shalt  }
0x40: {  	_ =	shalt  }
0x41: {  	_ =	shalt  }
0x42: {  	_ =	shalt  }
0x43: {  	_ =	shalt  }
0x44: {  	_ =	shalt  }
0x45: {  	_ =	shalt  }
0x46: {  	_ =	shalt  }
0x47: {  	_ =	shalt  }
0x48: {  	_ =	shalt  }
0x49: {  	_ =	shalt  }
0x4a: {  	_ =	shalt  }
0x4b: {  	_ =	shalt  }
0x4c: {  	_ =	shalt  }
0x4d: {  	_ =	shalt  }
0x4e: {  	_ =	shalt  }
0x4f: {  	_ =	shalt  }
0x50: {  	_ =	shalt  }
0x51: {  	_ =	shalt  }
0x52: {  	_ =	shalt  }
0x53: {  	_ =	shalt  }
0x54: {  	_ =	shalt  }
0x55: {  	_ =	shalt  }
0x56: {  	_ =	shalt  }
0x57: {  	_ =	shalt  }
0x58: {  	_ =	shalt  }
0x59: {  	_ =	shalt  }
0x5a: {  	_ =	shalt  }
0x5b: {  	_ =	shalt  }
0x5c: {  	_ =	shalt  }
0x5d: {  	_ =	shalt  }
0x5e: {  	_ =	shalt  }
0x5f: {  	_ =	shalt  }
0x60: {  	_ =	shalt  }
0x61: {  	_ =	shalt  }
0x62: {  	_ =	shalt  }
0x63: {  	_ =	shalt  }
0x64: {  	_ =	shalt  }
0x65: {  	_ =	shalt  }
0x66: {  	_ =	shalt  }
0x67: {  	_ =	shalt  }
0x68: {  	_ =	shalt  }
0x69: {  	_ =	shalt  }
0x6a: {  	_ =	shalt  }
0x6b: {  	_ =	shalt  }
0x6c: {  	_ =	shalt  }
0x6d: {  	_ =	shalt  }
0x6e: {  	_ =	shalt  }
0x6f: {  	_ =	shalt  }
0x70: {  	_ =	shalt  }
0x71: {  	_ =	shalt  }
0x72: {  	_ =	shalt  }
0x73: {  	_ =	shalt  }
0x74: {  	_ =	shalt  }
0x75: {  	_ =	shalt  }
0x76: {  	_ =	shalt  }
0x77: {  	_ =	shalt  }
0x78: {  	_ =	shalt  }
0x79: {  	_ =	shalt  }
0x7a: {  	_ =	shalt  }
0x7b: {  	_ =	shalt  }
0x7c: {  	_ =	shalt  }
0x7d: {  	_ =	shalt  }
0x7e: {  	_ =	shalt  }
0x7f: {  	_ =	shalt  }
0x80: {  	_ =	shalt  }
0x81: {  	_ =	shalt  }
0x82: {  	_ =	shalt  }
0x83: {  	_ =	shalt  }
0x84: {  	_ =	shalt  }
0x85: {  	_ =	shalt  }
0x86: {  	_ =	shalt  }
0x87: {  	_ =	shalt  }
.Lfunc_end0:
.L_simem_size_0:
called_computation_lowered:
.L_overlay_start_0:
0x88: {  	s2 =	sld [smem:$0x3FD9]  }
0x89: {  	s3 =	sld [smem:$0x3FFE];
	_ =	sdelay $0x1  }
0x8a: {  	s1 =	srdreg.scid  }
0x8b: {  	s0 =	sand.u32 $0x1, s1  }
0x8c: {  	s16 =	sshll.u32 s0, $0xA;
	s2 =	sadd.s32 s3, s2  }
0x8d: {  	s2 =	sadd.s32 s2, s16  }
0x8e: {  	[smem:$0x3FB9] =	sst s2  }
0x8f: {  	_ = 	snop  }
0x90: {  	(tm) =	ssettm $0x1  }
0x91: {  	s17 =	sld [smem:$0x3FFB];
	_ =	sdelay $0x3  }
0x92: {  	_ =	strace s17  }
0x93: {  	s2 =	sld [smem:$0x3FFC];
	_ =	sdelay $0x3  }
0x94: {  	_ =	strace s2  }
0x95: {  	s2 =	sld [smem:$0x3FFD];
	_ =	sdelay $0x3  }
0x96: {  	_ =	strace s2  }
0x97: {  	_ =	strace $0x8FFFFFFF  }
0x98: {  	s18 =	sld [smem:$0x3FDB];
	_ =	sdelay $0x1  }
0x99: {  	s19 =	simm.s32 $_scs_section_size  }
0x9a: {  	s4 =	simm.s32 $_size__tile_overlayer_lowered;
	s5 =	simm.s32 $_tile_overlayer_lowered  }
0x9b: {  	s22 =	simm.s32 $0x1BFF;
	s21 =	sshll.u32 s5, $0x1;
	s2 =	sadd.s32 s19, s18  }
0x9c: {  	s6 =	simm.s32 $0x0;
	s20 =	sshll.u32 s4, $0x1;
	s4 =	sadd.s32 s21, s2  }
0x9d: {  	[timem:s6], [sflag:s22] =	dma.local [hbm:s4], s20  }
0x9e: {  	_ =	swait.ge [sflag:s22], s20  }
0x9f: {  	s3 =	ssub.s32 $0x0, s20;
	[sflag:s22] =	ssyncset.done $0x0  }
0xa0: {  	[sflag:s22] =	ssyncadd.s32 s3;
	_ =	sdelay $0x1  }
0xa1: {  	s23 =	simm.s32 $0x1B8B  }
0xa2: {  	_ =	swait.ge [sflag:s23], $0x1  }
0xa3: {  	[sflag:s23] =	ssyncset.done $0x0  }
0xa4: {  	s25 =	simm.s32 $0x1B8E;
	s24 =	sld [smem:$0x3FFE];
	[sflag:s23] =	ssyncadd.s32 $0xFFFFFFFF  }
0xa5: {  	s26 =	simm.s32 $execute0_lowered;
	[smem:$0x3FD2] =	sst s25  }
0xa6: {  	s4 =	sshll.u32 s26, $0x1;
	_ =	strace $0x80000046;
	[dreg:$0x1] =	wrdreg $0xFFFFFFFF  }
0xa7: {  	s28 =	simm.s32 $_size_execute0_lowered;
	s2 =	sadd.s32 s2, s4;
	[dreg:$0x0] =	wrdreg $0x0  }
0xa8: {  	s4 =	sshll.u32 s28, $0x1;
	[dreg:$0x2] =	wrdreg s2  }
0xa9: {  	[dreg:$0x3] =	wrdreg s4  }
0xaa: {  	[dreg:$0x4] =	wrdreg $0xC0  }
0xab: {  	_ =	task [dreg:s6], $0x5FFFF  }
0xac: {  	[dreg:$0x1] =	wrdreg $0xFFFFFFFF  }
0xad: {  	[dreg:$0x0] =	wrdreg $0x60  }
0xae: {  	[dreg:$0x2] =	wrdreg s24  }
0xaf: {  	[dreg:$0x3] =	wrdreg $0x9  }
0xb0: {  	_ =	task.clear_ibuf [dreg:s6], $0x4FFFF;
	_ =	strace $0x90000046  }
0xb1: {  	s29 =	simm.s32 $0x9;
	_ =	strace $0x80000048  }
0xb2: {  	_ =	swait.ge [sflag:s29], $0x1  }
0xb3: {  	[sflag:s29] =	ssyncadd.s32 $0xFFFFFFFF  }
0xb4: {  	_ =	strace $0x90000048  }
0xb5: {  	_ =	sfence  }
0xb6: {  	s30 =	sld [smem:$0x0];
	_ =	sdelay $0x2  }
0xb7: {  	s31 =	sshll.u32 s1, $0xD;
	s1 =	sshrl.u32 s1, $0x2  }
0xb8: {  	s3 =	sand.u32 $0x4000, s31;
	s1 =	sadd.s32 s1, s30  }
0xb9: {  	s0 =	sor.u32 s3, s0;
	s1 =	sshll.u32 s1, $0x11  }
0xba: {  	s0 =	sor.u32 s1, s0  }
0xbb: {  	s0 =	sadd.s32 $0x8F2B, s0  }
0xbc: {  	[sflag:s0] =	ssyncadd.remote.s32 $0x1  }
0xbd: {  	_ =	sfence.sel $0xFFFF  }
0xbe: {  	[dreg:$0x0] =	wrdreg $0xFFFFFFFF;
	(pc) =	sbr.abs _section_cstart, $3  }
0xbf: {  	[dreg:$0x1] =	wrdreg $0xFFFFFFFF  }
0xc0: {  	_ =	task.clear_ibuf [dreg:s6], $0x2FFFF;
	_ =	strace $0x9FFFFFFF  }
0xc1: {  	(tm) =	ssettm $0x7FFFFFFF  }
tec
execute0_lowered:
.L_overlay_start_1:
0x0: {  	(tag) =	ssettag $0x1  }
0x1: {  	s0 =	srdreg.scid  }
0x2: {  	s16 =	stileid.u32;
	s0 =	sand.u32 $0x1, s0  }
0x3: {  	s1 =	sshll.u32 s16, $0xC;
	s2 =	sshll.u32 s0, $0xB  }
0x4: {  	s3 =	rddreg [dreg:$0x0];
	s31 =	simm.s32 $0x6;
	s1 =	sor.u32 s2, s1  }
0x5: {  	s9 =	simm.s32 $0x1;
	s11 =	simm.s32 $0x8800;
	s4 =	sshrl.u32 s1, $0x3  }
0x6: {  	s2 =	simm.s32 $0x0;
	s1 =	sshll.u32 s1, $0x4;
	s4 =	sadd.s32 s4, s3  }
0x7: {  	[smem:$0x7FF] =	sst s2;
	s1 =	sadd.s32 s1, s3;
	s4 =	sadd.s32 $0x13800, s4  }
0x8: {  	_ =	strace $0x80000047;
	s12 =	sadd.s32 $0x15800, s1;
	[dreg:$0x2] =	wrdreg s4  }
0x9: {  	s30 =	simm.s32 $0x180;
	s13 =	sadd.s32 $0x16000, s1;
	[dreg:$0x3] =	wrdreg s12  }
0xa: {  	s10 =	simm.s32 $0x2;
	s14 =	sadd.s32 $0x16800, s1;
	[dreg:$0x4] =	wrdreg s13  }
0xb: {  	s7 =	simm.s32 $0x3;
	s15 =	sadd.s32 $0x17000, s1;
	[dreg:$0x5] =	wrdreg s14  }
0xc: {  	s28 =	simm.s32 $0x200;
	s17 =	sadd.s32 $0x17800, s1;
	[dreg:$0x6] =	wrdreg s15  }
0xd: {  	s29 =	simm.s32 $0x280;
	s18 =	sadd.s32 $0x18000, s1;
	[dreg:$0x7] =	wrdreg s17  }
0xe: {  	s8 =	simm.s32 $0x4;
	s19 =	sadd.s32 $0x18800, s1;
	[dreg:$0x8] =	wrdreg s18  }
0xf: {  	s6 =	simm.s32 $0x5;
	s20 =	sadd.s32 $0x19000, s1;
	[dreg:$0x9] =	wrdreg s19  }
0x10: {  	p0 =	por $0x0, $0x0;
	s21 =	sadd.s32 $0x19800, s1;
	[dreg:$0xa] =	wrdreg s20  }
0x11: {  	s0 =	ssub.s32 $0x2, s0;
	s22 =	sadd.s32 $0x1A000, s1;
	[dreg:$0xb] =	wrdreg s21  }
0x12: {  	s5 =	sshrl.u32 s0, $0x1;
	s23 =	sadd.s32 $0x1A800, s1;
	[dreg:$0xc] =	wrdreg s22  }
0x13: {  	s0 =	ssub.s32 s0, s5;
	s24 =	sadd.s32 $0x1B000, s1;
	[dreg:$0xd] =	wrdreg s23  }
0x14: {  	s3 =	sadd.s32 $0x3800, s3;
	s25 =	sadd.s32 $0x1B800, s1;
	[dreg:$0xe] =	wrdreg s24  }
0x15: {  	s0 =	smax.u32 s0, $0x1;
	s26 =	sadd.s32 $0x1C000, s1;
	[dreg:$0xf] =	wrdreg s25  }
0x16: {  	s5 =	sadd.s32 $0x1D000, s1;
	p1 =	sne.s32 s0, $0x1;
	[dreg:$0x10] =	wrdreg s26  }
0x17: {  	s4 =	sadd.s32 $0x1C800, s1;
	s13 =	simm.s32 $0x80;
	s14 =	simm.s32 $0x800  }
.Ltmp0:
0x18: {  	s15 =	simm.s32 $0x4800;
	s12 =	simm.s32 $0xC800;
	(pc) =	sbr.rel @!p1 .LBB2_1-.Ltmp0, $4  }
0x19: {  	s25 =	simm.s32 $0x300;
	s26 =	simm.s32 $0x380;
	s23 =	simm.s32 $0x400  }
0x1a: {  	s24 =	simm.s32 $0x480;
	s1 =	sadd.s32 $0xFFFFFFFF, s0;
	s21 =	simm.s32 $0x500  }
0x1b: {  	s22 =	simm.s32 $0x580;
	s19 =	simm.s32 $0x600;
	s20 =	simm.s32 $0x680  }
0x1c: {  	s17 =	simm.s32 $0x700;
	s18 =	simm.s32 $0x780;
	s0 =	rddreg [dreg:$0x2]  }
0x1d: {  	[tilespmem:s2], [sflag:$0x6] =	stream.linear.gather [hbm4b:s0+s2], $0x800, $0x38;
	[tilespmem:$0x10800] =	vst v63  }
0x1e: {  	_ =	swait.ge [sflag:s31], $0x800  }
0x1f: {  	[sflag:s31] =	ssyncset.done $0x0  }
0x20: {  	[sflag:s31] =	ssyncadd.s32 $0xFFFFF800  }
0x21: {  	[tilespmem:s14], [sflag:$0x1] =	stream.indirect.gather [hbm4b:s3+s13], $0x80, s2, s13, $0xb8;
	[tilespmem:$0x10800] =	vst v63  }
0x22: {  	_ = 	snop  }
0x23: {  	[tilespmem:s15], [sflag:$0x1] =	stream.indirect.gather [hbm4b:s3+s13], $0x80, s13, s13, $0xb8;
	[tilespmem:$0x10800] =	vst v63  }
0x24: {  	_ =	swait.ge [sflag:s9], $0x4000  }
0x25: {  	[sflag:s9] =	ssyncset.done $0x0  }
0x26: {  	[sflag:s9] =	ssyncadd.s32 $0xFFFFC000  }
0x27: {  	_ =	swait.ge [sflag:s9], $0x4000  }
0x28: {  	[sflag:s9] =	ssyncset.done $0x0  }
0x29: {  	s0 =	rddreg [dreg:$0x3];
	[sflag:s9] =	ssyncadd.s32 $0xFFFFC000  }
0x2a: {  	[hbm4b:s0+s2] =	stream.linear.scatter [tilespmem:s14], [sflag:$0x2], $0x4000, $0x38;
	[tilespmem:$0x10800] =	vst v63  }
0x2b: {  	s16 =	smov.u32 s1;
	s1 =	rddreg [dreg:$0x4]  }
0x2c: {  	[hbm4b:s1+s2] =	stream.linear.scatter [tilespmem:s15], [sflag:$0x3], $0x4000, $0x38;
	[tilespmem:$0x10800] =	vst v63  }
0x2d: {  	s1 =	simm.s32 $0x100  }
0x2e: {  	[tilespmem:s11], [sflag:$0x1] =	stream.indirect.gather [hbm4b:s3+s13], $0x80, s1, s13, $0xb8;
	[tilespmem:$0x10800] =	vst v63  }
0x2f: {  	_ = 	snop  }
0x30: {  	[tilespmem:s12], [sflag:$0x1] =	stream.indirect.gather [hbm4b:s3+s13], $0x80, s30, s13, $0xb8;
	[tilespmem:$0x10800] =	vst v63  }
0x31: {  	_ =	swait.ge [sflag:s9], $0x4000  }
0x32: {  	[sflag:s9] =	ssyncset.done $0x0  }
0x33: {  	[sflag:s9] =	ssyncadd.s32 $0xFFFFC000  }
0x34: {  	_ =	swait.ge [sflag:s9], $0x4000  }
0x35: {  	[sflag:s9] =	ssyncset.done $0x0  }
0x36: {  	s0 =	rddreg [dreg:$0x5];
	[sflag:s9] =	ssyncadd.s32 $0xFFFFC000  }
0x37: {  	[hbm4b:s0+s2] =	stream.linear.scatter [tilespmem:s11], [sflag:$0x4], $0x4000, $0x38;
	[tilespmem:$0x10800] =	vst v63  }
0x38: {  	s1 =	rddreg [dreg:$0x6]  }
0x39: {  	[hbm4b:s1+s2] =	stream.linear.scatter [tilespmem:s12], [sflag:$0x5], $0x4000, $0x38;
	[tilespmem:$0x10800] =	vst v63  }
0x3a: {  	_ =	swait.ge [sflag:s10], $0x4000  }
0x3b: {  	[sflag:s10] =	ssyncset.done $0x0  }
0x3c: {  	[sflag:s10] =	ssyncadd.s32 $0xFFFFC000  }
0x3d: {  	_ =	swait.ge [sflag:s7], $0x4000  }
0x3e: {  	[sflag:s7] =	ssyncset.done $0x0  }
0x3f: {  	[sflag:s7] =	ssyncadd.s32 $0xFFFFC000  }
0x40: {  	[tilespmem:s14], [sflag:$0x1] =	stream.indirect.gather [hbm4b:s3+s13], $0x80, s28, s13, $0xb8;
	[tilespmem:$0x10800] =	vst v63  }
0x41: {  	_ = 	snop  }
0x42: {  	[tilespmem:s15], [sflag:$0x1] =	stream.indirect.gather [hbm4b:s3+s13], $0x80, s29, s13, $0xb8;
	[tilespmem:$0x10800] =	vst v63  }
0x43: {  	_ =	swait.ge [sflag:s9], $0x4000  }
0x44: {  	[sflag:s9] =	ssyncset.done $0x0  }
0x45: {  	[sflag:s9] =	ssyncadd.s32 $0xFFFFC000  }
0x46: {  	_ =	swait.ge [sflag:s9], $0x4000  }
0x47: {  	[sflag:s9] =	ssyncset.done $0x0  }
0x48: {  	s0 =	rddreg [dreg:$0x7];
	[sflag:s9] =	ssyncadd.s32 $0xFFFFC000  }
0x49: {  	[hbm4b:s0+s2] =	stream.linear.scatter [tilespmem:s14], [sflag:$0x2], $0x4000, $0x38;
	[tilespmem:$0x10800] =	vst v63  }
0x4a: {  	s1 =	rddreg [dreg:$0x8]  }
0x4b: {  	[hbm4b:s1+s2] =	stream.linear.scatter [tilespmem:s15], [sflag:$0x3], $0x4000, $0x38;
	[tilespmem:$0x10800] =	vst v63  }
0x4c: {  	_ =	swait.ge [sflag:s8], $0x4000  }
0x4d: {  	[sflag:s8] =	ssyncset.done $0x0  }
0x4e: {  	[sflag:s8] =	ssyncadd.s32 $0xFFFFC000  }
0x4f: {  	_ =	swait.ge [sflag:s6], $0x4000  }
0x50: {  	[sflag:s6] =	ssyncset.done $0x0  }
0x51: {  	[sflag:s6] =	ssyncadd.s32 $0xFFFFC000  }
0x52: {  	[tilespmem:s11], [sflag:$0x1] =	stream.indirect.gather [hbm4b:s3+s13], $0x80, s25, s13, $0xb8;
	[tilespmem:$0x10800] =	vst v63  }
0x53: {  	_ = 	snop  }
0x54: {  	[tilespmem:s12], [sflag:$0x1] =	stream.indirect.gather [hbm4b:s3+s13], $0x80, s26, s13, $0xb8;
	[tilespmem:$0x10800] =	vst v63  }
0x55: {  	_ =	swait.ge [sflag:s9], $0x4000  }
0x56: {  	[sflag:s9] =	ssyncset.done $0x0  }
0x57: {  	[sflag:s9] =	ssyncadd.s32 $0xFFFFC000  }
0x58: {  	_ =	swait.ge [sflag:s9], $0x4000  }
0x59: {  	[sflag:s9] =	ssyncset.done $0x0  }
0x5a: {  	s0 =	rddreg [dreg:$0x9];
	[sflag:s9] =	ssyncadd.s32 $0xFFFFC000  }
0x5b: {  	[hbm4b:s0+s2] =	stream.linear.scatter [tilespmem:s11], [sflag:$0x4], $0x4000, $0x38;
	[tilespmem:$0x10800] =	vst v63  }
0x5c: {  	s1 =	rddreg [dreg:$0xa]  }
0x5d: {  	[hbm4b:s1+s2] =	stream.linear.scatter [tilespmem:s12], [sflag:$0x5], $0x4000, $0x38;
	[tilespmem:$0x10800] =	vst v63  }
0x5e: {  	_ =	swait.ge [sflag:s10], $0x4000  }
0x5f: {  	[sflag:s10] =	ssyncset.done $0x0  }
0x60: {  	[sflag:s10] =	ssyncadd.s32 $0xFFFFC000  }
0x61: {  	_ =	swait.ge [sflag:s7], $0x4000  }
0x62: {  	[sflag:s7] =	ssyncset.done $0x0  }
0x63: {  	[sflag:s7] =	ssyncadd.s32 $0xFFFFC000  }
0x64: {  	[tilespmem:s14], [sflag:$0x1] =	stream.indirect.gather [hbm4b:s3+s13], $0x80, s23, s13, $0xb8;
	[tilespmem:$0x10800] =	vst v63  }
0x65: {  	_ = 	snop  }
0x66: {  	[tilespmem:s15], [sflag:$0x1] =	stream.indirect.gather [hbm4b:s3+s13], $0x80, s24, s13, $0xb8;
	[tilespmem:$0x10800] =	vst v63  }
0x67: {  	_ =	swait.ge [sflag:s9], $0x4000  }
0x68: {  	[sflag:s9] =	ssyncset.done $0x0  }
0x69: {  	[sflag:s9] =	ssyncadd.s32 $0xFFFFC000  }
0x6a: {  	_ =	swait.ge [sflag:s9], $0x4000  }
0x6b: {  	[sflag:s9] =	ssyncset.done $0x0  }
0x6c: {  	s0 =	rddreg [dreg:$0xb];
	[sflag:s9] =	ssyncadd.s32 $0xFFFFC000  }
0x6d: {  	[hbm4b:s0+s2] =	stream.linear.scatter [tilespmem:s14], [sflag:$0x2], $0x4000, $0x38;
	[tilespmem:$0x10800] =	vst v63  }
0x6e: {  	s1 =	rddreg [dreg:$0xc]  }
0x6f: {  	[hbm4b:s1+s2] =	stream.linear.scatter [tilespmem:s15], [sflag:$0x3], $0x4000, $0x38;
	[tilespmem:$0x10800] =	vst v63  }
0x70: {  	_ =	swait.ge [sflag:s8], $0x4000  }
0x71: {  	[sflag:s8] =	ssyncset.done $0x0  }
0x72: {  	[sflag:s8] =	ssyncadd.s32 $0xFFFFC000  }
0x73: {  	_ =	swait.ge [sflag:s6], $0x4000  }
0x74: {  	[sflag:s6] =	ssyncset.done $0x0  }
0x75: {  	[sflag:s6] =	ssyncadd.s32 $0xFFFFC000  }
0x76: {  	[tilespmem:s11], [sflag:$0x1] =	stream.indirect.gather [hbm4b:s3+s13], $0x80, s21, s13, $0xb8;
	[tilespmem:$0x10800] =	vst v63  }
0x77: {  	_ = 	snop  }
0x78: {  	[tilespmem:s12], [sflag:$0x1] =	stream.indirect.gather [hbm4b:s3+s13], $0x80, s22, s13, $0xb8;
	[tilespmem:$0x10800] =	vst v63  }
0x79: {  	_ =	swait.ge [sflag:s9], $0x4000  }
0x7a: {  	[sflag:s9] =	ssyncset.done $0x0  }
0x7b: {  	[sflag:s9] =	ssyncadd.s32 $0xFFFFC000  }
0x7c: {  	_ =	swait.ge [sflag:s9], $0x4000  }
0x7d: {  	[sflag:s9] =	ssyncset.done $0x0  }
0x7e: {  	s0 =	rddreg [dreg:$0xd];
	[sflag:s9] =	ssyncadd.s32 $0xFFFFC000  }
0x7f: {  	[hbm4b:s0+s2] =	stream.linear.scatter [tilespmem:s11], [sflag:$0x4], $0x4000, $0x38;
	[tilespmem:$0x10800] =	vst v63  }
0x80: {  	s1 =	rddreg [dreg:$0xe]  }
0x81: {  	[hbm4b:s1+s2] =	stream.linear.scatter [tilespmem:s12], [sflag:$0x5], $0x4000, $0x38;
	[tilespmem:$0x10800] =	vst v63  }
0x82: {  	_ =	swait.ge [sflag:s10], $0x4000  }
0x83: {  	[sflag:s10] =	ssyncset.done $0x0  }
0x84: {  	[sflag:s10] =	ssyncadd.s32 $0xFFFFC000  }
0x85: {  	_ =	swait.ge [sflag:s7], $0x4000  }
0x86: {  	[sflag:s7] =	ssyncset.done $0x0  }
0x87: {  	[sflag:s7] =	ssyncadd.s32 $0xFFFFC000  }
0x88: {  	[tilespmem:s14], [sflag:$0x1] =	stream.indirect.gather [hbm4b:s3+s13], $0x80, s19, s13, $0xb8;
	[tilespmem:$0x10800] =	vst v63  }
0x89: {  	_ = 	snop  }
0x8a: {  	[tilespmem:s15], [sflag:$0x1] =	stream.indirect.gather [hbm4b:s3+s13], $0x80, s20, s13, $0xb8;
	[tilespmem:$0x10800] =	vst v63  }
0x8b: {  	_ =	swait.ge [sflag:s9], $0x4000  }
0x8c: {  	[sflag:s9] =	ssyncset.done $0x0  }
0x8d: {  	[sflag:s9] =	ssyncadd.s32 $0xFFFFC000  }
0x8e: {  	_ =	swait.ge [sflag:s9], $0x4000  }
0x8f: {  	[sflag:s9] =	ssyncset.done $0x0  }
0x90: {  	s0 =	rddreg [dreg:$0xf];
	[sflag:s9] =	ssyncadd.s32 $0xFFFFC000  }
0x91: {  	[hbm4b:s0+s2] =	stream.linear.scatter [tilespmem:s14], [sflag:$0x2], $0x4000, $0x38;
	[tilespmem:$0x10800] =	vst v63  }
0x92: {  	s1 =	rddreg [dreg:$0x10]  }
0x93: {  	[hbm4b:s1+s2] =	stream.linear.scatter [tilespmem:s15], [sflag:$0x3], $0x4000, $0x38;
	[tilespmem:$0x10800] =	vst v63  }
0x94: {  	_ =	swait.ge [sflag:s8], $0x4000  }
0x95: {  	[sflag:s8] =	ssyncset.done $0x0  }
0x96: {  	[sflag:s8] =	ssyncadd.s32 $0xFFFFC000  }
0x97: {  	_ =	swait.ge [sflag:s6], $0x4000  }
0x98: {  	[sflag:s6] =	ssyncset.done $0x0  }
0x99: {  	[sflag:s6] =	ssyncadd.s32 $0xFFFFC000  }
0x9a: {  	[tilespmem:s11], [sflag:$0x1] =	stream.indirect.gather [hbm4b:s3+s13], $0x80, s17, s13, $0xb8;
	[tilespmem:$0x10800] =	vst v63  }
0x9b: {  	_ = 	snop  }
0x9c: {  	[tilespmem:s12], [sflag:$0x1] =	stream.indirect.gather [hbm4b:s3+s13], $0x80, s18, s13, $0xb8;
	[tilespmem:$0x10800] =	vst v63  }
0x9d: {  	_ =	swait.ge [sflag:s9], $0x4000  }
0x9e: {  	[sflag:s9] =	ssyncset.done $0x0  }
0x9f: {  	[sflag:s9] =	ssyncadd.s32 $0xFFFFC000  }
0xa0: {  	_ =	swait.ge [sflag:s9], $0x4000  }
0xa1: {  	[sflag:s9] =	ssyncset.done $0x0  }
0xa2: {  	[sflag:s9] =	ssyncadd.s32 $0xFFFFC000  }
0xa3: {  	[hbm4b:s4+s2] =	stream.linear.scatter [tilespmem:s11], [sflag:$0x4], $0x4000, $0x38;
	[tilespmem:$0x10800] =	vst v63  }
0xa4: {  	_ = 	snop  }
0xa5: {  	[hbm4b:s5+s2] =	stream.linear.scatter [tilespmem:s12], [sflag:$0x5], $0x4000, $0x38;
	[tilespmem:$0x10800] =	vst v63  }
0xa6: {  	_ =	swait.ge [sflag:s10], $0x4000  }
0xa7: {  	[sflag:s10] =	ssyncset.done $0x0  }
0xa8: {  	[sflag:s10] =	ssyncadd.s32 $0xFFFFC000  }
0xa9: {  	_ =	swait.ge [sflag:s7], $0x4000  }
0xaa: {  	[sflag:s7] =	ssyncset.done $0x0  }
0xab: {  	p1 =	sne.s32 s16, $0x1;
	[sflag:s7] =	ssyncadd.s32 $0xFFFFC000  }
.Ltmp1:
0xac: {  	_ =	swait.ge [sflag:s8], $0x4000;
	(pc) =	sbr.rel @!p1 .LBB2_3-.Ltmp1, $4  }
0xad: {  	[sflag:s8] =	ssyncset.done $0x0  }
0xae: {  	[sflag:s8] =	ssyncadd.s32 $0xFFFFC000  }
0xaf: {  	p0 =	por $0x1, $0x1;
	_ =	swait.ge [sflag:s6], $0x4000  }
0xb0: {  	s1 =	sadd.s32 $0xFFFFFFFF, s16;
	s0 =	rddreg [dreg:$0x2];
	[sflag:s6] =	ssyncset.done $0x0  }
.LBB2_4:
0xb1: {  	[sflag:s6] =	ssyncadd.s32 $0xFFFFC000  }
0xb2: {  	[tilespmem:s2], [sflag:$0x6] =	stream.linear.gather [hbm4b:s0+s2], $0x800, $0x38;
	[tilespmem:$0x10800] =	vst v63  }
0xb3: {  	_ =	swait.ge [sflag:s31], $0x800  }
0xb4: {  	[sflag:s31] =	ssyncset.done $0x0  }
0xb5: {  	[sflag:s31] =	ssyncadd.s32 $0xFFFFF800  }
0xb6: {  	[tilespmem:s14], [sflag:$0x1] =	stream.indirect.gather [hbm4b:s3+s13], $0x80, s2, s13, $0xb8;
	[tilespmem:$0x10800] =	vst v63  }
0xb7: {  	_ = 	snop  }
0xb8: {  	[tilespmem:s15], [sflag:$0x1] =	stream.indirect.gather [hbm4b:s3+s13], $0x80, s13, s13, $0xb8;
	[tilespmem:$0x10800] =	vst v63  }
0xb9: {  	_ =	swait.ge [sflag:s9], $0x4000  }
0xba: {  	[sflag:s9] =	ssyncset.done $0x0  }
0xbb: {  	[sflag:s9] =	ssyncadd.s32 $0xFFFFC000  }
0xbc: {  	_ =	swait.ge [sflag:s9], $0x4000  }
0xbd: {  	[sflag:s9] =	ssyncset.done $0x0  }
0xbe: {  	s0 =	rddreg [dreg:$0x3];
	[sflag:s9] =	ssyncadd.s32 $0xFFFFC000  }
0xbf: {  	[hbm4b:s0+s2] =	stream.linear.scatter [tilespmem:s14], [sflag:$0x2], $0x4000, $0x38;
	[tilespmem:$0x10800] =	vst v63  }
0xc0: {  	s16 =	rddreg [dreg:$0x4]  }
0xc1: {  	[hbm4b:s16+s2] =	stream.linear.scatter [tilespmem:s15], [sflag:$0x3], $0x4000, $0x38;
	[tilespmem:$0x10800] =	vst v63  }
0xc2: {  	s16 =	simm.s32 $0x100  }
0xc3: {  	[tilespmem:s11], [sflag:$0x1] =	stream.indirect.gather [hbm4b:s3+s13], $0x80, s16, s13, $0xb8;
	[tilespmem:$0x10800] =	vst v63  }
0xc4: {  	_ = 	snop  }
0xc5: {  	[tilespmem:s12], [sflag:$0x1] =	stream.indirect.gather [hbm4b:s3+s13], $0x80, s30, s13, $0xb8;
	[tilespmem:$0x10800] =	vst v63  }
0xc6: {  	_ =	swait.ge [sflag:s9], $0x4000  }
0xc7: {  	[sflag:s9] =	ssyncset.done $0x0  }
0xc8: {  	[sflag:s9] =	ssyncadd.s32 $0xFFFFC000  }
0xc9: {  	_ =	swait.ge [sflag:s9], $0x4000  }
0xca: {  	[sflag:s9] =	ssyncset.done $0x0  }
0xcb: {  	s0 =	rddreg [dreg:$0x5];
	[sflag:s9] =	ssyncadd.s32 $0xFFFFC000  }
0xcc: {  	[hbm4b:s0+s2] =	stream.linear.scatter [tilespmem:s11], [sflag:$0x4], $0x4000, $0x38;
	[tilespmem:$0x10800] =	vst v63  }
0xcd: {  	s16 =	rddreg [dreg:$0x6]  }
0xce: {  	[hbm4b:s16+s2] =	stream.linear.scatter [tilespmem:s12], [sflag:$0x5], $0x4000, $0x38;
	[tilespmem:$0x10800] =	vst v63  }
0xcf: {  	_ =	swait.ge [sflag:s10], $0x4000  }
0xd0: {  	[sflag:s10] =	ssyncset.done $0x0  }
0xd1: {  	[sflag:s10] =	ssyncadd.s32 $0xFFFFC000  }
0xd2: {  	_ =	swait.ge [sflag:s7], $0x4000  }
0xd3: {  	[sflag:s7] =	ssyncset.done $0x0  }
0xd4: {  	[sflag:s7] =	ssyncadd.s32 $0xFFFFC000  }
0xd5: {  	[tilespmem:s14], [sflag:$0x1] =	stream.indirect.gather [hbm4b:s3+s13], $0x80, s28, s13, $0xb8;
	[tilespmem:$0x10800] =	vst v63  }
0xd6: {  	_ = 	snop  }
0xd7: {  	[tilespmem:s15], [sflag:$0x1] =	stream.indirect.gather [hbm4b:s3+s13], $0x80, s29, s13, $0xb8;
	[tilespmem:$0x10800] =	vst v63  }
0xd8: {  	_ =	swait.ge [sflag:s9], $0x4000  }
0xd9: {  	[sflag:s9] =	ssyncset.done $0x0  }
0xda: {  	[sflag:s9] =	ssyncadd.s32 $0xFFFFC000  }
0xdb: {  	_ =	swait.ge [sflag:s9], $0x4000  }
0xdc: {  	[sflag:s9] =	ssyncset.done $0x0  }
0xdd: {  	s0 =	rddreg [dreg:$0x7];
	[sflag:s9] =	ssyncadd.s32 $0xFFFFC000  }
0xde: {  	[hbm4b:s0+s2] =	stream.linear.scatter [tilespmem:s14], [sflag:$0x2], $0x4000, $0x38;
	[tilespmem:$0x10800] =	vst v63  }
0xdf: {  	s16 =	rddreg [dreg:$0x8]  }
0xe0: {  	[hbm4b:s16+s2] =	stream.linear.scatter [tilespmem:s15], [sflag:$0x3], $0x4000, $0x38;
	[tilespmem:$0x10800] =	vst v63  }
0xe1: {  	_ =	swait.ge [sflag:s8], $0x4000  }
0xe2: {  	[sflag:s8] =	ssyncset.done $0x0  }
0xe3: {  	[sflag:s8] =	ssyncadd.s32 $0xFFFFC000  }
0xe4: {  	_ =	swait.ge [sflag:s6], $0x4000  }
0xe5: {  	[sflag:s6] =	ssyncset.done $0x0  }
0xe6: {  	[sflag:s6] =	ssyncadd.s32 $0xFFFFC000  }
0xe7: {  	[tilespmem:s11], [sflag:$0x1] =	stream.indirect.gather [hbm4b:s3+s13], $0x80, s25, s13, $0xb8;
	[tilespmem:$0x10800] =	vst v63  }
0xe8: {  	_ = 	snop  }
0xe9: {  	[tilespmem:s12], [sflag:$0x1] =	stream.indirect.gather [hbm4b:s3+s13], $0x80, s26, s13, $0xb8;
	[tilespmem:$0x10800] =	vst v63  }
0xea: {  	_ =	swait.ge [sflag:s9], $0x4000  }
0xeb: {  	[sflag:s9] =	ssyncset.done $0x0  }
0xec: {  	[sflag:s9] =	ssyncadd.s32 $0xFFFFC000  }
0xed: {  	_ =	swait.ge [sflag:s9], $0x4000  }
0xee: {  	[sflag:s9] =	ssyncset.done $0x0  }
0xef: {  	s0 =	rddreg [dreg:$0x9];
	[sflag:s9] =	ssyncadd.s32 $0xFFFFC000  }
0xf0: {  	[hbm4b:s0+s2] =	stream.linear.scatter [tilespmem:s11], [sflag:$0x4], $0x4000, $0x38;
	[tilespmem:$0x10800] =	vst v63  }
0xf1: {  	s16 =	rddreg [dreg:$0xa]  }
0xf2: {  	[hbm4b:s16+s2] =	stream.linear.scatter [tilespmem:s12], [sflag:$0x5], $0x4000, $0x38;
	[tilespmem:$0x10800] =	vst v63  }
0xf3: {  	_ =	swait.ge [sflag:s10], $0x4000  }
0xf4: {  	[sflag:s10] =	ssyncset.done $0x0  }
0xf5: {  	[sflag:s10] =	ssyncadd.s32 $0xFFFFC000  }
0xf6: {  	_ =	swait.ge [sflag:s7], $0x4000  }
0xf7: {  	[sflag:s7] =	ssyncset.done $0x0  }
0xf8: {  	[sflag:s7] =	ssyncadd.s32 $0xFFFFC000  }
0xf9: {  	[tilespmem:s14], [sflag:$0x1] =	stream.indirect.gather [hbm4b:s3+s13], $0x80, s23, s13, $0xb8;
	[tilespmem:$0x10800] =	vst v63  }
0xfa: {  	_ = 	snop  }
0xfb: {  	[tilespmem:s15], [sflag:$0x1] =	stream.indirect.gather [hbm4b:s3+s13], $0x80, s24, s13, $0xb8;
	[tilespmem:$0x10800] =	vst v63  }
0xfc: {  	_ =	swait.ge [sflag:s9], $0x4000  }
0xfd: {  	[sflag:s9] =	ssyncset.done $0x0  }
0xfe: {  	[sflag:s9] =	ssyncadd.s32 $0xFFFFC000  }
0xff: {  	_ =	swait.ge [sflag:s9], $0x4000  }
0x100: {  	[sflag:s9] =	ssyncset.done $0x0  }
0x101: {  	s0 =	rddreg [dreg:$0xb];
	[sflag:s9] =	ssyncadd.s32 $0xFFFFC000  }
0x102: {  	[hbm4b:s0+s2] =	stream.linear.scatter [tilespmem:s14], [sflag:$0x2], $0x4000, $0x38;
	[tilespmem:$0x10800] =	vst v63  }
0x103: {  	s16 =	rddreg [dreg:$0xc]  }
0x104: {  	[hbm4b:s16+s2] =	stream.linear.scatter [tilespmem:s15], [sflag:$0x3], $0x4000, $0x38;
	[tilespmem:$0x10800] =	vst v63  }
0x105: {  	_ =	swait.ge [sflag:s8], $0x4000  }
0x106: {  	[sflag:s8] =	ssyncset.done $0x0  }
0x107: {  	[sflag:s8] =	ssyncadd.s32 $0xFFFFC000  }
0x108: {  	_ =	swait.ge [sflag:s6], $0x4000  }
0x109: {  	[sflag:s6] =	ssyncset.done $0x0  }
0x10a: {  	[sflag:s6] =	ssyncadd.s32 $0xFFFFC000  }
0x10b: {  	[tilespmem:s11], [sflag:$0x1] =	stream.indirect.gather [hbm4b:s3+s13], $0x80, s21, s13, $0xb8;
	[tilespmem:$0x10800] =	vst v63  }
0x10c: {  	_ = 	snop  }
0x10d: {  	[tilespmem:s12], [sflag:$0x1] =	stream.indirect.gather [hbm4b:s3+s13], $0x80, s22, s13, $0xb8;
	[tilespmem:$0x10800] =	vst v63  }
0x10e: {  	_ =	swait.ge [sflag:s9], $0x4000  }
0x10f: {  	[sflag:s9] =	ssyncset.done $0x0  }
0x110: {  	[sflag:s9] =	ssyncadd.s32 $0xFFFFC000  }
0x111: {  	_ =	swait.ge [sflag:s9], $0x4000  }
0x112: {  	[sflag:s9] =	ssyncset.done $0x0  }
0x113: {  	s0 =	rddreg [dreg:$0xd];
	[sflag:s9] =	ssyncadd.s32 $0xFFFFC000  }
0x114: {  	[hbm4b:s0+s2] =	stream.linear.scatter [tilespmem:s11], [sflag:$0x4], $0x4000, $0x38;
	[tilespmem:$0x10800] =	vst v63  }
0x115: {  	s16 =	rddreg [dreg:$0xe]  }
0x116: {  	[hbm4b:s16+s2] =	stream.linear.scatter [tilespmem:s12], [sflag:$0x5], $0x4000, $0x38;
	[tilespmem:$0x10800] =	vst v63  }
0x117: {  	_ =	swait.ge [sflag:s10], $0x4000  }
0x118: {  	[sflag:s10] =	ssyncset.done $0x0  }
0x119: {  	[sflag:s10] =	ssyncadd.s32 $0xFFFFC000  }
0x11a: {  	_ =	swait.ge [sflag:s7], $0x4000  }
0x11b: {  	[sflag:s7] =	ssyncset.done $0x0  }
0x11c: {  	[sflag:s7] =	ssyncadd.s32 $0xFFFFC000  }
0x11d: {  	[tilespmem:s14], [sflag:$0x1] =	stream.indirect.gather [hbm4b:s3+s13], $0x80, s19, s13, $0xb8;
	[tilespmem:$0x10800] =	vst v63  }
0x11e: {  	_ = 	snop  }
0x11f: {  	[tilespmem:s15], [sflag:$0x1] =	stream.indirect.gather [hbm4b:s3+s13], $0x80, s20, s13, $0xb8;
	[tilespmem:$0x10800] =	vst v63  }
0x120: {  	_ =	swait.ge [sflag:s9], $0x4000  }
0x121: {  	[sflag:s9] =	ssyncset.done $0x0  }
0x122: {  	[sflag:s9] =	ssyncadd.s32 $0xFFFFC000  }
0x123: {  	_ =	swait.ge [sflag:s9], $0x4000  }
0x124: {  	[sflag:s9] =	ssyncset.done $0x0  }
0x125: {  	s0 =	rddreg [dreg:$0xf];
	[sflag:s9] =	ssyncadd.s32 $0xFFFFC000  }
0x126: {  	[hbm4b:s0+s2] =	stream.linear.scatter [tilespmem:s14], [sflag:$0x2], $0x4000, $0x38;
	[tilespmem:$0x10800] =	vst v63  }
0x127: {  	s16 =	rddreg [dreg:$0x10]  }
0x128: {  	[hbm4b:s16+s2] =	stream.linear.scatter [tilespmem:s15], [sflag:$0x3], $0x4000, $0x38;
	[tilespmem:$0x10800] =	vst v63  }
0x129: {  	_ =	swait.ge [sflag:s8], $0x4000  }
0x12a: {  	[sflag:s8] =	ssyncset.done $0x0  }
0x12b: {  	[sflag:s8] =	ssyncadd.s32 $0xFFFFC000  }
0x12c: {  	_ =	swait.ge [sflag:s6], $0x4000  }
0x12d: {  	[sflag:s6] =	ssyncset.done $0x0  }
0x12e: {  	[sflag:s6] =	ssyncadd.s32 $0xFFFFC000  }
0x12f: {  	[tilespmem:s11], [sflag:$0x1] =	stream.indirect.gather [hbm4b:s3+s13], $0x80, s17, s13, $0xb8;
	[tilespmem:$0x10800] =	vst v63  }
0x130: {  	_ = 	snop  }
0x131: {  	[tilespmem:s12], [sflag:$0x1] =	stream.indirect.gather [hbm4b:s3+s13], $0x80, s18, s13, $0xb8;
	[tilespmem:$0x10800] =	vst v63  }
0x132: {  	_ =	swait.ge [sflag:s9], $0x4000  }
0x133: {  	[sflag:s9] =	ssyncset.done $0x0  }
0x134: {  	[sflag:s9] =	ssyncadd.s32 $0xFFFFC000  }
0x135: {  	_ =	swait.ge [sflag:s9], $0x4000  }
0x136: {  	[sflag:s9] =	ssyncset.done $0x0  }
0x137: {  	[sflag:s9] =	ssyncadd.s32 $0xFFFFC000  }
0x138: {  	[hbm4b:s4+s2] =	stream.linear.scatter [tilespmem:s11], [sflag:$0x4], $0x4000, $0x38;
	[tilespmem:$0x10800] =	vst v63  }
0x139: {  	_ = 	snop  }
0x13a: {  	[hbm4b:s5+s2] =	stream.linear.scatter [tilespmem:s12], [sflag:$0x5], $0x4000, $0x38;
	[tilespmem:$0x10800] =	vst v63  }
0x13b: {  	_ =	swait.ge [sflag:s10], $0x4000  }
0x13c: {  	[sflag:s10] =	ssyncset.done $0x0  }
0x13d: {  	[sflag:s10] =	ssyncadd.s32 $0xFFFFC000  }
0x13e: {  	_ =	swait.ge [sflag:s7], $0x4000  }
0x13f: {  	[sflag:s7] =	ssyncset.done $0x0  }
0x140: {  	p1 =	sne.s32 s1, $0x1;
	[sflag:s7] =	ssyncadd.s32 $0xFFFFC000  }
.Ltmp2:
0x141: {  	_ =	swait.ge [sflag:s8], $0x4000;
	(pc) =	sbr.rel @p1 .LBB2_4-.Ltmp2, $4  }
0x142: {  	[sflag:s8] =	ssyncset.done $0x0  }
0x143: {  	[sflag:s8] =	ssyncadd.s32 $0xFFFFC000  }
0x144: {  	_ =	swait.ge [sflag:s6], $0x4000  }
0x145: {  	s1 =	sadd.s32 $0xFFFFFFFF, s1;
	s0 =	rddreg [dreg:$0x2];
	[sflag:s6] =	ssyncset.done $0x0  }
0x146: {  	s18 =	simm.s32 $0x180;
	s30 =	simm.s32 $0x100  }
0x147: {  	s29 =	simm.s32 $0x280;
	s28 =	simm.s32 $0x200;
	s26 =	simm.s32 $0x380  }
0x148: {  	s25 =	simm.s32 $0x300;
	s24 =	simm.s32 $0x480;
	s23 =	simm.s32 $0x400  }
0x149: {  	s22 =	simm.s32 $0x580;
	s21 =	simm.s32 $0x500;
	s20 =	simm.s32 $0x680  }
0x14a: {  	s19 =	simm.s32 $0x600;
	s17 =	simm.s32 $0x700;
	s16 =	stileid.u32  }
.LBB2_6:
0x14b: {  	[sflag:s6] =	ssyncadd.s32 @p0 $0xFFFFC000  }
0x14c: {  	[tilespmem:s2], [sflag:$0x6] =	stream.linear.gather [hbm4b:s0+s2], $0x800, $0x38;
	[tilespmem:$0x10800] =	vst v63  }
0x14d: {  	_ =	swait.ge [sflag:s31], $0x800  }
0x14e: {  	[sflag:s31] =	ssyncset.done $0x0  }
0x14f: {  	[sflag:s31] =	ssyncadd.s32 $0xFFFFF800  }
0x150: {  	[tilespmem:s14], [sflag:$0x1] =	stream.indirect.gather [hbm4b:s3+s13], $0x80, s2, s13, $0xb8;
	[tilespmem:$0x10800] =	vst v63  }
0x151: {  	_ = 	snop  }
0x152: {  	[tilespmem:s15], [sflag:$0x1] =	stream.indirect.gather [hbm4b:s3+s13], $0x80, s13, s13, $0xb8;
	[tilespmem:$0x10800] =	vst v63  }
0x153: {  	_ =	swait.ge [sflag:s9], $0x4000  }
0x154: {  	[sflag:s9] =	ssyncset.done $0x0  }
0x155: {  	[sflag:s9] =	ssyncadd.s32 $0xFFFFC000  }
0x156: {  	_ =	swait.ge [sflag:s9], $0x4000  }
0x157: {  	[sflag:s9] =	ssyncset.done $0x0  }
0x158: {  	s31 =	rddreg [dreg:$0x3];
	[sflag:s9] =	ssyncadd.s32 $0xFFFFC000  }
0x159: {  	[hbm4b:s31+s2] =	stream.linear.scatter [tilespmem:s14], [sflag:$0x2], $0x4000, $0x38;
	[tilespmem:$0x10800] =	vst v63  }
0x15a: {  	s1 =	rddreg [dreg:$0x4]  }
0x15b: {  	[hbm4b:s1+s2] =	stream.linear.scatter [tilespmem:s15], [sflag:$0x3], $0x4000, $0x38;
	[tilespmem:$0x10800] =	vst v63  }
0x15c: {  	_ = 	snop  }
0x15d: {  	[tilespmem:s11], [sflag:$0x1] =	stream.indirect.gather [hbm4b:s3+s13], $0x80, s30, s13, $0xb8;
	[tilespmem:$0x10800] =	vst v63  }
0x15e: {  	_ = 	snop  }
0x15f: {  	[tilespmem:s12], [sflag:$0x1] =	stream.indirect.gather [hbm4b:s3+s13], $0x80, s18, s13, $0xb8;
	[tilespmem:$0x10800] =	vst v63  }
0x160: {  	_ =	swait.ge [sflag:s9], $0x4000  }
0x161: {  	[sflag:s9] =	ssyncset.done $0x0  }
0x162: {  	[sflag:s9] =	ssyncadd.s32 $0xFFFFC000  }
0x163: {  	_ =	swait.ge [sflag:s9], $0x4000  }
0x164: {  	[sflag:s9] =	ssyncset.done $0x0  }
0x165: {  	s1 =	rddreg [dreg:$0x5];
	[sflag:s9] =	ssyncadd.s32 $0xFFFFC000  }
0x166: {  	[hbm4b:s1+s2] =	stream.linear.scatter [tilespmem:s11], [sflag:$0x4], $0x4000, $0x38;
	[tilespmem:$0x10800] =	vst v63  }
0x167: {  	s18 =	rddreg [dreg:$0x6]  }
0x168: {  	[hbm4b:s18+s2] =	stream.linear.scatter [tilespmem:s12], [sflag:$0x5], $0x4000, $0x38;
	[tilespmem:$0x10800] =	vst v63  }
0x169: {  	_ =	swait.ge [sflag:s10], $0x4000  }
0x16a: {  	[sflag:s10] =	ssyncset.done $0x0  }
0x16b: {  	[sflag:s10] =	ssyncadd.s32 $0xFFFFC000  }
0x16c: {  	_ =	swait.ge [sflag:s7], $0x4000  }
0x16d: {  	[sflag:s7] =	ssyncset.done $0x0  }
0x16e: {  	[sflag:s7] =	ssyncadd.s32 $0xFFFFC000  }
0x16f: {  	[tilespmem:s14], [sflag:$0x1] =	stream.indirect.gather [hbm4b:s3+s13], $0x80, s28, s13, $0xb8;
	[tilespmem:$0x10800] =	vst v63  }
0x170: {  	_ = 	snop  }
0x171: {  	[tilespmem:s15], [sflag:$0x1] =	stream.indirect.gather [hbm4b:s3+s13], $0x80, s29, s13, $0xb8;
	[tilespmem:$0x10800] =	vst v63  }
0x172: {  	_ =	swait.ge [sflag:s9], $0x4000  }
0x173: {  	[sflag:s9] =	ssyncset.done $0x0  }
0x174: {  	[sflag:s9] =	ssyncadd.s32 $0xFFFFC000  }
0x175: {  	_ =	swait.ge [sflag:s9], $0x4000  }
0x176: {  	[sflag:s9] =	ssyncset.done $0x0  }
0x177: {  	s30 =	rddreg [dreg:$0x7];
	[sflag:s9] =	ssyncadd.s32 $0xFFFFC000  }
0x178: {  	[hbm4b:s30+s2] =	stream.linear.scatter [tilespmem:s14], [sflag:$0x2], $0x4000, $0x38;
	[tilespmem:$0x10800] =	vst v63  }
0x179: {  	s31 =	rddreg [dreg:$0x8]  }
0x17a: {  	[hbm4b:s31+s2] =	stream.linear.scatter [tilespmem:s15], [sflag:$0x3], $0x4000, $0x38;
	[tilespmem:$0x10800] =	vst v63  }
0x17b: {  	_ =	swait.ge [sflag:s8], $0x4000  }
0x17c: {  	[sflag:s8] =	ssyncset.done $0x0  }
0x17d: {  	[sflag:s8] =	ssyncadd.s32 $0xFFFFC000  }
0x17e: {  	_ =	swait.ge [sflag:s6], $0x4000  }
0x17f: {  	[sflag:s6] =	ssyncset.done $0x0  }
0x180: {  	[sflag:s6] =	ssyncadd.s32 $0xFFFFC000  }
0x181: {  	[tilespmem:s11], [sflag:$0x1] =	stream.indirect.gather [hbm4b:s3+s13], $0x80, s25, s13, $0xb8;
	[tilespmem:$0x10800] =	vst v63  }
0x182: {  	_ = 	snop  }
0x183: {  	[tilespmem:s12], [sflag:$0x1] =	stream.indirect.gather [hbm4b:s3+s13], $0x80, s26, s13, $0xb8;
	[tilespmem:$0x10800] =	vst v63  }
0x184: {  	_ =	swait.ge [sflag:s9], $0x4000  }
0x185: {  	[sflag:s9] =	ssyncset.done $0x0  }
0x186: {  	[sflag:s9] =	ssyncadd.s32 $0xFFFFC000  }
0x187: {  	_ =	swait.ge [sflag:s9], $0x4000  }
0x188: {  	[sflag:s9] =	ssyncset.done $0x0  }
0x189: {  	s1 =	rddreg [dreg:$0x9];
	[sflag:s9] =	ssyncadd.s32 $0xFFFFC000  }
0x18a: {  	[hbm4b:s1+s2] =	stream.linear.scatter [tilespmem:s11], [sflag:$0x4], $0x4000, $0x38;
	[tilespmem:$0x10800] =	vst v63  }
0x18b: {  	s18 =	rddreg [dreg:$0xa]  }
0x18c: {  	[hbm4b:s18+s2] =	stream.linear.scatter [tilespmem:s12], [sflag:$0x5], $0x4000, $0x38;
	[tilespmem:$0x10800] =	vst v63  }
0x18d: {  	_ =	swait.ge [sflag:s10], $0x4000  }
0x18e: {  	[sflag:s10] =	ssyncset.done $0x0  }
0x18f: {  	[sflag:s10] =	ssyncadd.s32 $0xFFFFC000  }
0x190: {  	_ =	swait.ge [sflag:s7], $0x4000  }
0x191: {  	[sflag:s7] =	ssyncset.done $0x0  }
0x192: {  	[sflag:s7] =	ssyncadd.s32 $0xFFFFC000  }
0x193: {  	[tilespmem:s14], [sflag:$0x1] =	stream.indirect.gather [hbm4b:s3+s13], $0x80, s23, s13, $0xb8;
	[tilespmem:$0x10800] =	vst v63  }
0x194: {  	_ = 	snop  }
0x195: {  	[tilespmem:s15], [sflag:$0x1] =	stream.indirect.gather [hbm4b:s3+s13], $0x80, s24, s13, $0xb8;
	[tilespmem:$0x10800] =	vst v63  }
0x196: {  	_ =	swait.ge [sflag:s9], $0x4000  }
0x197: {  	[sflag:s9] =	ssyncset.done $0x0  }
0x198: {  	[sflag:s9] =	ssyncadd.s32 $0xFFFFC000  }
0x199: {  	_ =	swait.ge [sflag:s9], $0x4000  }
0x19a: {  	[sflag:s9] =	ssyncset.done $0x0  }
0x19b: {  	s24 =	rddreg [dreg:$0xb];
	[sflag:s9] =	ssyncadd.s32 $0xFFFFC000  }
0x19c: {  	[hbm4b:s24+s2] =	stream.linear.scatter [tilespmem:s14], [sflag:$0x2], $0x4000, $0x38;
	[tilespmem:$0x10800] =	vst v63  }
0x19d: {  	s25 =	rddreg [dreg:$0xc]  }
0x19e: {  	[hbm4b:s25+s2] =	stream.linear.scatter [tilespmem:s15], [sflag:$0x3], $0x4000, $0x38;
	[tilespmem:$0x10800] =	vst v63  }
0x19f: {  	_ =	swait.ge [sflag:s8], $0x4000  }
0x1a0: {  	[sflag:s8] =	ssyncset.done $0x0  }
0x1a1: {  	[sflag:s8] =	ssyncadd.s32 $0xFFFFC000  }
0x1a2: {  	_ =	swait.ge [sflag:s6], $0x4000  }
0x1a3: {  	[sflag:s6] =	ssyncset.done $0x0  }
0x1a4: {  	[sflag:s6] =	ssyncadd.s32 $0xFFFFC000  }
0x1a5: {  	[tilespmem:s11], [sflag:$0x1] =	stream.indirect.gather [hbm4b:s3+s13], $0x80, s21, s13, $0xb8;
	[tilespmem:$0x10800] =	vst v63  }
0x1a6: {  	_ = 	snop  }
0x1a7: {  	[tilespmem:s12], [sflag:$0x1] =	stream.indirect.gather [hbm4b:s3+s13], $0x80, s22, s13, $0xb8;
	[tilespmem:$0x10800] =	vst v63  }
0x1a8: {  	_ =	swait.ge [sflag:s9], $0x4000  }
0x1a9: {  	[sflag:s9] =	ssyncset.done $0x0  }
0x1aa: {  	[sflag:s9] =	ssyncadd.s32 $0xFFFFC000  }
0x1ab: {  	_ =	swait.ge [sflag:s9], $0x4000  }
0x1ac: {  	[sflag:s9] =	ssyncset.done $0x0  }
0x1ad: {  	s26 =	rddreg [dreg:$0xd];
	[sflag:s9] =	ssyncadd.s32 $0xFFFFC000  }
0x1ae: {  	[hbm4b:s26+s2] =	stream.linear.scatter [tilespmem:s11], [sflag:$0x4], $0x4000, $0x38;
	[tilespmem:$0x10800] =	vst v63  }
0x1af: {  	s28 =	rddreg [dreg:$0xe]  }
0x1b0: {  	[hbm4b:s28+s2] =	stream.linear.scatter [tilespmem:s12], [sflag:$0x5], $0x4000, $0x38;
	[tilespmem:$0x10800] =	vst v63  }
0x1b1: {  	_ =	swait.ge [sflag:s10], $0x4000  }
0x1b2: {  	[sflag:s10] =	ssyncset.done $0x0  }
0x1b3: {  	[sflag:s10] =	ssyncadd.s32 $0xFFFFC000  }
0x1b4: {  	_ =	swait.ge [sflag:s7], $0x4000  }
0x1b5: {  	[sflag:s7] =	ssyncset.done $0x0  }
0x1b6: {  	[sflag:s7] =	ssyncadd.s32 $0xFFFFC000  }
0x1b7: {  	[tilespmem:s14], [sflag:$0x1] =	stream.indirect.gather [hbm4b:s3+s13], $0x80, s19, s13, $0xb8;
	[tilespmem:$0x10800] =	vst v63  }
0x1b8: {  	_ = 	snop  }
0x1b9: {  	[tilespmem:s15], [sflag:$0x1] =	stream.indirect.gather [hbm4b:s3+s13], $0x80, s20, s13, $0xb8;
	[tilespmem:$0x10800] =	vst v63  }
0x1ba: {  	_ =	swait.ge [sflag:s9], $0x4000  }
0x1bb: {  	[sflag:s9] =	ssyncset.done $0x0  }
0x1bc: {  	[sflag:s9] =	ssyncadd.s32 $0xFFFFC000  }
0x1bd: {  	_ =	swait.ge [sflag:s9], $0x4000  }
0x1be: {  	[sflag:s9] =	ssyncset.done $0x0  }
0x1bf: {  	s29 =	rddreg [dreg:$0xf];
	[sflag:s9] =	ssyncadd.s32 $0xFFFFC000  }
0x1c0: {  	[hbm4b:s29+s2] =	stream.linear.scatter [tilespmem:s14], [sflag:$0x2], $0x4000, $0x38;
	[tilespmem:$0x10800] =	vst v63  }
0x1c1: {  	s30 =	rddreg [dreg:$0x10]  }
0x1c2: {  	[hbm4b:s30+s2] =	stream.linear.scatter [tilespmem:s15], [sflag:$0x3], $0x4000, $0x38;
	[tilespmem:$0x10800] =	vst v63  }
0x1c3: {  	_ =	swait.ge [sflag:s8], $0x4000  }
0x1c4: {  	[sflag:s8] =	ssyncset.done $0x0  }
0x1c5: {  	[sflag:s8] =	ssyncadd.s32 $0xFFFFC000  }
0x1c6: {  	_ =	swait.ge [sflag:s6], $0x4000  }
0x1c7: {  	[sflag:s6] =	ssyncset.done $0x0  }
0x1c8: {  	[sflag:s6] =	ssyncadd.s32 $0xFFFFC000  }
0x1c9: {  	[tilespmem:s11], [sflag:$0x1] =	stream.indirect.gather [hbm4b:s3+s13], $0x80, s17, s13, $0xb8;
	[tilespmem:$0x10800] =	vst v63  }
0x1ca: {  	s31 =	simm.s32 $0x780  }
0x1cb: {  	[tilespmem:s12], [sflag:$0x1] =	stream.indirect.gather [hbm4b:s3+s13], $0x80, s31, s13, $0xb8;
	[tilespmem:$0x10800] =	vst v63  }
0x1cc: {  	_ =	swait.ge [sflag:s9], $0x4000  }
0x1cd: {  	[sflag:s9] =	ssyncset.done $0x0  }
0x1ce: {  	[sflag:s9] =	ssyncadd.s32 $0xFFFFC000  }
0x1cf: {  	_ =	swait.ge [sflag:s9], $0x4000  }
0x1d0: {  	[sflag:s9] =	ssyncset.done $0x0  }
0x1d1: {  	[sflag:s9] =	ssyncadd.s32 $0xFFFFC000  }
0x1d2: {  	[hbm4b:s4+s2] =	stream.linear.scatter [tilespmem:s11], [sflag:$0x4], $0x4000, $0x38;
	[tilespmem:$0x10800] =	vst v63  }
0x1d3: {  	_ = 	snop  }
0x1d4: {  	[hbm4b:s5+s2] =	stream.linear.scatter [tilespmem:s12], [sflag:$0x5], $0x4000, $0x38;
	[tilespmem:$0x10800] =	vst v63  }
0x1d5: {  	_ =	swait.ge [sflag:s10], $0x4000  }
0x1d6: {  	[sflag:s10] =	ssyncset.done $0x0  }
0x1d7: {  	[sflag:s10] =	ssyncadd.s32 $0xFFFFC000  }
0x1d8: {  	_ =	swait.ge [sflag:s7], $0x4000  }
0x1d9: {  	[sflag:s7] =	ssyncset.done $0x0  }
0x1da: {  	[sflag:s7] =	ssyncadd.s32 $0xFFFFC000  }
0x1db: {  	_ =	swait.ge [sflag:s8], $0x4000  }
0x1dc: {  	[sflag:s8] =	ssyncset.done $0x0  }
0x1dd: {  	[sflag:s8] =	ssyncadd.s32 $0xFFFFC000  }
0x1de: {  	_ =	swait.ge [sflag:s6], $0x4000  }
0x1df: {  	[sflag:s6] =	ssyncset.done $0x0  }
0x1e0: {  	[sflag:s6] =	ssyncadd.s32 $0xFFFFC000  }
0x1e1: {  	_ =	sfence.sel $0x180000  }
0x1e2: {  	[bflag:$0x0] =	sbarrier.arrive $0xFFFF  }
0x1e3: {  	_ =	strace $0x90000047  }
0x1e4: {  	[bflag:$0x2] =	sbarrier.arrive $0xFFFF  }
0x1e5: {  	p0 =	sne.s32 s16, $0x0;
	s0 =	rddreg [dreg:$0x1]  }
0x1e6: {  	s0 =	sadd.s32 @!p0 $0x100000, s0  }
0x1e7: {  	[sflag:s0] =	ssyncadd.tile.s32 @!p0 $0x1;
	_ =	shalt  }
.LBB2_1:
.Ltmp3:
0x1e8: {  	s18 =	simm.s32 $0x180;
	(pc) =	sbr.rel .LBB2_6-.Ltmp3, $4  }
0x1e9: {  	s30 =	simm.s32 $0x100;
	s29 =	simm.s32 $0x280;
	s28 =	simm.s32 $0x200  }
0x1ea: {  	s26 =	simm.s32 $0x380;
	s25 =	simm.s32 $0x300;
	s24 =	simm.s32 $0x480  }
0x1eb: {  	s23 =	simm.s32 $0x400;
	s22 =	simm.s32 $0x580;
	s21 =	simm.s32 $0x500  }
0x1ec: {  	s20 =	simm.s32 $0x680;
	s19 =	simm.s32 $0x600;
	s17 =	simm.s32 $0x700  }
.LBB2_3:
.Ltmp4:
0x1ed: {  	s18 =	simm.s32 $0x180;
	s30 =	simm.s32 $0x100;
	(pc) =	sbr.rel .LBB2_6-.Ltmp4, $4  }
0x1ee: {  	s29 =	simm.s32 $0x280;
	s28 =	simm.s32 $0x200;
	s26 =	simm.s32 $0x380  }
0x1ef: {  	s25 =	simm.s32 $0x300;
	s24 =	simm.s32 $0x480;
	s23 =	simm.s32 $0x400  }
0x1f0: {  	s22 =	simm.s32 $0x580;
	s21 =	simm.s32 $0x500;
	s20 =	simm.s32 $0x680  }
0x1f1: {  	s19 =	simm.s32 $0x600;
	s17 =	simm.s32 $0x700;
	s16 =	stileid.u32  }
.Lfunc_end2:
_tile_overlayer_lowered:
.L_overlay_start_2:
0x1f2: {  	(tag) =	ssettag $0x2  }
0x1f3: {  	s0 =	rddreg [dreg:$0x0];
	s2 =	stileid.u32  }
0x1f4: {  	s1 =	rddreg [dreg:$0x1];
	p0 =	sne.s32 s2, $0x0  }
0x1f5: {  	s3 =	rddreg [dreg:$0x2];
	[bflag:$0x3] =	sbarrier.arrive $0xFFFF;
	s2 =	simm.s32 @!p0 $0x1C06  }
0x1f6: {  	[timem:s3], [sflag:s2] =	dma.local @!p0 [hbm:s0], s1  }
0x1f7: {  	s0 =	simm.s32 @!p0 $0x6  }
0x1f8: {  	_ =	swait.ge @!p0 [sflag:s0], s1  }
0x1f9: {  	s1 =	ssub.s32 @!p0 $0x0, s1;
	[sflag:s0] =	ssyncset.done @!p0 $0x0  }
0x1fa: {  	[sflag:s0] =	ssyncadd.s32 @!p0 s1  }
0x1fb: {  	[bflag:$0x3] =	sbarrier.arrive $0xFFFF  }
0x1fc: {  	_ =	shalt  }

</sc_bundles>
